<compile_context>
chip_gen: v7x
topology: tpu7x:2x2x1
jax: 0.10.2.dev20260603
libtpu: 0.0.44.dev20260713+nightly
codegen_flags: <defaults>
</compile_context>

<pallas_src>
import jax
import jax.numpy as jnp
from jax import lax
from jax.experimental import pallas as pl
from jax.experimental.pallas import tpu as pltpu
from jax.experimental.pallas import tpu_sc as plsc

BATCH = 16384
NA = 51

NC = 2
NS = 16
L = 16
NW = NC * NS

SC_ROWS = 5632
TC_ROWS = BATCH - SC_ROWS
TC_B = 1792
SC_RPW = SC_ROWS // NW
SC_GROUPS = SC_RPW // L


def _log16(s):
    bits = plsc.bitcast(s, jnp.int32)
    e = lax.shift_right_arithmetic(bits, 23) - 127
    mbits = lax.bitwise_or(lax.bitwise_and(bits, 0x7FFFFF), 0x3F800000)
    m = plsc.bitcast(mbits, jnp.float32)
    big = m >= 1.41421356
    m = jnp.where(big, m * 0.5, m)
    e = e + big.astype(jnp.int32)
    ef = e.astype(jnp.float32)
    f = m - 1.0
    z = f * f
    p = jnp.float32(7.0376836292e-2)
    p = p * f + (-1.1514610310e-1)
    p = p * f + 1.1676998740e-1
    p = p * f + (-1.2420140846e-1)
    p = p * f + 1.4249322787e-1
    p = p * f + (-1.6668057665e-1)
    p = p * f + 2.0000714765e-1
    p = p * f + (-2.4999993993e-1)
    p = p * f + 3.3333331174e-1
    y = f * z * p
    y = y + ef * (-2.12194440e-4)
    y = y - 0.5 * z
    return f + y + ef * 0.693359375


def _sc_tile_body(l_hbm, t_hbm, out_hbm, l_v, t_v, acc_v):
    wid = lax.axis_index("s") * NC + lax.axis_index("c")
    base = TC_ROWS + wid * SC_RPW
    pltpu.sync_copy(l_hbm.at[pl.ds(base, SC_RPW), :], l_v)
    pltpu.sync_copy(t_hbm.at[pl.ds(base, SC_RPW), :], t_v)

    lane = lax.iota(jnp.int32, L)

    def col(j):
        return lax.rem(lane + j, jnp.int32(NA))

    def group(g, acc):
        rows = lane + g * L
        parts = []
        for k in range(3):
            mk = None
            for j in range(k, NA, 3):
                v = plsc.load_gather(l_v, [rows, col(j)])
                mk = v if mk is None else jnp.maximum(mk, v)
            parts.append(mk)
        m = jnp.maximum(jnp.maximum(parts[0], parts[1]), parts[2])

        ssum = []
        tsum = []
        dsum = []
        for k in range(3):
            sk = None
            tk = None
            dk = None
            for j in range(k, NA, 3):
                cj = col(j)
                lv = plsc.load_gather(l_v, [rows, cj])
                tv = plsc.load_gather(t_v, [rows, cj])
                ev = jnp.exp(lv - m)
                sk = ev if sk is None else sk + ev
                tk = tv if tk is None else tk + tv
                pv = tv * lv
                dk = pv if dk is None else dk + pv
            ssum.append(sk)
            tsum.append(tk)
            dsum.append(dk)
        s = ssum[0] + ssum[1] + ssum[2]
        st = tsum[0] + tsum[1] + tsum[2]
        dot = dsum[0] + dsum[1] + dsum[2]

        lse = _log16(s) + m
        return acc + (lse * st - dot)

    acc = lax.fori_loop(0, SC_GROUPS, group, jnp.zeros((L,), jnp.float32))
    acc_v[...] = acc
    pltpu.sync_copy(acc_v, out_hbm.at[wid])


def _sc_loss(l, t):
    k = pl.kernel(
        _sc_tile_body,
        out_type=jax.ShapeDtypeStruct((NW, L), jnp.float32),
        mesh=plsc.VectorSubcoreMesh(core_axis_name="c", subcore_axis_name="s"),
        scratch_types=[
            pltpu.VMEM((SC_RPW, NA), jnp.float32),
            pltpu.VMEM((SC_RPW, NA), jnp.float32),
            pltpu.VMEM((L,), jnp.float32),
        ],
        compiler_params=pltpu.CompilerParams(needs_layout_passes=False),
    )
    return k(l, t)


def _tc_block_body(l_ref, t_ref, out_ref):
    @pl.when(pl.program_id(0) == 0)
    def _():
        out_ref[0, 0] = jnp.float32(0.0)

    l = l_ref[...]
    t = t_ref[...]
    m = jnp.max(l, axis=-1)
    s = jnp.sum(jnp.exp(l - m[:, None]), axis=-1)
    lse = jnp.log(s) + m
    st = jnp.sum(t, axis=-1)
    dot = jnp.sum(t * l, axis=-1)
    out_ref[0, 0] += jnp.sum(lse * st - dot)


def _tc_loss(l, t):
    return pl.pallas_call(
        _tc_block_body,
        grid=(TC_ROWS // TC_B,),
        in_specs=[
            pl.BlockSpec((TC_B, NA), lambda i: (i, 0)),
            pl.BlockSpec((TC_B, NA), lambda i: (i, 0)),
        ],
        out_specs=pl.BlockSpec(
            (1, 1), lambda i: (0, 0), memory_space=pltpu.SMEM
        ),
        out_shape=jax.ShapeDtypeStruct((1, 1), jnp.float32),
    )(l, t)


def kernel(current_logits, target_distribution):
    sc_part = _sc_loss(current_logits, target_distribution)
    tc_part = _tc_loss(current_logits, target_distribution)
    return (jnp.sum(sc_part) + tc_part[0, 0]) / jnp.float32(BATCH)

# --- scband reference (transcript-rebuilt; emitter-appended) ---
"""Pipeline reference for scband-critic-1425929142689 (READ-ONLY COPY).

The authoritative reference and input builder live on the scoring server;
editing this copy changes nothing except your own understanding.
"""

import jax, jax.numpy as jnp
import numpy as np


def setup_inputs(seed: int = 0) -> dict:
    key = jax.random.key(seed)
    k1, k2 = jax.random.split(key)
    batch = 16384
    num_atoms = 51
    current_logits = jax.random.normal(k1, (batch, num_atoms), dtype=jnp.float32)
    # target_distribution: a valid probability distribution per row (as produced by project_distribution)
    raw = jax.random.uniform(k2, (batch, num_atoms), dtype=jnp.float32)
    target_distribution = raw / jnp.sum(raw, axis=-1, keepdims=True)
    return {"current_logits": current_logits, "target_distribution": target_distribution}


def reference(current_logits, target_distribution):
    # C51Loss.forward: cross-entropy between projected target distribution
    # and softmax of current logits.
    current_log_probs = jax.nn.log_softmax(current_logits, axis=-1)
    loss = -jnp.sum(target_distribution * current_log_probs, axis=-1)
    return jnp.mean(loss)

if __name__ == "__main__":
    import jax
    _d = setup_inputs()
    print(jax.jit(kernel)(*tuple(_d.values())))

</pallas_src>

<mosaic_0001>
#map = affine_map<(d0, d1) -> (0, 0)>
module attributes {stable_mosaic.version = 14 : i64} {
  func.func @_sc_tile_body(%arg0: i32, %arg1: i32, %arg2: memref<16384x51xf32, #tpu.memory_space<hbm>>, %arg3: memref<16384x51xf32, #tpu.memory_space<hbm>>, %arg4: memref<32x16xf32, #tpu.memory_space<hbm>>, %arg5: memref<176x51xf32, #tpu.memory_space<vmem>>, %arg6: memref<176x51xf32, #tpu.memory_space<vmem>>, %arg7: memref<16xf32, #tpu.memory_space<vmem>>) attributes {dimension_semantics = [#tpu.dimension_semantics<core_parallel>, #tpu.dimension_semantics<subcore_parallel>], iteration_bounds = array<i64: 2, 16>, scalar_prefetch = 0 : i64, scratch_operands = 3 : i64, tpu.core_type = #tpu.core_type<sc_vector_subcore>, window_params = [{transform_indices = #map}, {transform_indices = #map}, {transform_indices = #map}]} {
    %mul3A = arith.constant 2 : i32
    %mul3A_0 = arith.muli %arg1, %mul3A : i32
    %add3A = arith.addi %mul3A_0, %arg0 : i32
    %mul3A_1 = arith.constant 176 : i32
    %mul3A_2 = arith.muli %add3A, %mul3A_1 : i32
    %add3A_3 = arith.constant 10752 : i32
    %add3A_4 = arith.addi %add3A_3, %mul3A_2 : i32
    "tpu.region"() ({
      %run_scoped3A = tpu.sem_alloc : memref<!tpu.dma_semaphore, #tpu.memory_space<semaphore_mem>>
      %dma_start3A = arith.constant 0 : i32
      %dma_start3A_12 = tpu.memref_slice %arg2[%add3A_4, %dma_start3A] : memref<16384x51xf32, #tpu.memory_space<hbm>> -> memref<176x51xf32, #tpu.memory_space<hbm>>
      %dma_start3A_13 = arith.constant 0 : i32
      %dma_start3A_14 = tpu.memref_slice %arg2[%add3A_4, %dma_start3A_13] : memref<16384x51xf32, #tpu.memory_space<hbm>> -> memref<176x51xf32, #tpu.memory_space<hbm>>
      tpu.enqueue_dma source(%dma_start3A_14 : memref<176x51xf32, #tpu.memory_space<hbm>>) target(%arg5 : memref<176x51xf32, #tpu.memory_space<vmem>>) target_semaphore(%run_scoped3A : memref<!tpu.dma_semaphore, #tpu.memory_space<semaphore_mem>>)
      %dma_wait3A = arith.constant 0 : i32
      %dma_wait3A_15 = tpu.memref_slice %arg2[%add3A_4, %dma_wait3A] : memref<16384x51xf32, #tpu.memory_space<hbm>> -> memref<176x51xf32, #tpu.memory_space<hbm>>
      %dma_wait3A_16 = arith.constant 0 : i32
      %dma_wait3A_17 = tpu.memref_slice %arg2[%add3A_4, %dma_wait3A_16] : memref<16384x51xf32, #tpu.memory_space<hbm>> -> memref<176x51xf32, #tpu.memory_space<hbm>>
      tpu.wait_dma2 semaphore(%run_scoped3A : memref<!tpu.dma_semaphore, #tpu.memory_space<semaphore_mem>>) src(%dma_wait3A_17 : memref<176x51xf32, #tpu.memory_space<hbm>>) dst(%arg5 : memref<176x51xf32, #tpu.memory_space<vmem>>)
      tpu.yield
    }) : () -> ()
    "tpu.region"() ({
      %run_scoped3A = tpu.sem_alloc : memref<!tpu.dma_semaphore, #tpu.memory_space<semaphore_mem>>
      %dma_start3A = arith.constant 0 : i32
      %dma_start3A_12 = tpu.memref_slice %arg3[%add3A_4, %dma_start3A] : memref<16384x51xf32, #tpu.memory_space<hbm>> -> memref<176x51xf32, #tpu.memory_space<hbm>>
      %dma_start3A_13 = arith.constant 0 : i32
      %dma_start3A_14 = tpu.memref_slice %arg3[%add3A_4, %dma_start3A_13] : memref<16384x51xf32, #tpu.memory_space<hbm>> -> memref<176x51xf32, #tpu.memory_space<hbm>>
      tpu.enqueue_dma source(%dma_start3A_14 : memref<176x51xf32, #tpu.memory_space<hbm>>) target(%arg6 : memref<176x51xf32, #tpu.memory_space<vmem>>) target_semaphore(%run_scoped3A : memref<!tpu.dma_semaphore, #tpu.memory_space<semaphore_mem>>)
      %dma_wait3A = arith.constant 0 : i32
      %dma_wait3A_15 = tpu.memref_slice %arg3[%add3A_4, %dma_wait3A] : memref<16384x51xf32, #tpu.memory_space<hbm>> -> memref<176x51xf32, #tpu.memory_space<hbm>>
      %dma_wait3A_16 = arith.constant 0 : i32
      %dma_wait3A_17 = tpu.memref_slice %arg3[%add3A_4, %dma_wait3A_16] : memref<16384x51xf32, #tpu.memory_space<hbm>> -> memref<176x51xf32, #tpu.memory_space<hbm>>
      tpu.wait_dma2 semaphore(%run_scoped3A : memref<!tpu.dma_semaphore, #tpu.memory_space<semaphore_mem>>) src(%dma_wait3A_17 : memref<176x51xf32, #tpu.memory_space<hbm>>) dst(%arg6 : memref<176x51xf32, #tpu.memory_space<vmem>>)
      tpu.yield
    }) : () -> ()
    %iota3A = tpu.iota {dimensions = array<i32: 0>} : vector<16xi32>
    %broadcast_in_dim3A = arith.constant 0.000000e+00 : f32
    %broadcast_in_dim3A_5 = vector.broadcast %broadcast_in_dim3A : f32 to vector<16xf32>
    %scan3A = arith.constant 0 : i32
    %scan3A_6 = arith.constant 11 : i32
    %scan3A_7 = arith.addi %scan3A, %scan3A_6 : i32
    %scan3A_8 = arith.constant 1 : i32
    %scan3A_9 = scf.for %scan3A_12 = %scan3A to %scan3A_7 step %scan3A_8 iter_args(%scan3A_13 = %broadcast_in_dim3A_5) -> (vector<16xf32>)  : i32 {
      %mul3A_14 = arith.constant 16 : i32
      %mul3A_15 = arith.muli %scan3A_12, %mul3A_14 : i32
      %add3A_16 = vector.broadcast %mul3A_15 : i32 to vector<16xi32>
      %add3A_17 = arith.addi %iota3A, %add3A_16 : vector<16xi32>
      %add3A_18 = arith.constant 0 : i32
      %add3A_19 = vector.broadcast %add3A_18 : i32 to vector<16xi32>
      %add3A_20 = arith.addi %iota3A, %add3A_19 : vector<16xi32>
      %rem3A = arith.constant 51 : i32
      %rem3A_21 = vector.broadcast %rem3A : i32 to vector<16xi32>
      %rem3A_22 = arith.remsi %add3A_20, %rem3A_21 : vector<16xi32>
      %gather3A = tpu.vector_load_idx %arg5[%add3A_17, %rem3A_22] : memref<176x51xf32, #tpu.memory_space<vmem>>[vector<16xi32>, vector<16xi32>], vector<16xf32>,
      %add3A_23 = arith.constant 3 : i32
      %add3A_24 = vector.broadcast %add3A_23 : i32 to vector<16xi32>
      %add3A_25 = arith.addi %iota3A, %add3A_24 : vector<16xi32>
      %rem3A_26 = arith.constant 51 : i32
      %rem3A_27 = vector.broadcast %rem3A_26 : i32 to vector<16xi32>
      %rem3A_28 = arith.remsi %add3A_25, %rem3A_27 : vector<16xi32>
      %gather3A_29 = tpu.vector_load_idx %arg5[%add3A_17, %rem3A_28] : memref<176x51xf32, #tpu.memory_space<vmem>>[vector<16xi32>, vector<16xi32>], vector<16xf32>,
      %max3A = arith.maximumf %gather3A, %gather3A_29 : vector<16xf32>
      %add3A_30 = arith.constant 6 : i32
      %add3A_31 = vector.broadcast %add3A_30 : i32 to vector<16xi32>
      %add3A_32 = arith.addi %iota3A, %add3A_31 : vector<16xi32>
      %rem3A_33 = arith.constant 51 : i32
      %rem3A_34 = vector.broadcast %rem3A_33 : i32 to vector<16xi32>
      %rem3A_35 = arith.remsi %add3A_32, %rem3A_34 : vector<16xi32>
      %gather3A_36 = tpu.vector_load_idx %arg5[%add3A_17, %rem3A_35] : memref<176x51xf32, #tpu.memory_space<vmem>>[vector<16xi32>, vector<16xi32>], vector<16xf32>,
      %max3A_37 = arith.maximumf %max3A, %gather3A_36 : vector<16xf32>
      %add3A_38 = arith.constant 9 : i32
      %add3A_39 = vector.broadcast %add3A_38 : i32 to vector<16xi32>
      %add3A_40 = arith.addi %iota3A, %add3A_39 : vector<16xi32>
      %rem3A_41 = arith.constant 51 : i32
      %rem3A_42 = vector.broadcast %rem3A_41 : i32 to vector<16xi32>
      %rem3A_43 = arith.remsi %add3A_40, %rem3A_42 : vector<16xi32>
      %gather3A_44 = tpu.vector_load_idx %arg5[%add3A_17, %rem3A_43] : memref<176x51xf32, #tpu.memory_space<vmem>>[vector<16xi32>, vector<16xi32>], vector<16xf32>,
      %max3A_45 = arith.maximumf %max3A_37, %gather3A_44 : vector<16xf32>
      %add3A_46 = arith.constant 12 : i32
      %add3A_47 = vector.broadcast %add3A_46 : i32 to vector<16xi32>
      %add3A_48 = arith.addi %iota3A, %add3A_47 : vector<16xi32>
      %rem3A_49 = arith.constant 51 : i32
      %rem3A_50 = vector.broadcast %rem3A_49 : i32 to vector<16xi32>
      %rem3A_51 = arith.remsi %add3A_48, %rem3A_50 : vector<16xi32>
      %gather3A_52 = tpu.vector_load_idx %arg5[%add3A_17, %rem3A_51] : memref<176x51xf32, #tpu.memory_space<vmem>>[vector<16xi32>, vector<16xi32>], vector<16xf32>,
      %max3A_53 = arith.maximumf %max3A_45, %gather3A_52 : vector<16xf32>
      %add3A_54 = arith.constant 15 : i32
      %add3A_55 = vector.broadcast %add3A_54 : i32 to vector<16xi32>
      %add3A_56 = arith.addi %iota3A, %add3A_55 : vector<16xi32>
      %rem3A_57 = arith.constant 51 : i32
      %rem3A_58 = vector.broadcast %rem3A_57 : i32 to vector<16xi32>
      %rem3A_59 = arith.remsi %add3A_56, %rem3A_58 : vector<16xi32>
      %gather3A_60 = tpu.vector_load_idx %arg5[%add3A_17, %rem3A_59] : memref<176x51xf32, #tpu.memory_space<vmem>>[vector<16xi32>, vector<16xi32>], vector<16xf32>,
      %max3A_61 = arith.maximumf %max3A_53, %gather3A_60 : vector<16xf32>
      %add3A_62 = arith.constant 18 : i32
      %add3A_63 = vector.broadcast %add3A_62 : i32 to vector<16xi32>
      %add3A_64 = arith.addi %iota3A, %add3A_63 : vector<16xi32>
      %rem3A_65 = arith.constant 51 : i32
      %rem3A_66 = vector.broadcast %rem3A_65 : i32 to vector<16xi32>
      %rem3A_67 = arith.remsi %add3A_64, %rem3A_66 : vector<16xi32>
      %gather3A_68 = tpu.vector_load_idx %arg5[%add3A_17, %rem3A_67] : memref<176x51xf32, #tpu.memory_space<vmem>>[vector<16xi32>, vector<16xi32>], vector<16xf32>,
      %max3A_69 = arith.maximumf %max3A_61, %gather3A_68 : vector<16xf32>
      %add3A_70 = arith.constant 21 : i32
      %add3A_71 = vector.broadcast %add3A_70 : i32 to vector<16xi32>
      %add3A_72 = arith.addi %iota3A, %add3A_71 : vector<16xi32>
      %rem3A_73 = arith.constant 51 : i32
      %rem3A_74 = vector.broadcast %rem3A_73 : i32 to vector<16xi32>
      %rem3A_75 = arith.remsi %add3A_72, %rem3A_74 : vector<16xi32>
      %gather3A_76 = tpu.vector_load_idx %arg5[%add3A_17, %rem3A_75] : memref<176x51xf32, #tpu.memory_space<vmem>>[vector<16xi32>, vector<16xi32>], vector<16xf32>,
      %max3A_77 = arith.maximumf %max3A_69, %gather3A_76 : vector<16xf32>
      %add3A_78 = arith.constant 24 : i32
      %add3A_79 = vector.broadcast %add3A_78 : i32 to vector<16xi32>
      %add3A_80 = arith.addi %iota3A, %add3A_79 : vector<16xi32>
      %rem3A_81 = arith.constant 51 : i32
      %rem3A_82 = vector.broadcast %rem3A_81 : i32 to vector<16xi32>
      %rem3A_83 = arith.remsi %add3A_80, %rem3A_82 : vector<16xi32>
      %gather3A_84 = tpu.vector_load_idx %arg5[%add3A_17, %rem3A_83] : memref<176x51xf32, #tpu.memory_space<vmem>>[vector<16xi32>, vector<16xi32>], vector<16xf32>,
      %max3A_85 = arith.maximumf %max3A_77, %gather3A_84 : vector<16xf32>
      %add3A_86 = arith.constant 27 : i32
      %add3A_87 = vector.broadcast %add3A_86 : i32 to vector<16xi32>
      %add3A_88 = arith.addi %iota3A, %add3A_87 : vector<16xi32>
      %rem3A_89 = arith.constant 51 : i32
      %rem3A_90 = vector.broadcast %rem3A_89 : i32 to vector<16xi32>
      %rem3A_91 = arith.remsi %add3A_88, %rem3A_90 : vector<16xi32>
      %gather3A_92 = tpu.vector_load_idx %arg5[%add3A_17, %rem3A_91] : memref<176x51xf32, #tpu.memory_space<vmem>>[vector<16xi32>, vector<16xi32>], vector<16xf32>,
      %max3A_93 = arith.maximumf %max3A_85, %gather3A_92 : vector<16xf32>
      %add3A_94 = arith.constant 30 : i32
      %add3A_95 = vector.broadcast %add3A_94 : i32 to vector<16xi32>
      %add3A_96 = arith.addi %iota3A, %add3A_95 : vector<16xi32>
      %rem3A_97 = arith.constant 51 : i32
      %rem3A_98 = vector.broadcast %rem3A_97 : i32 to vector<16xi32>
      %rem3A_99 = arith.remsi %add3A_96, %rem3A_98 : vector<16xi32>
      %gather3A_100 = tpu.vector_load_idx %arg5[%add3A_17, %rem3A_99] : memref<176x51xf32, #tpu.memory_space<vmem>>[vector<16xi32>, vector<16xi32>], vector<16xf32>,
      %max3A_101 = arith.maximumf %max3A_93, %gather3A_100 : vector<16xf32>
      %add3A_102 = arith.constant 33 : i32
      %add3A_103 = vector.broadcast %add3A_102 : i32 to vector<16xi32>
      %add3A_104 = arith.addi %iota3A, %add3A_103 : vector<16xi32>
      %rem3A_105 = arith.constant 51 : i32
      %rem3A_106 = vector.broadcast %rem3A_105 : i32 to vector<16xi32>
      %rem3A_107 = arith.remsi %add3A_104, %rem3A_106 : vector<16xi32>
      %gather3A_108 = tpu.vector_load_idx %arg5[%add3A_17, %rem3A_107] : memref<176x51xf32, #tpu.memory_space<vmem>>[vector<16xi32>, vector<16xi32>], vector<16xf32>,
      %max3A_109 = arith.maximumf %max3A_101, %gather3A_108 : vector<16xf32>
      %add3A_110 = arith.constant 36 : i32
      %add3A_111 = vector.broadcast %add3A_110 : i32 to vector<16xi32>
      %add3A_112 = arith.addi %iota3A, %add3A_111 : vector<16xi32>
      %rem3A_113 = arith.constant 51 : i32
      %rem3A_114 = vector.broadcast %rem3A_113 : i32 to vector<16xi32>
      %rem3A_115 = arith.remsi %add3A_112, %rem3A_114 : vector<16xi32>
      %gather3A_116 = tpu.vector_load_idx %arg5[%add3A_17, %rem3A_115] : memref<176x51xf32, #tpu.memory_space<vmem>>[vector<16xi32>, vector<16xi32>], vector<16xf32>,
      %max3A_117 = arith.maximumf %max3A_109, %gather3A_116 : vector<16xf32>
      %add3A_118 = arith.constant 39 : i32
      %add3A_119 = vector.broadcast %add3A_118 : i32 to vector<16xi32>
      %add3A_120 = arith.addi %iota3A, %add3A_119 : vector<16xi32>
      %rem3A_121 = arith.constant 51 : i32
      %rem3A_122 = vector.broadcast %rem3A_121 : i32 to vector<16xi32>
      %rem3A_123 = arith.remsi %add3A_120, %rem3A_122 : vector<16xi32>
      %gather3A_124 = tpu.vector_load_idx %arg5[%add3A_17, %rem3A_123] : memref<176x51xf32, #tpu.memory_space<vmem>>[vector<16xi32>, vector<16xi32>], vector<16xf32>,
      %max3A_125 = arith.maximumf %max3A_117, %gather3A_124 : vector<16xf32>
      %add3A_126 = arith.constant 42 : i32
      %add3A_127 = vector.broadcast %add3A_126 : i32 to vector<16xi32>
      %add3A_128 = arith.addi %iota3A, %add3A_127 : vector<16xi32>
      %rem3A_129 = arith.constant 51 : i32
      %rem3A_130 = vector.broadcast %rem3A_129 : i32 to vector<16xi32>
      %rem3A_131 = arith.remsi %add3A_128, %rem3A_130 : vector<16xi32>
      %gather3A_132 = tpu.vector_load_idx %arg5[%add3A_17, %rem3A_131] : memref<176x51xf32, #tpu.memory_space<vmem>>[vector<16xi32>, vector<16xi32>], vector<16xf32>,
      %max3A_133 = arith.maximumf %max3A_125, %gather3A_132 : vector<16xf32>
      %add3A_134 = arith.constant 45 : i32
      %add3A_135 = vector.broadcast %add3A_134 : i32 to vector<16xi32>
      %add3A_136 = arith.addi %iota3A, %add3A_135 : vector<16xi32>
      %rem3A_137 = arith.constant 51 : i32
      %rem3A_138 = vector.broadcast %rem3A_137 : i32 to vector<16xi32>
      %rem3A_139 = arith.remsi %add3A_136, %rem3A_138 : vector<16xi32>
      %gather3A_140 = tpu.vector_load_idx %arg5[%add3A_17, %rem3A_139] : memref<176x51xf32, #tpu.memory_space<vmem>>[vector<16xi32>, vector<16xi32>], vector<16xf32>,
      %max3A_141 = arith.maximumf %max3A_133, %gather3A_140 : vector<16xf32>
      %add3A_142 = arith.constant 48 : i32
      %add3A_143 = vector.broadcast %add3A_142 : i32 to vector<16xi32>
      %add3A_144 = arith.addi %iota3A, %add3A_143 : vector<16xi32>
      %rem3A_145 = arith.constant 51 : i32
      %rem3A_146 = vector.broadcast %rem3A_145 : i32 to vector<16xi32>
      %rem3A_147 = arith.remsi %add3A_144, %rem3A_146 : vector<16xi32>
      %gather3A_148 = tpu.vector_load_idx %arg5[%add3A_17, %rem3A_147] : memref<176x51xf32, #tpu.memory_space<vmem>>[vector<16xi32>, vector<16xi32>], vector<16xf32>,
      %max3A_149 = arith.maximumf %max3A_141, %gather3A_148 : vector<16xf32>
      %add3A_150 = arith.constant 1 : i32
      %add3A_151 = vector.broadcast %add3A_150 : i32 to vector<16xi32>
      %add3A_152 = arith.addi %iota3A, %add3A_151 : vector<16xi32>
      %rem3A_153 = arith.constant 51 : i32
      %rem3A_154 = vector.broadcast %rem3A_153 : i32 to vector<16xi32>
      %rem3A_155 = arith.remsi %add3A_152, %rem3A_154 : vector<16xi32>
      %gather3A_156 = tpu.vector_load_idx %arg5[%add3A_17, %rem3A_155] : memref<176x51xf32, #tpu.memory_space<vmem>>[vector<16xi32>, vector<16xi32>], vector<16xf32>,
      %add3A_157 = arith.constant 4 : i32
      %add3A_158 = vector.broadcast %add3A_157 : i32 to vector<16xi32>
      %add3A_159 = arith.addi %iota3A, %add3A_158 : vector<16xi32>
      %rem3A_160 = arith.constant 51 : i32
      %rem3A_161 = vector.broadcast %rem3A_160 : i32 to vector<16xi32>
      %rem3A_162 = arith.remsi %add3A_159, %rem3A_161 : vector<16xi32>
      %gather3A_163 = tpu.vector_load_idx %arg5[%add3A_17, %rem3A_162] : memref<176x51xf32, #tpu.memory_space<vmem>>[vector<16xi32>, vector<16xi32>], vector<16xf32>,
      %max3A_164 = arith.maximumf %gather3A_156, %gather3A_163 : vector<16xf32>
      %add3A_165 = arith.constant 7 : i32
      %add3A_166 = vector.broadcast %add3A_165 : i32 to vector<16xi32>
      %add3A_167 = arith.addi %iota3A, %add3A_166 : vector<16xi32>
      %rem3A_168 = arith.constant 51 : i32
      %rem3A_169 = vector.broadcast %rem3A_168 : i32 to vector<16xi32>
      %rem3A_170 = arith.remsi %add3A_167, %rem3A_169 : vector<16xi32>
      %gather3A_171 = tpu.vector_load_idx %arg5[%add3A_17, %rem3A_170] : memref<176x51xf32, #tpu.memory_space<vmem>>[vector<16xi32>, vector<16xi32>], vector<16xf32>,
      %max3A_172 = arith.maximumf %max3A_164, %gather3A_171 : vector<16xf32>
      %add3A_173 = arith.constant 10 : i32
      %add3A_174 = vector.broadcast %add3A_173 : i32 to vector<16xi32>
      %add3A_175 = arith.addi %iota3A, %add3A_174 : vector<16xi32>
      %rem3A_176 = arith.constant 51 : i32
      %rem3A_177 = vector.broadcast %rem3A_176 : i32 to vector<16xi32>
      %rem3A_178 = arith.remsi %add3A_175, %rem3A_177 : vector<16xi32>
      %gather3A_179 = tpu.vector_load_idx %arg5[%add3A_17, %rem3A_178] : memref<176x51xf32, #tpu.memory_space<vmem>>[vector<16xi32>, vector<16xi32>], vector<16xf32>,
      %max3A_180 = arith.maximumf %max3A_172, %gather3A_179 : vector<16xf32>
      %add3A_181 = arith.constant 13 : i32
      %add3A_182 = vector.broadcast %add3A_181 : i32 to vector<16xi32>
      %add3A_183 = arith.addi %iota3A, %add3A_182 : vector<16xi32>
      %rem3A_184 = arith.constant 51 : i32
      %rem3A_185 = vector.broadcast %rem3A_184 : i32 to vector<16xi32>
      %rem3A_186 = arith.remsi %add3A_183, %rem3A_185 : vector<16xi32>
      %gather3A_187 = tpu.vector_load_idx %arg5[%add3A_17, %rem3A_186] : memref<176x51xf32, #tpu.memory_space<vmem>>[vector<16xi32>, vector<16xi32>], vector<16xf32>,
      %max3A_188 = arith.maximumf %max3A_180, %gather3A_187 : vector<16xf32>
      %add3A_189 = arith.constant 16 : i32
      %add3A_190 = vector.broadcast %add3A_189 : i32 to vector<16xi32>
      %add3A_191 = arith.addi %iota3A, %add3A_190 : vector<16xi32>
      %rem3A_192 = arith.constant 51 : i32
      %rem3A_193 = vector.broadcast %rem3A_192 : i32 to vector<16xi32>
      %rem3A_194 = arith.remsi %add3A_191, %rem3A_193 : vector<16xi32>
      %gather3A_195 = tpu.vector_load_idx %arg5[%add3A_17, %rem3A_194] : memref<176x51xf32, #tpu.memory_space<vmem>>[vector<16xi32>, vector<16xi32>], vector<16xf32>,
      %max3A_196 = arith.maximumf %max3A_188, %gather3A_195 : vector<16xf32>
      %add3A_197 = arith.constant 19 : i32
      %add3A_198 = vector.broadcast %add3A_197 : i32 to vector<16xi32>
      %add3A_199 = arith.addi %iota3A, %add3A_198 : vector<16xi32>
      %rem3A_200 = arith.constant 51 : i32
      %rem3A_201 = vector.broadcast %rem3A_200 : i32 to vector<16xi32>
      %rem3A_202 = arith.remsi %add3A_199, %rem3A_201 : vector<16xi32>
      %gather3A_203 = tpu.vector_load_idx %arg5[%add3A_17, %rem3A_202] : memref<176x51xf32, #tpu.memory_space<vmem>>[vector<16xi32>, vector<16xi32>], vector<16xf32>,
      %max3A_204 = arith.maximumf %max3A_196, %gather3A_203 : vector<16xf32>
      %add3A_205 = arith.constant 22 : i32
      %add3A_206 = vector.broadcast %add3A_205 : i32 to vector<16xi32>
      %add3A_207 = arith.addi %iota3A, %add3A_206 : vector<16xi32>
      %rem3A_208 = arith.constant 51 : i32
      %rem3A_209 = vector.broadcast %rem3A_208 : i32 to vector<16xi32>
      %rem3A_210 = arith.remsi %add3A_207, %rem3A_209 : vector<16xi32>
      %gather3A_211 = tpu.vector_load_idx %arg5[%add3A_17, %rem3A_210] : memref<176x51xf32, #tpu.memory_space<vmem>>[vector<16xi32>, vector<16xi32>], vector<16xf32>,
      %max3A_212 = arith.maximumf %max3A_204, %gather3A_211 : vector<16xf32>
      %add3A_213 = arith.constant 25 : i32
      %add3A_214 = vector.broadcast %add3A_213 : i32 to vector<16xi32>
      %add3A_215 = arith.addi %iota3A, %add3A_214 : vector<16xi32>
      %rem3A_216 = arith.constant 51 : i32
      %rem3A_217 = vector.broadcast %rem3A_216 : i32 to vector<16xi32>
      %rem3A_218 = arith.remsi %add3A_215, %rem3A_217 : vector<16xi32>
      %gather3A_219 = tpu.vector_load_idx %arg5[%add3A_17, %rem3A_218] : memref<176x51xf32, #tpu.memory_space<vmem>>[vector<16xi32>, vector<16xi32>], vector<16xf32>,
      %max3A_220 = arith.maximumf %max3A_212, %gather3A_219 : vector<16xf32>
      %add3A_221 = arith.constant 28 : i32
      %add3A_222 = vector.broadcast %add3A_221 : i32 to vector<16xi32>
      %add3A_223 = arith.addi %iota3A, %add3A_222 : vector<16xi32>
      %rem3A_224 = arith.constant 51 : i32
      %rem3A_225 = vector.broadcast %rem3A_224 : i32 to vector<16xi32>
      %rem3A_226 = arith.remsi %add3A_223, %rem3A_225 : vector<16xi32>
      %gather3A_227 = tpu.vector_load_idx %arg5[%add3A_17, %rem3A_226] : memref<176x51xf32, #tpu.memory_space<vmem>>[vector<16xi32>, vector<16xi32>], vector<16xf32>,
      %max3A_228 = arith.maximumf %max3A_220, %gather3A_227 : vector<16xf32>
      %add3A_229 = arith.constant 31 : i32
      %add3A_230 = vector.broadcast %add3A_229 : i32 to vector<16xi32>
      %add3A_231 = arith.addi %iota3A, %add3A_230 : vector<16xi32>
      %rem3A_232 = arith.constant 51 : i32
      %rem3A_233 = vector.broadcast %rem3A_232 : i32 to vector<16xi32>
      %rem3A_234 = arith.remsi %add3A_231, %rem3A_233 : vector<16xi32>
      %gather3A_235 = tpu.vector_load_idx %arg5[%add3A_17, %rem3A_234] : memref<176x51xf32, #tpu.memory_space<vmem>>[vector<16xi32>, vector<16xi32>], vector<16xf32>,
      %max3A_236 = arith.maximumf %max3A_228, %gather3A_235 : vector<16xf32>
      %add3A_237 = arith.constant 34 : i32
      %add3A_238 = vector.broadcast %add3A_237 : i32 to vector<16xi32>
      %add3A_239 = arith.addi %iota3A, %add3A_238 : vector<16xi32>
      %rem3A_240 = arith.constant 51 : i32
      %rem3A_241 = vector.broadcast %rem3A_240 : i32 to vector<16xi32>
      %rem3A_242 = arith.remsi %add3A_239, %rem3A_241 : vector<16xi32>
      %gather3A_243 = tpu.vector_load_idx %arg5[%add3A_17, %rem3A_242] : memref<176x51xf32, #tpu.memory_space<vmem>>[vector<16xi32>, vector<16xi32>], vector<16xf32>,
      %max3A_244 = arith.maximumf %max3A_236, %gather3A_243 : vector<16xf32>
      %add3A_245 = arith.constant 37 : i32
      %add3A_246 = vector.broadcast %add3A_245 : i32 to vector<16xi32>
      %add3A_247 = arith.addi %iota3A, %add3A_246 : vector<16xi32>
      %rem3A_248 = arith.constant 51 : i32
      %rem3A_249 = vector.broadcast %rem3A_248 : i32 to vector<16xi32>
      %rem3A_250 = arith.remsi %add3A_247, %rem3A_249 : vector<16xi32>
      %gather3A_251 = tpu.vector_load_idx %arg5[%add3A_17, %rem3A_250] : memref<176x51xf32, #tpu.memory_space<vmem>>[vector<16xi32>, vector<16xi32>], vector<16xf32>,
      %max3A_252 = arith.maximumf %max3A_244, %gather3A_251 : vector<16xf32>
      %add3A_253 = arith.constant 40 : i32
      %add3A_254 = vector.broadcast %add3A_253 : i32 to vector<16xi32>
      %add3A_255 = arith.addi %iota3A, %add3A_254 : vector<16xi32>
      %rem3A_256 = arith.constant 51 : i32
      %rem3A_257 = vector.broadcast %rem3A_256 : i32 to vector<16xi32>
      %rem3A_258 = arith.remsi %add3A_255, %rem3A_257 : vector<16xi32>
      %gather3A_259 = tpu.vector_load_idx %arg5[%add3A_17, %rem3A_258] : memref<176x51xf32, #tpu.memory_space<vmem>>[vector<16xi32>, vector<16xi32>], vector<16xf32>,
      %max3A_260 = arith.maximumf %max3A_252, %gather3A_259 : vector<16xf32>
      %add3A_261 = arith.constant 43 : i32
      %add3A_262 = vector.broadcast %add3A_261 : i32 to vector<16xi32>
      %add3A_263 = arith.addi %iota3A, %add3A_262 : vector<16xi32>
      %rem3A_264 = arith.constant 51 : i32
      %rem3A_265 = vector.broadcast %rem3A_264 : i32 to vector<16xi32>
      %rem3A_266 = arith.remsi %add3A_263, %rem3A_265 : vector<16xi32>
      %gather3A_267 = tpu.vector_load_idx %arg5[%add3A_17, %rem3A_266] : memref<176x51xf32, #tpu.memory_space<vmem>>[vector<16xi32>, vector<16xi32>], vector<16xf32>,
      %max3A_268 = arith.maximumf %max3A_260, %gather3A_267 : vector<16xf32>
      %add3A_269 = arith.constant 46 : i32
      %add3A_270 = vector.broadcast %add3A_269 : i32 to vector<16xi32>
      %add3A_271 = arith.addi %iota3A, %add3A_270 : vector<16xi32>
      %rem3A_272 = arith.constant 51 : i32
      %rem3A_273 = vector.broadcast %rem3A_272 : i32 to vector<16xi32>
      %rem3A_274 = arith.remsi %add3A_271, %rem3A_273 : vector<16xi32>
      %gather3A_275 = tpu.vector_load_idx %arg5[%add3A_17, %rem3A_274] : memref<176x51xf32, #tpu.memory_space<vmem>>[vector<16xi32>, vector<16xi32>], vector<16xf32>,
      %max3A_276 = arith.maximumf %max3A_268, %gather3A_275 : vector<16xf32>
      %add3A_277 = arith.constant 49 : i32
      %add3A_278 = vector.broadcast %add3A_277 : i32 to vector<16xi32>
      %add3A_279 = arith.addi %iota3A, %add3A_278 : vector<16xi32>
      %rem3A_280 = arith.constant 51 : i32
      %rem3A_281 = vector.broadcast %rem3A_280 : i32 to vector<16xi32>
      %rem3A_282 = arith.remsi %add3A_279, %rem3A_281 : vector<16xi32>
      %gather3A_283 = tpu.vector_load_idx %arg5[%add3A_17, %rem3A_282] : memref<176x51xf32, #tpu.memory_space<vmem>>[vector<16xi32>, vector<16xi32>], vector<16xf32>,
      %max3A_284 = arith.maximumf %max3A_276, %gather3A_283 : vector<16xf32>
      %add3A_285 = arith.constant 2 : i32
      %add3A_286 = vector.broadcast %add3A_285 : i32 to vector<16xi32>
      %add3A_287 = arith.addi %iota3A, %add3A_286 : vector<16xi32>
      %rem3A_288 = arith.constant 51 : i32
      %rem3A_289 = vector.broadcast %rem3A_288 : i32 to vector<16xi32>
      %rem3A_290 = arith.remsi %add3A_287, %rem3A_289 : vector<16xi32>
      %gather3A_291 = tpu.vector_load_idx %arg5[%add3A_17, %rem3A_290] : memref<176x51xf32, #tpu.memory_space<vmem>>[vector<16xi32>, vector<16xi32>], vector<16xf32>,
      %add3A_292 = arith.constant 5 : i32
      %add3A_293 = vector.broadcast %add3A_292 : i32 to vector<16xi32>
      %add3A_294 = arith.addi %iota3A, %add3A_293 : vector<16xi32>
      %rem3A_295 = arith.constant 51 : i32
      %rem3A_296 = vector.broadcast %rem3A_295 : i32 to vector<16xi32>
      %rem3A_297 = arith.remsi %add3A_294, %rem3A_296 : vector<16xi32>
      %gather3A_298 = tpu.vector_load_idx %arg5[%add3A_17, %rem3A_297] : memref<176x51xf32, #tpu.memory_space<vmem>>[vector<16xi32>, vector<16xi32>], vector<16xf32>,
      %max3A_299 = arith.maximumf %gather3A_291, %gather3A_298 : vector<16xf32>
      %add3A_300 = arith.constant 8 : i32
      %add3A_301 = vector.broadcast %add3A_300 : i32 to vector<16xi32>
      %add3A_302 = arith.addi %iota3A, %add3A_301 : vector<16xi32>
      %rem3A_303 = arith.constant 51 : i32
      %rem3A_304 = vector.broadcast %rem3A_303 : i32 to vector<16xi32>
      %rem3A_305 = arith.remsi %add3A_302, %rem3A_304 : vector<16xi32>
      %gather3A_306 = tpu.vector_load_idx %arg5[%add3A_17, %rem3A_305] : memref<176x51xf32, #tpu.memory_space<vmem>>[vector<16xi32>, vector<16xi32>], vector<16xf32>,
      %max3A_307 = arith.maximumf %max3A_299, %gather3A_306 : vector<16xf32>
      %add3A_308 = arith.constant 11 : i32
      %add3A_309 = vector.broadcast %add3A_308 : i32 to vector<16xi32>
      %add3A_310 = arith.addi %iota3A, %add3A_309 : vector<16xi32>
      %rem3A_311 = arith.constant 51 : i32
      %rem3A_312 = vector.broadcast %rem3A_311 : i32 to vector<16xi32>
      %rem3A_313 = arith.remsi %add3A_310, %rem3A_312 : vector<16xi32>
      %gather3A_314 = tpu.vector_load_idx %arg5[%add3A_17, %rem3A_313] : memref<176x51xf32, #tpu.memory_space<vmem>>[vector<16xi32>, vector<16xi32>], vector<16xf32>,
      %max3A_315 = arith.maximumf %max3A_307, %gather3A_314 : vector<16xf32>
      %add3A_316 = arith.constant 14 : i32
      %add3A_317 = vector.broadcast %add3A_316 : i32 to vector<16xi32>
      %add3A_318 = arith.addi %iota3A, %add3A_317 : vector<16xi32>
      %rem3A_319 = arith.constant 51 : i32
      %rem3A_320 = vector.broadcast %rem3A_319 : i32 to vector<16xi32>
      %rem3A_321 = arith.remsi %add3A_318, %rem3A_320 : vector<16xi32>
      %gather3A_322 = tpu.vector_load_idx %arg5[%add3A_17, %rem3A_321] : memref<176x51xf32, #tpu.memory_space<vmem>>[vector<16xi32>, vector<16xi32>], vector<16xf32>,
      %max3A_323 = arith.maximumf %max3A_315, %gather3A_322 : vector<16xf32>
      %add3A_324 = arith.constant 17 : i32
      %add3A_325 = vector.broadcast %add3A_324 : i32 to vector<16xi32>
      %add3A_326 = arith.addi %iota3A, %add3A_325 : vector<16xi32>
      %rem3A_327 = arith.constant 51 : i32
      %rem3A_328 = vector.broadcast %rem3A_327 : i32 to vector<16xi32>
      %rem3A_329 = arith.remsi %add3A_326, %rem3A_328 : vector<16xi32>
      %gather3A_330 = tpu.vector_load_idx %arg5[%add3A_17, %rem3A_329] : memref<176x51xf32, #tpu.memory_space<vmem>>[vector<16xi32>, vector<16xi32>], vector<16xf32>,
      %max3A_331 = arith.maximumf %max3A_323, %gather3A_330 : vector<16xf32>
      %add3A_332 = arith.constant 20 : i32
      %add3A_333 = vector.broadcast %add3A_332 : i32 to vector<16xi32>
      %add3A_334 = arith.addi %iota3A, %add3A_333 : vector<16xi32>
      %rem3A_335 = arith.constant 51 : i32
      %rem3A_336 = vector.broadcast %rem3A_335 : i32 to vector<16xi32>
      %rem3A_337 = arith.remsi %add3A_334, %rem3A_336 : vector<16xi32>
      %gather3A_338 = tpu.vector_load_idx %arg5[%add3A_17, %rem3A_337] : memref<176x51xf32, #tpu.memory_space<vmem>>[vector<16xi32>, vector<16xi32>], vector<16xf32>,
      %max3A_339 = arith.maximumf %max3A_331, %gather3A_338 : vector<16xf32>
      %add3A_340 = arith.constant 23 : i32
      %add3A_341 = vector.broadcast %add3A_340 : i32 to vector<16xi32>
      %add3A_342 = arith.addi %iota3A, %add3A_341 : vector<16xi32>
      %rem3A_343 = arith.constant 51 : i32
      %rem3A_344 = vector.broadcast %rem3A_343 : i32 to vector<16xi32>
      %rem3A_345 = arith.remsi %add3A_342, %rem3A_344 : vector<16xi32>
      %gather3A_346 = tpu.vector_load_idx %arg5[%add3A_17, %rem3A_345] : memref<176x51xf32, #tpu.memory_space<vmem>>[vector<16xi32>, vector<16xi32>], vector<16xf32>,
      %max3A_347 = arith.maximumf %max3A_339, %gather3A_346 : vector<16xf32>
      %add3A_348 = arith.constant 26 : i32
      %add3A_349 = vector.broadcast %add3A_348 : i32 to vector<16xi32>
      %add3A_350 = arith.addi %iota3A, %add3A_349 : vector<16xi32>
      %rem3A_351 = arith.constant 51 : i32
      %rem3A_352 = vector.broadcast %rem3A_351 : i32 to vector<16xi32>
      %rem3A_353 = arith.remsi %add3A_350, %rem3A_352 : vector<16xi32>
      %gather3A_354 = tpu.vector_load_idx %arg5[%add3A_17, %rem3A_353] : memref<176x51xf32, #tpu.memory_space<vmem>>[vector<16xi32>, vector<16xi32>], vector<16xf32>,
      %max3A_355 = arith.maximumf %max3A_347, %gather3A_354 : vector<16xf32>
      %add3A_356 = arith.constant 29 : i32
      %add3A_357 = vector.broadcast %add3A_356 : i32 to vector<16xi32>
      %add3A_358 = arith.addi %iota3A, %add3A_357 : vector<16xi32>
      %rem3A_359 = arith.constant 51 : i32
      %rem3A_360 = vector.broadcast %rem3A_359 : i32 to vector<16xi32>
      %rem3A_361 = arith.remsi %add3A_358, %rem3A_360 : vector<16xi32>
      %gather3A_362 = tpu.vector_load_idx %arg5[%add3A_17, %rem3A_361] : memref<176x51xf32, #tpu.memory_space<vmem>>[vector<16xi32>, vector<16xi32>], vector<16xf32>,
      %max3A_363 = arith.maximumf %max3A_355, %gather3A_362 : vector<16xf32>
      %add3A_364 = arith.constant 32 : i32
      %add3A_365 = vector.broadcast %add3A_364 : i32 to vector<16xi32>
      %add3A_366 = arith.addi %iota3A, %add3A_365 : vector<16xi32>
      %rem3A_367 = arith.constant 51 : i32
      %rem3A_368 = vector.broadcast %rem3A_367 : i32 to vector<16xi32>
      %rem3A_369 = arith.remsi %add3A_366, %rem3A_368 : vector<16xi32>
      %gather3A_370 = tpu.vector_load_idx %arg5[%add3A_17, %rem3A_369] : memref<176x51xf32, #tpu.memory_space<vmem>>[vector<16xi32>, vector<16xi32>], vector<16xf32>,
      %max3A_371 = arith.maximumf %max3A_363, %gather3A_370 : vector<16xf32>
      %add3A_372 = arith.constant 35 : i32
      %add3A_373 = vector.broadcast %add3A_372 : i32 to vector<16xi32>
      %add3A_374 = arith.addi %iota3A, %add3A_373 : vector<16xi32>
      %rem3A_375 = arith.constant 51 : i32
      %rem3A_376 = vector.broadcast %rem3A_375 : i32 to vector<16xi32>
      %rem3A_377 = arith.remsi %add3A_374, %rem3A_376 : vector<16xi32>
      %gather3A_378 = tpu.vector_load_idx %arg5[%add3A_17, %rem3A_377] : memref<176x51xf32, #tpu.memory_space<vmem>>[vector<16xi32>, vector<16xi32>], vector<16xf32>,
      %max3A_379 = arith.maximumf %max3A_371, %gather3A_378 : vector<16xf32>
      %add3A_380 = arith.constant 38 : i32
      %add3A_381 = vector.broadcast %add3A_380 : i32 to vector<16xi32>
      %add3A_382 = arith.addi %iota3A, %add3A_381 : vector<16xi32>
      %rem3A_383 = arith.constant 51 : i32
      %rem3A_384 = vector.broadcast %rem3A_383 : i32 to vector<16xi32>
      %rem3A_385 = arith.remsi %add3A_382, %rem3A_384 : vector<16xi32>
      %gather3A_386 = tpu.vector_load_idx %arg5[%add3A_17, %rem3A_385] : memref<176x51xf32, #tpu.memory_space<vmem>>[vector<16xi32>, vector<16xi32>], vector<16xf32>,
      %max3A_387 = arith.maximumf %max3A_379, %gather3A_386 : vector<16xf32>
      %add3A_388 = arith.constant 41 : i32
      %add3A_389 = vector.broadcast %add3A_388 : i32 to vector<16xi32>
      %add3A_390 = arith.addi %iota3A, %add3A_389 : vector<16xi32>
      %rem3A_391 = arith.constant 51 : i32
      %rem3A_392 = vector.broadcast %rem3A_391 : i32 to vector<16xi32>
      %rem3A_393 = arith.remsi %add3A_390, %rem3A_392 : vector<16xi32>
      %gather3A_394 = tpu.vector_load_idx %arg5[%add3A_17, %rem3A_393] : memref<176x51xf32, #tpu.memory_space<vmem>>[vector<16xi32>, vector<16xi32>], vector<16xf32>,
      %max3A_395 = arith.maximumf %max3A_387, %gather3A_394 : vector<16xf32>
      %add3A_396 = arith.constant 44 : i32
      %add3A_397 = vector.broadcast %add3A_396 : i32 to vector<16xi32>
      %add3A_398 = arith.addi %iota3A, %add3A_397 : vector<16xi32>
      %rem3A_399 = arith.constant 51 : i32
      %rem3A_400 = vector.broadcast %rem3A_399 : i32 to vector<16xi32>
      %rem3A_401 = arith.remsi %add3A_398, %rem3A_400 : vector<16xi32>
      %gather3A_402 = tpu.vector_load_idx %arg5[%add3A_17, %rem3A_401] : memref<176x51xf32, #tpu.memory_space<vmem>>[vector<16xi32>, vector<16xi32>], vector<16xf32>,
      %max3A_403 = arith.maximumf %max3A_395, %gather3A_402 : vector<16xf32>
      %add3A_404 = arith.constant 47 : i32
      %add3A_405 = vector.broadcast %add3A_404 : i32 to vector<16xi32>
      %add3A_406 = arith.addi %iota3A, %add3A_405 : vector<16xi32>
      %rem3A_407 = arith.constant 51 : i32
      %rem3A_408 = vector.broadcast %rem3A_407 : i32 to vector<16xi32>
      %rem3A_409 = arith.remsi %add3A_406, %rem3A_408 : vector<16xi32>
      %gather3A_410 = tpu.vector_load_idx %arg5[%add3A_17, %rem3A_409] : memref<176x51xf32, #tpu.memory_space<vmem>>[vector<16xi32>, vector<16xi32>], vector<16xf32>,
      %max3A_411 = arith.maximumf %max3A_403, %gather3A_410 : vector<16xf32>
      %add3A_412 = arith.constant 50 : i32
      %add3A_413 = vector.broadcast %add3A_412 : i32 to vector<16xi32>
      %add3A_414 = arith.addi %iota3A, %add3A_413 : vector<16xi32>
      %rem3A_415 = arith.constant 51 : i32
      %rem3A_416 = vector.broadcast %rem3A_415 : i32 to vector<16xi32>
      %rem3A_417 = arith.remsi %add3A_414, %rem3A_416 : vector<16xi32>
      %gather3A_418 = tpu.vector_load_idx %arg5[%add3A_17, %rem3A_417] : memref<176x51xf32, #tpu.memory_space<vmem>>[vector<16xi32>, vector<16xi32>], vector<16xf32>,
      %max3A_419 = arith.maximumf %max3A_411, %gather3A_418 : vector<16xf32>
      %max3A_420 = arith.maximumf %max3A_149, %max3A_284 : vector<16xf32>
      %max3A_421 = arith.maximumf %max3A_420, %max3A_419 : vector<16xf32>
      %add3A_422 = arith.constant 0 : i32
      %add3A_423 = vector.broadcast %add3A_422 : i32 to vector<16xi32>
      %add3A_424 = arith.addi %iota3A, %add3A_423 : vector<16xi32>
      %rem3A_425 = arith.constant 51 : i32
      %rem3A_426 = vector.broadcast %rem3A_425 : i32 to vector<16xi32>
      %rem3A_427 = arith.remsi %add3A_424, %rem3A_426 : vector<16xi32>
      %gather3A_428 = tpu.vector_load_idx %arg5[%add3A_17, %rem3A_427] : memref<176x51xf32, #tpu.memory_space<vmem>>[vector<16xi32>, vector<16xi32>], vector<16xf32>,
      %gather3A_429 = tpu.vector_load_idx %arg6[%add3A_17, %rem3A_427] : memref<176x51xf32, #tpu.memory_space<vmem>>[vector<16xi32>, vector<16xi32>], vector<16xf32>,
      %sub3A = arith.subf %gather3A_428, %max3A_421 : vector<16xf32>
      %exp3A = math.exp %sub3A : vector<16xf32>
      %mul3A_430 = arith.mulf %gather3A_429, %gather3A_428 : vector<16xf32>
      %add3A_431 = arith.constant 3 : i32
      %add3A_432 = vector.broadcast %add3A_431 : i32 to vector<16xi32>
      %add3A_433 = arith.addi %iota3A, %add3A_432 : vector<16xi32>
      %rem3A_434 = arith.constant 51 : i32
      %rem3A_435 = vector.broadcast %rem3A_434 : i32 to vector<16xi32>
      %rem3A_436 = arith.remsi %add3A_433, %rem3A_435 : vector<16xi32>
      %gather3A_437 = tpu.vector_load_idx %arg5[%add3A_17, %rem3A_436] : memref<176x51xf32, #tpu.memory_space<vmem>>[vector<16xi32>, vector<16xi32>], vector<16xf32>,
      %gather3A_438 = tpu.vector_load_idx %arg6[%add3A_17, %rem3A_436] : memref<176x51xf32, #tpu.memory_space<vmem>>[vector<16xi32>, vector<16xi32>], vector<16xf32>,
      %sub3A_439 = arith.subf %gather3A_437, %max3A_421 : vector<16xf32>
      %exp3A_440 = math.exp %sub3A_439 : vector<16xf32>
      %add3A_441 = arith.addf %exp3A, %exp3A_440 : vector<16xf32>
      %add3A_442 = arith.addf %gather3A_429, %gather3A_438 : vector<16xf32>
      %mul3A_443 = arith.mulf %gather3A_438, %gather3A_437 : vector<16xf32>
      %add3A_444 = arith.addf %mul3A_430, %mul3A_443 : vector<16xf32>
      %add3A_445 = arith.constant 6 : i32
      %add3A_446 = vector.broadcast %add3A_445 : i32 to vector<16xi32>
      %add3A_447 = arith.addi %iota3A, %add3A_446 : vector<16xi32>
      %rem3A_448 = arith.constant 51 : i32
      %rem3A_449 = vector.broadcast %rem3A_448 : i32 to vector<16xi32>
      %rem3A_450 = arith.remsi %add3A_447, %rem3A_449 : vector<16xi32>
      %gather3A_451 = tpu.vector_load_idx %arg5[%add3A_17, %rem3A_450] : memref<176x51xf32, #tpu.memory_space<vmem>>[vector<16xi32>, vector<16xi32>], vector<16xf32>,
      %gather3A_452 = tpu.vector_load_idx %arg6[%add3A_17, %rem3A_450] : memref<176x51xf32, #tpu.memory_space<vmem>>[vector<16xi32>, vector<16xi32>], vector<16xf32>,
      %sub3A_453 = arith.subf %gather3A_451, %max3A_421 : vector<16xf32>
      %exp3A_454 = math.exp %sub3A_453 : vector<16xf32>
      %add3A_455 = arith.addf %add3A_441, %exp3A_454 : vector<16xf32>
      %add3A_456 = arith.addf %add3A_442, %gather3A_452 : vector<16xf32>
      %mul3A_457 = arith.mulf %gather3A_452, %gather3A_451 : vector<16xf32>
      %add3A_458 = arith.addf %add3A_444, %mul3A_457 : vector<16xf32>
      %add3A_459 = arith.constant 9 : i32
      %add3A_460 = vector.broadcast %add3A_459 : i32 to vector<16xi32>
      %add3A_461 = arith.addi %iota3A, %add3A_460 : vector<16xi32>
      %rem3A_462 = arith.constant 51 : i32
      %rem3A_463 = vector.broadcast %rem3A_462 : i32 to vector<16xi32>
      %rem3A_464 = arith.remsi %add3A_461, %rem3A_463 : vector<16xi32>
      %gather3A_465 = tpu.vector_load_idx %arg5[%add3A_17, %rem3A_464] : memref<176x51xf32, #tpu.memory_space<vmem>>[vector<16xi32>, vector<16xi32>], vector<16xf32>,
      %gather3A_466 = tpu.vector_load_idx %arg6[%add3A_17, %rem3A_464] : memref<176x51xf32, #tpu.memory_space<vmem>>[vector<16xi32>, vector<16xi32>], vector<16xf32>,
      %sub3A_467 = arith.subf %gather3A_465, %max3A_421 : vector<16xf32>
      %exp3A_468 = math.exp %sub3A_467 : vector<16xf32>
      %add3A_469 = arith.addf %add3A_455, %exp3A_468 : vector<16xf32>
      %add3A_470 = arith.addf %add3A_456, %gather3A_466 : vector<16xf32>
      %mul3A_471 = arith.mulf %gather3A_466, %gather3A_465 : vector<16xf32>
      %add3A_472 = arith.addf %add3A_458, %mul3A_471 : vector<16xf32>
      %add3A_473 = arith.constant 12 : i32
      %add3A_474 = vector.broadcast %add3A_473 : i32 to vector<16xi32>
      %add3A_475 = arith.addi %iota3A, %add3A_474 : vector<16xi32>
      %rem3A_476 = arith.constant 51 : i32
      %rem3A_477 = vector.broadcast %rem3A_476 : i32 to vector<16xi32>
      %rem3A_478 = arith.remsi %add3A_475, %rem3A_477 : vector<16xi32>
      %gather3A_479 = tpu.vector_load_idx %arg5[%add3A_17, %rem3A_478] : memref<176x51xf32, #tpu.memory_space<vmem>>[vector<16xi32>, vector<16xi32>], vector<16xf32>,
      %gather3A_480 = tpu.vector_load_idx %arg6[%add3A_17, %rem3A_478] : memref<176x51xf32, #tpu.memory_space<vmem>>[vector<16xi32>, vector<16xi32>], vector<16xf32>,
      %sub3A_481 = arith.subf %gather3A_479, %max3A_421 : vector<16xf32>
      %exp3A_482 = math.exp %sub3A_481 : vector<16xf32>
      %add3A_483 = arith.addf %add3A_469, %exp3A_482 : vector<16xf32>
      %add3A_484 = arith.addf %add3A_470, %gather3A_480 : vector<16xf32>
      %mul3A_485 = arith.mulf %gather3A_480, %gather3A_479 : vector<16xf32>
      %add3A_486 = arith.addf %add3A_472, %mul3A_485 : vector<16xf32>
      %add3A_487 = arith.constant 15 : i32
      %add3A_488 = vector.broadcast %add3A_487 : i32 to vector<16xi32>
      %add3A_489 = arith.addi %iota3A, %add3A_488 : vector<16xi32>
      %rem3A_490 = arith.constant 51 : i32
      %rem3A_491 = vector.broadcast %rem3A_490 : i32 to vector<16xi32>
      %rem3A_492 = arith.remsi %add3A_489, %rem3A_491 : vector<16xi32>
      %gather3A_493 = tpu.vector_load_idx %arg5[%add3A_17, %rem3A_492] : memref<176x51xf32, #tpu.memory_space<vmem>>[vector<16xi32>, vector<16xi32>], vector<16xf32>,
      %gather3A_494 = tpu.vector_load_idx %arg6[%add3A_17, %rem3A_492] : memref<176x51xf32, #tpu.memory_space<vmem>>[vector<16xi32>, vector<16xi32>], vector<16xf32>,
      %sub3A_495 = arith.subf %gather3A_493, %max3A_421 : vector<16xf32>
      %exp3A_496 = math.exp %sub3A_495 : vector<16xf32>
      %add3A_497 = arith.addf %add3A_483, %exp3A_496 : vector<16xf32>
      %add3A_498 = arith.addf %add3A_484, %gather3A_494 : vector<16xf32>
      %mul3A_499 = arith.mulf %gather3A_494, %gather3A_493 : vector<16xf32>
      %add3A_500 = arith.addf %add3A_486, %mul3A_499 : vector<16xf32>
      %add3A_501 = arith.constant 18 : i32
      %add3A_502 = vector.broadcast %add3A_501 : i32 to vector<16xi32>
      %add3A_503 = arith.addi %iota3A, %add3A_502 : vector<16xi32>
      %rem3A_504 = arith.constant 51 : i32
      %rem3A_505 = vector.broadcast %rem3A_504 : i32 to vector<16xi32>
      %rem3A_506 = arith.remsi %add3A_503, %rem3A_505 : vector<16xi32>
      %gather3A_507 = tpu.vector_load_idx %arg5[%add3A_17, %rem3A_506] : memref<176x51xf32, #tpu.memory_space<vmem>>[vector<16xi32>, vector<16xi32>], vector<16xf32>,
      %gather3A_508 = tpu.vector_load_idx %arg6[%add3A_17, %rem3A_506] : memref<176x51xf32, #tpu.memory_space<vmem>>[vector<16xi32>, vector<16xi32>], vector<16xf32>,
      %sub3A_509 = arith.subf %gather3A_507, %max3A_421 : vector<16xf32>
      %exp3A_510 = math.exp %sub3A_509 : vector<16xf32>
      %add3A_511 = arith.addf %add3A_497, %exp3A_510 : vector<16xf32>
      %add3A_512 = arith.addf %add3A_498, %gather3A_508 : vector<16xf32>
      %mul3A_513 = arith.mulf %gather3A_508, %gather3A_507 : vector<16xf32>
      %add3A_514 = arith.addf %add3A_500, %mul3A_513 : vector<16xf32>
      %add3A_515 = arith.constant 21 : i32
      %add3A_516 = vector.broadcast %add3A_515 : i32 to vector<16xi32>
      %add3A_517 = arith.addi %iota3A, %add3A_516 : vector<16xi32>
      %rem3A_518 = arith.constant 51 : i32
      %rem3A_519 = vector.broadcast %rem3A_518 : i32 to vector<16xi32>
      %rem3A_520 = arith.remsi %add3A_517, %rem3A_519 : vector<16xi32>
      %gather3A_521 = tpu.vector_load_idx %arg5[%add3A_17, %rem3A_520] : memref<176x51xf32, #tpu.memory_space<vmem>>[vector<16xi32>, vector<16xi32>], vector<16xf32>,
      %gather3A_522 = tpu.vector_load_idx %arg6[%add3A_17, %rem3A_520] : memref<176x51xf32, #tpu.memory_space<vmem>>[vector<16xi32>, vector<16xi32>], vector<16xf32>,
      %sub3A_523 = arith.subf %gather3A_521, %max3A_421 : vector<16xf32>
      %exp3A_524 = math.exp %sub3A_523 : vector<16xf32>
      %add3A_525 = arith.addf %add3A_511, %exp3A_524 : vector<16xf32>
      %add3A_526 = arith.addf %add3A_512, %gather3A_522 : vector<16xf32>
      %mul3A_527 = arith.mulf %gather3A_522, %gather3A_521 : vector<16xf32>
      %add3A_528 = arith.addf %add3A_514, %mul3A_527 : vector<16xf32>
      %add3A_529 = arith.constant 24 : i32
      %add3A_530 = vector.broadcast %add3A_529 : i32 to vector<16xi32>
      %add3A_531 = arith.addi %iota3A, %add3A_530 : vector<16xi32>
      %rem3A_532 = arith.constant 51 : i32
      %rem3A_533 = vector.broadcast %rem3A_532 : i32 to vector<16xi32>
      %rem3A_534 = arith.remsi %add3A_531, %rem3A_533 : vector<16xi32>
      %gather3A_535 = tpu.vector_load_idx %arg5[%add3A_17, %rem3A_534] : memref<176x51xf32, #tpu.memory_space<vmem>>[vector<16xi32>, vector<16xi32>], vector<16xf32>,
      %gather3A_536 = tpu.vector_load_idx %arg6[%add3A_17, %rem3A_534] : memref<176x51xf32, #tpu.memory_space<vmem>>[vector<16xi32>, vector<16xi32>], vector<16xf32>,
      %sub3A_537 = arith.subf %gather3A_535, %max3A_421 : vector<16xf32>
      %exp3A_538 = math.exp %sub3A_537 : vector<16xf32>
      %add3A_539 = arith.addf %add3A_525, %exp3A_538 : vector<16xf32>
      %add3A_540 = arith.addf %add3A_526, %gather3A_536 : vector<16xf32>
      %mul3A_541 = arith.mulf %gather3A_536, %gather3A_535 : vector<16xf32>
      %add3A_542 = arith.addf %add3A_528, %mul3A_541 : vector<16xf32>
      %add3A_543 = arith.constant 27 : i32
      %add3A_544 = vector.broadcast %add3A_543 : i32 to vector<16xi32>
      %add3A_545 = arith.addi %iota3A, %add3A_544 : vector<16xi32>
      %rem3A_546 = arith.constant 51 : i32
      %rem3A_547 = vector.broadcast %rem3A_546 : i32 to vector<16xi32>
      %rem3A_548 = arith.remsi %add3A_545, %rem3A_547 : vector<16xi32>
      %gather3A_549 = tpu.vector_load_idx %arg5[%add3A_17, %rem3A_548] : memref<176x51xf32, #tpu.memory_space<vmem>>[vector<16xi32>, vector<16xi32>], vector<16xf32>,
      %gather3A_550 = tpu.vector_load_idx %arg6[%add3A_17, %rem3A_548] : memref<176x51xf32, #tpu.memory_space<vmem>>[vector<16xi32>, vector<16xi32>], vector<16xf32>,
      %sub3A_551 = arith.subf %gather3A_549, %max3A_421 : vector<16xf32>
      %exp3A_552 = math.exp %sub3A_551 : vector<16xf32>
      %add3A_553 = arith.addf %add3A_539, %exp3A_552 : vector<16xf32>
      %add3A_554 = arith.addf %add3A_540, %gather3A_550 : vector<16xf32>
      %mul3A_555 = arith.mulf %gather3A_550, %gather3A_549 : vector<16xf32>
      %add3A_556 = arith.addf %add3A_542, %mul3A_555 : vector<16xf32>
      %add3A_557 = arith.constant 30 : i32
      %add3A_558 = vector.broadcast %add3A_557 : i32 to vector<16xi32>
      %add3A_559 = arith.addi %iota3A, %add3A_558 : vector<16xi32>
      %rem3A_560 = arith.constant 51 : i32
      %rem3A_561 = vector.broadcast %rem3A_560 : i32 to vector<16xi32>
      %rem3A_562 = arith.remsi %add3A_559, %rem3A_561 : vector<16xi32>
      %gather3A_563 = tpu.vector_load_idx %arg5[%add3A_17, %rem3A_562] : memref<176x51xf32, #tpu.memory_space<vmem>>[vector<16xi32>, vector<16xi32>], vector<16xf32>,
      %gather3A_564 = tpu.vector_load_idx %arg6[%add3A_17, %rem3A_562] : memref<176x51xf32, #tpu.memory_space<vmem>>[vector<16xi32>, vector<16xi32>], vector<16xf32>,
      %sub3A_565 = arith.subf %gather3A_563, %max3A_421 : vector<16xf32>
      %exp3A_566 = math.exp %sub3A_565 : vector<16xf32>
      %add3A_567 = arith.addf %add3A_553, %exp3A_566 : vector<16xf32>
      %add3A_568 = arith.addf %add3A_554, %gather3A_564 : vector<16xf32>
      %mul3A_569 = arith.mulf %gather3A_564, %gather3A_563 : vector<16xf32>
      %add3A_570 = arith.addf %add3A_556, %mul3A_569 : vector<16xf32>
      %add3A_571 = arith.constant 33 : i32
      %add3A_572 = vector.broadcast %add3A_571 : i32 to vector<16xi32>
      %add3A_573 = arith.addi %iota3A, %add3A_572 : vector<16xi32>
      %rem3A_574 = arith.constant 51 : i32
      %rem3A_575 = vector.broadcast %rem3A_574 : i32 to vector<16xi32>
      %rem3A_576 = arith.remsi %add3A_573, %rem3A_575 : vector<16xi32>
      %gather3A_577 = tpu.vector_load_idx %arg5[%add3A_17, %rem3A_576] : memref<176x51xf32, #tpu.memory_space<vmem>>[vector<16xi32>, vector<16xi32>], vector<16xf32>,
      %gather3A_578 = tpu.vector_load_idx %arg6[%add3A_17, %rem3A_576] : memref<176x51xf32, #tpu.memory_space<vmem>>[vector<16xi32>, vector<16xi32>], vector<16xf32>,
      %sub3A_579 = arith.subf %gather3A_577, %max3A_421 : vector<16xf32>
      %exp3A_580 = math.exp %sub3A_579 : vector<16xf32>
      %add3A_581 = arith.addf %add3A_567, %exp3A_580 : vector<16xf32>
      %add3A_582 = arith.addf %add3A_568, %gather3A_578 : vector<16xf32>
      %mul3A_583 = arith.mulf %gather3A_578, %gather3A_577 : vector<16xf32>
      %add3A_584 = arith.addf %add3A_570, %mul3A_583 : vector<16xf32>
      %add3A_585 = arith.constant 36 : i32
      %add3A_586 = vector.broadcast %add3A_585 : i32 to vector<16xi32>
      %add3A_587 = arith.addi %iota3A, %add3A_586 : vector<16xi32>
      %rem3A_588 = arith.constant 51 : i32
      %rem3A_589 = vector.broadcast %rem3A_588 : i32 to vector<16xi32>
      %rem3A_590 = arith.remsi %add3A_587, %rem3A_589 : vector<16xi32>
      %gather3A_591 = tpu.vector_load_idx %arg5[%add3A_17, %rem3A_590] : memref<176x51xf32, #tpu.memory_space<vmem>>[vector<16xi32>, vector<16xi32>], vector<16xf32>,
      %gather3A_592 = tpu.vector_load_idx %arg6[%add3A_17, %rem3A_590] : memref<176x51xf32, #tpu.memory_space<vmem>>[vector<16xi32>, vector<16xi32>], vector<16xf32>,
      %sub3A_593 = arith.subf %gather3A_591, %max3A_421 : vector<16xf32>
      %exp3A_594 = math.exp %sub3A_593 : vector<16xf32>
      %add3A_595 = arith.addf %add3A_581, %exp3A_594 : vector<16xf32>
      %add3A_596 = arith.addf %add3A_582, %gather3A_592 : vector<16xf32>
      %mul3A_597 = arith.mulf %gather3A_592, %gather3A_591 : vector<16xf32>
      %add3A_598 = arith.addf %add3A_584, %mul3A_597 : vector<16xf32>
      %add3A_599 = arith.constant 39 : i32
      %add3A_600 = vector.broadcast %add3A_599 : i32 to vector<16xi32>
      %add3A_601 = arith.addi %iota3A, %add3A_600 : vector<16xi32>
      %rem3A_602 = arith.constant 51 : i32
      %rem3A_603 = vector.broadcast %rem3A_602 : i32 to vector<16xi32>
      %rem3A_604 = arith.remsi %add3A_601, %rem3A_603 : vector<16xi32>
      %gather3A_605 = tpu.vector_load_idx %arg5[%add3A_17, %rem3A_604] : memref<176x51xf32, #tpu.memory_space<vmem>>[vector<16xi32>, vector<16xi32>], vector<16xf32>,
      %gather3A_606 = tpu.vector_load_idx %arg6[%add3A_17, %rem3A_604] : memref<176x51xf32, #tpu.memory_space<vmem>>[vector<16xi32>, vector<16xi32>], vector<16xf32>,
      %sub3A_607 = arith.subf %gather3A_605, %max3A_421 : vector<16xf32>
      %exp3A_608 = math.exp %sub3A_607 : vector<16xf32>
      %add3A_609 = arith.addf %add3A_595, %exp3A_608 : vector<16xf32>
      %add3A_610 = arith.addf %add3A_596, %gather3A_606 : vector<16xf32>
      %mul3A_611 = arith.mulf %gather3A_606, %gather3A_605 : vector<16xf32>
      %add3A_612 = arith.addf %add3A_598, %mul3A_611 : vector<16xf32>
      %add3A_613 = arith.constant 42 : i32
      %add3A_614 = vector.broadcast %add3A_613 : i32 to vector<16xi32>
      %add3A_615 = arith.addi %iota3A, %add3A_614 : vector<16xi32>
      %rem3A_616 = arith.constant 51 : i32
      %rem3A_617 = vector.broadcast %rem3A_616 : i32 to vector<16xi32>
      %rem3A_618 = arith.remsi %add3A_615, %rem3A_617 : vector<16xi32>
      %gather3A_619 = tpu.vector_load_idx %arg5[%add3A_17, %rem3A_618] : memref<176x51xf32, #tpu.memory_space<vmem>>[vector<16xi32>, vector<16xi32>], vector<16xf32>,
      %gather3A_620 = tpu.vector_load_idx %arg6[%add3A_17, %rem3A_618] : memref<176x51xf32, #tpu.memory_space<vmem>>[vector<16xi32>, vector<16xi32>], vector<16xf32>,
      %sub3A_621 = arith.subf %gather3A_619, %max3A_421 : vector<16xf32>
      %exp3A_622 = math.exp %sub3A_621 : vector<16xf32>
      %add3A_623 = arith.addf %add3A_609, %exp3A_622 : vector<16xf32>
      %add3A_624 = arith.addf %add3A_610, %gather3A_620 : vector<16xf32>
      %mul3A_625 = arith.mulf %gather3A_620, %gather3A_619 : vector<16xf32>
      %add3A_626 = arith.addf %add3A_612, %mul3A_625 : vector<16xf32>
      %add3A_627 = arith.constant 45 : i32
      %add3A_628 = vector.broadcast %add3A_627 : i32 to vector<16xi32>
      %add3A_629 = arith.addi %iota3A, %add3A_628 : vector<16xi32>
      %rem3A_630 = arith.constant 51 : i32
      %rem3A_631 = vector.broadcast %rem3A_630 : i32 to vector<16xi32>
      %rem3A_632 = arith.remsi %add3A_629, %rem3A_631 : vector<16xi32>
      %gather3A_633 = tpu.vector_load_idx %arg5[%add3A_17, %rem3A_632] : memref<176x51xf32, #tpu.memory_space<vmem>>[vector<16xi32>, vector<16xi32>], vector<16xf32>,
      %gather3A_634 = tpu.vector_load_idx %arg6[%add3A_17, %rem3A_632] : memref<176x51xf32, #tpu.memory_space<vmem>>[vector<16xi32>, vector<16xi32>], vector<16xf32>,
      %sub3A_635 = arith.subf %gather3A_633, %max3A_421 : vector<16xf32>
      %exp3A_636 = math.exp %sub3A_635 : vector<16xf32>
      %add3A_637 = arith.addf %add3A_623, %exp3A_636 : vector<16xf32>
      %add3A_638 = arith.addf %add3A_624, %gather3A_634 : vector<16xf32>
      %mul3A_639 = arith.mulf %gather3A_634, %gather3A_633 : vector<16xf32>
      %add3A_640 = arith.addf %add3A_626, %mul3A_639 : vector<16xf32>
      %add3A_641 = arith.constant 48 : i32
      %add3A_642 = vector.broadcast %add3A_641 : i32 to vector<16xi32>
      %add3A_643 = arith.addi %iota3A, %add3A_642 : vector<16xi32>
      %rem3A_644 = arith.constant 51 : i32
      %rem3A_645 = vector.broadcast %rem3A_644 : i32 to vector<16xi32>
      %rem3A_646 = arith.remsi %add3A_643, %rem3A_645 : vector<16xi32>
      %gather3A_647 = tpu.vector_load_idx %arg5[%add3A_17, %rem3A_646] : memref<176x51xf32, #tpu.memory_space<vmem>>[vector<16xi32>, vector<16xi32>], vector<16xf32>,
      %gather3A_648 = tpu.vector_load_idx %arg6[%add3A_17, %rem3A_646] : memref<176x51xf32, #tpu.memory_space<vmem>>[vector<16xi32>, vector<16xi32>], vector<16xf32>,
      %sub3A_649 = arith.subf %gather3A_647, %max3A_421 : vector<16xf32>
      %exp3A_650 = math.exp %sub3A_649 : vector<16xf32>
      %add3A_651 = arith.addf %add3A_637, %exp3A_650 : vector<16xf32>
      %add3A_652 = arith.addf %add3A_638, %gather3A_648 : vector<16xf32>
      %mul3A_653 = arith.mulf %gather3A_648, %gather3A_647 : vector<16xf32>
      %add3A_654 = arith.addf %add3A_640, %mul3A_653 : vector<16xf32>
      %add3A_655 = arith.constant 1 : i32
      %add3A_656 = vector.broadcast %add3A_655 : i32 to vector<16xi32>
      %add3A_657 = arith.addi %iota3A, %add3A_656 : vector<16xi32>
      %rem3A_658 = arith.constant 51 : i32
      %rem3A_659 = vector.broadcast %rem3A_658 : i32 to vector<16xi32>
      %rem3A_660 = arith.remsi %add3A_657, %rem3A_659 : vector<16xi32>
      %gather3A_661 = tpu.vector_load_idx %arg5[%add3A_17, %rem3A_660] : memref<176x51xf32, #tpu.memory_space<vmem>>[vector<16xi32>, vector<16xi32>], vector<16xf32>,
      %gather3A_662 = tpu.vector_load_idx %arg6[%add3A_17, %rem3A_660] : memref<176x51xf32, #tpu.memory_space<vmem>>[vector<16xi32>, vector<16xi32>], vector<16xf32>,
      %sub3A_663 = arith.subf %gather3A_661, %max3A_421 : vector<16xf32>
      %exp3A_664 = math.exp %sub3A_663 : vector<16xf32>
      %mul3A_665 = arith.mulf %gather3A_662, %gather3A_661 : vector<16xf32>
      %add3A_666 = arith.constant 4 : i32
      %add3A_667 = vector.broadcast %add3A_666 : i32 to vector<16xi32>
      %add3A_668 = arith.addi %iota3A, %add3A_667 : vector<16xi32>
      %rem3A_669 = arith.constant 51 : i32
      %rem3A_670 = vector.broadcast %rem3A_669 : i32 to vector<16xi32>
      %rem3A_671 = arith.remsi %add3A_668, %rem3A_670 : vector<16xi32>
      %gather3A_672 = tpu.vector_load_idx %arg5[%add3A_17, %rem3A_671] : memref<176x51xf32, #tpu.memory_space<vmem>>[vector<16xi32>, vector<16xi32>], vector<16xf32>,
      %gather3A_673 = tpu.vector_load_idx %arg6[%add3A_17, %rem3A_671] : memref<176x51xf32, #tpu.memory_space<vmem>>[vector<16xi32>, vector<16xi32>], vector<16xf32>,
      %sub3A_674 = arith.subf %gather3A_672, %max3A_421 : vector<16xf32>
      %exp3A_675 = math.exp %sub3A_674 : vector<16xf32>
      %add3A_676 = arith.addf %exp3A_664, %exp3A_675 : vector<16xf32>
      %add3A_677 = arith.addf %gather3A_662, %gather3A_673 : vector<16xf32>
      %mul3A_678 = arith.mulf %gather3A_673, %gather3A_672 : vector<16xf32>
      %add3A_679 = arith.addf %mul3A_665, %mul3A_678 : vector<16xf32>
      %add3A_680 = arith.constant 7 : i32
      %add3A_681 = vector.broadcast %add3A_680 : i32 to vector<16xi32>
      %add3A_682 = arith.addi %iota3A, %add3A_681 : vector<16xi32>
      %rem3A_683 = arith.constant 51 : i32
      %rem3A_684 = vector.broadcast %rem3A_683 : i32 to vector<16xi32>
      %rem3A_685 = arith.remsi %add3A_682, %rem3A_684 : vector<16xi32>
      %gather3A_686 = tpu.vector_load_idx %arg5[%add3A_17, %rem3A_685] : memref<176x51xf32, #tpu.memory_space<vmem>>[vector<16xi32>, vector<16xi32>], vector<16xf32>,
      %gather3A_687 = tpu.vector_load_idx %arg6[%add3A_17, %rem3A_685] : memref<176x51xf32, #tpu.memory_space<vmem>>[vector<16xi32>, vector<16xi32>], vector<16xf32>,
      %sub3A_688 = arith.subf %gather3A_686, %max3A_421 : vector<16xf32>
      %exp3A_689 = math.exp %sub3A_688 : vector<16xf32>
      %add3A_690 = arith.addf %add3A_676, %exp3A_689 : vector<16xf32>
      %add3A_691 = arith.addf %add3A_677, %gather3A_687 : vector<16xf32>
      %mul3A_692 = arith.mulf %gather3A_687, %gather3A_686 : vector<16xf32>
      %add3A_693 = arith.addf %add3A_679, %mul3A_692 : vector<16xf32>
      %add3A_694 = arith.constant 10 : i32
      %add3A_695 = vector.broadcast %add3A_694 : i32 to vector<16xi32>
      %add3A_696 = arith.addi %iota3A, %add3A_695 : vector<16xi32>
      %rem3A_697 = arith.constant 51 : i32
      %rem3A_698 = vector.broadcast %rem3A_697 : i32 to vector<16xi32>
      %rem3A_699 = arith.remsi %add3A_696, %rem3A_698 : vector<16xi32>
      %gather3A_700 = tpu.vector_load_idx %arg5[%add3A_17, %rem3A_699] : memref<176x51xf32, #tpu.memory_space<vmem>>[vector<16xi32>, vector<16xi32>], vector<16xf32>,
      %gather3A_701 = tpu.vector_load_idx %arg6[%add3A_17, %rem3A_699] : memref<176x51xf32, #tpu.memory_space<vmem>>[vector<16xi32>, vector<16xi32>], vector<16xf32>,
      %sub3A_702 = arith.subf %gather3A_700, %max3A_421 : vector<16xf32>
      %exp3A_703 = math.exp %sub3A_702 : vector<16xf32>
      %add3A_704 = arith.addf %add3A_690, %exp3A_703 : vector<16xf32>
      %add3A_705 = arith.addf %add3A_691, %gather3A_701 : vector<16xf32>
      %mul3A_706 = arith.mulf %gather3A_701, %gather3A_700 : vector<16xf32>
      %add3A_707 = arith.addf %add3A_693, %mul3A_706 : vector<16xf32>
      %add3A_708 = arith.constant 13 : i32
      %add3A_709 = vector.broadcast %add3A_708 : i32 to vector<16xi32>
      %add3A_710 = arith.addi %iota3A, %add3A_709 : vector<16xi32>
      %rem3A_711 = arith.constant 51 : i32
      %rem3A_712 = vector.broadcast %rem3A_711 : i32 to vector<16xi32>
      %rem3A_713 = arith.remsi %add3A_710, %rem3A_712 : vector<16xi32>
      %gather3A_714 = tpu.vector_load_idx %arg5[%add3A_17, %rem3A_713] : memref<176x51xf32, #tpu.memory_space<vmem>>[vector<16xi32>, vector<16xi32>], vector<16xf32>,
      %gather3A_715 = tpu.vector_load_idx %arg6[%add3A_17, %rem3A_713] : memref<176x51xf32, #tpu.memory_space<vmem>>[vector<16xi32>, vector<16xi32>], vector<16xf32>,
      %sub3A_716 = arith.subf %gather3A_714, %max3A_421 : vector<16xf32>
      %exp3A_717 = math.exp %sub3A_716 : vector<16xf32>
      %add3A_718 = arith.addf %add3A_704, %exp3A_717 : vector<16xf32>
      %add3A_719 = arith.addf %add3A_705, %gather3A_715 : vector<16xf32>
      %mul3A_720 = arith.mulf %gather3A_715, %gather3A_714 : vector<16xf32>
      %add3A_721 = arith.addf %add3A_707, %mul3A_720 : vector<16xf32>
      %add3A_722 = arith.constant 16 : i32
      %add3A_723 = vector.broadcast %add3A_722 : i32 to vector<16xi32>
      %add3A_724 = arith.addi %iota3A, %add3A_723 : vector<16xi32>
      %rem3A_725 = arith.constant 51 : i32
      %rem3A_726 = vector.broadcast %rem3A_725 : i32 to vector<16xi32>
      %rem3A_727 = arith.remsi %add3A_724, %rem3A_726 : vector<16xi32>
      %gather3A_728 = tpu.vector_load_idx %arg5[%add3A_17, %rem3A_727] : memref<176x51xf32, #tpu.memory_space<vmem>>[vector<16xi32>, vector<16xi32>], vector<16xf32>,
      %gather3A_729 = tpu.vector_load_idx %arg6[%add3A_17, %rem3A_727] : memref<176x51xf32, #tpu.memory_space<vmem>>[vector<16xi32>, vector<16xi32>], vector<16xf32>,
      %sub3A_730 = arith.subf %gather3A_728, %max3A_421 : vector<16xf32>
      %exp3A_731 = math.exp %sub3A_730 : vector<16xf32>
      %add3A_732 = arith.addf %add3A_718, %exp3A_731 : vector<16xf32>
      %add3A_733 = arith.addf %add3A_719, %gather3A_729 : vector<16xf32>
      %mul3A_734 = arith.mulf %gather3A_729, %gather3A_728 : vector<16xf32>
      %add3A_735 = arith.addf %add3A_721, %mul3A_734 : vector<16xf32>
      %add3A_736 = arith.constant 19 : i32
      %add3A_737 = vector.broadcast %add3A_736 : i32 to vector<16xi32>
      %add3A_738 = arith.addi %iota3A, %add3A_737 : vector<16xi32>
      %rem3A_739 = arith.constant 51 : i32
      %rem3A_740 = vector.broadcast %rem3A_739 : i32 to vector<16xi32>
      %rem3A_741 = arith.remsi %add3A_738, %rem3A_740 : vector<16xi32>
      %gather3A_742 = tpu.vector_load_idx %arg5[%add3A_17, %rem3A_741] : memref<176x51xf32, #tpu.memory_space<vmem>>[vector<16xi32>, vector<16xi32>], vector<16xf32>,
      %gather3A_743 = tpu.vector_load_idx %arg6[%add3A_17, %rem3A_741] : memref<176x51xf32, #tpu.memory_space<vmem>>[vector<16xi32>, vector<16xi32>], vector<16xf32>,
      %sub3A_744 = arith.subf %gather3A_742, %max3A_421 : vector<16xf32>
      %exp3A_745 = math.exp %sub3A_744 : vector<16xf32>
      %add3A_746 = arith.addf %add3A_732, %exp3A_745 : vector<16xf32>
      %add3A_747 = arith.addf %add3A_733, %gather3A_743 : vector<16xf32>
      %mul3A_748 = arith.mulf %gather3A_743, %gather3A_742 : vector<16xf32>
      %add3A_749 = arith.addf %add3A_735, %mul3A_748 : vector<16xf32>
      %add3A_750 = arith.constant 22 : i32
      %add3A_751 = vector.broadcast %add3A_750 : i32 to vector<16xi32>
      %add3A_752 = arith.addi %iota3A, %add3A_751 : vector<16xi32>
      %rem3A_753 = arith.constant 51 : i32
      %rem3A_754 = vector.broadcast %rem3A_753 : i32 to vector<16xi32>
      %rem3A_755 = arith.remsi %add3A_752, %rem3A_754 : vector<16xi32>
      %gather3A_756 = tpu.vector_load_idx %arg5[%add3A_17, %rem3A_755] : memref<176x51xf32, #tpu.memory_space<vmem>>[vector<16xi32>, vector<16xi32>], vector<16xf32>,
      %gather3A_757 = tpu.vector_load_idx %arg6[%add3A_17, %rem3A_755] : memref<176x51xf32, #tpu.memory_space<vmem>>[vector<16xi32>, vector<16xi32>], vector<16xf32>,
      %sub3A_758 = arith.subf %gather3A_756, %max3A_421 : vector<16xf32>
      %exp3A_759 = math.exp %sub3A_758 : vector<16xf32>
      %add3A_760 = arith.addf %add3A_746, %exp3A_759 : vector<16xf32>
      %add3A_761 = arith.addf %add3A_747, %gather3A_757 : vector<16xf32>
      %mul3A_762 = arith.mulf %gather3A_757, %gather3A_756 : vector<16xf32>
      %add3A_763 = arith.addf %add3A_749, %mul3A_762 : vector<16xf32>
      %add3A_764 = arith.constant 25 : i32
      %add3A_765 = vector.broadcast %add3A_764 : i32 to vector<16xi32>
      %add3A_766 = arith.addi %iota3A, %add3A_765 : vector<16xi32>
      %rem3A_767 = arith.constant 51 : i32
      %rem3A_768 = vector.broadcast %rem3A_767 : i32 to vector<16xi32>
      %rem3A_769 = arith.remsi %add3A_766, %rem3A_768 : vector<16xi32>
      %gather3A_770 = tpu.vector_load_idx %arg5[%add3A_17, %rem3A_769] : memref<176x51xf32, #tpu.memory_space<vmem>>[vector<16xi32>, vector<16xi32>], vector<16xf32>,
      %gather3A_771 = tpu.vector_load_idx %arg6[%add3A_17, %rem3A_769] : memref<176x51xf32, #tpu.memory_space<vmem>>[vector<16xi32>, vector<16xi32>], vector<16xf32>,
      %sub3A_772 = arith.subf %gather3A_770, %max3A_421 : vector<16xf32>
      %exp3A_773 = math.exp %sub3A_772 : vector<16xf32>
      %add3A_774 = arith.addf %add3A_760, %exp3A_773 : vector<16xf32>
      %add3A_775 = arith.addf %add3A_761, %gather3A_771 : vector<16xf32>
      %mul3A_776 = arith.mulf %gather3A_771, %gather3A_770 : vector<16xf32>
      %add3A_777 = arith.addf %add3A_763, %mul3A_776 : vector<16xf32>
      %add3A_778 = arith.constant 28 : i32
      %add3A_779 = vector.broadcast %add3A_778 : i32 to vector<16xi32>
      %add3A_780 = arith.addi %iota3A, %add3A_779 : vector<16xi32>
      %rem3A_781 = arith.constant 51 : i32
      %rem3A_782 = vector.broadcast %rem3A_781 : i32 to vector<16xi32>
      %rem3A_783 = arith.remsi %add3A_780, %rem3A_782 : vector<16xi32>
      %gather3A_784 = tpu.vector_load_idx %arg5[%add3A_17, %rem3A_783] : memref<176x51xf32, #tpu.memory_space<vmem>>[vector<16xi32>, vector<16xi32>], vector<16xf32>,
      %gather3A_785 = tpu.vector_load_idx %arg6[%add3A_17, %rem3A_783] : memref<176x51xf32, #tpu.memory_space<vmem>>[vector<16xi32>, vector<16xi32>], vector<16xf32>,
      %sub3A_786 = arith.subf %gather3A_784, %max3A_421 : vector<16xf32>
      %exp3A_787 = math.exp %sub3A_786 : vector<16xf32>
      %add3A_788 = arith.addf %add3A_774, %exp3A_787 : vector<16xf32>
      %add3A_789 = arith.addf %add3A_775, %gather3A_785 : vector<16xf32>
      %mul3A_790 = arith.mulf %gather3A_785, %gather3A_784 : vector<16xf32>
      %add3A_791 = arith.addf %add3A_777, %mul3A_790 : vector<16xf32>
      %add3A_792 = arith.constant 31 : i32
      %add3A_793 = vector.broadcast %add3A_792 : i32 to vector<16xi32>
      %add3A_794 = arith.addi %iota3A, %add3A_793 : vector<16xi32>
      %rem3A_795 = arith.constant 51 : i32
      %rem3A_796 = vector.broadcast %rem3A_795 : i32 to vector<16xi32>
      %rem3A_797 = arith.remsi %add3A_794, %rem3A_796 : vector<16xi32>
      %gather3A_798 = tpu.vector_load_idx %arg5[%add3A_17, %rem3A_797] : memref<176x51xf32, #tpu.memory_space<vmem>>[vector<16xi32>, vector<16xi32>], vector<16xf32>,
      %gather3A_799 = tpu.vector_load_idx %arg6[%add3A_17, %rem3A_797] : memref<176x51xf32, #tpu.memory_space<vmem>>[vector<16xi32>, vector<16xi32>], vector<16xf32>,
      %sub3A_800 = arith.subf %gather3A_798, %max3A_421 : vector<16xf32>
      %exp3A_801 = math.exp %sub3A_800 : vector<16xf32>
      %add3A_802 = arith.addf %add3A_788, %exp3A_801 : vector<16xf32>
      %add3A_803 = arith.addf %add3A_789, %gather3A_799 : vector<16xf32>
      %mul3A_804 = arith.mulf %gather3A_799, %gather3A_798 : vector<16xf32>
      %add3A_805 = arith.addf %add3A_791, %mul3A_804 : vector<16xf32>
      %add3A_806 = arith.constant 34 : i32
      %add3A_807 = vector.broadcast %add3A_806 : i32 to vector<16xi32>
      %add3A_808 = arith.addi %iota3A, %add3A_807 : vector<16xi32>
      %rem3A_809 = arith.constant 51 : i32
      %rem3A_810 = vector.broadcast %rem3A_809 : i32 to vector<16xi32>
      %rem3A_811 = arith.remsi %add3A_808, %rem3A_810 : vector<16xi32>
      %gather3A_812 = tpu.vector_load_idx %arg5[%add3A_17, %rem3A_811] : memref<176x51xf32, #tpu.memory_space<vmem>>[vector<16xi32>, vector<16xi32>], vector<16xf32>,
      %gather3A_813 = tpu.vector_load_idx %arg6[%add3A_17, %rem3A_811] : memref<176x51xf32, #tpu.memory_space<vmem>>[vector<16xi32>, vector<16xi32>], vector<16xf32>,
      %sub3A_814 = arith.subf %gather3A_812, %max3A_421 : vector<16xf32>
      %exp3A_815 = math.exp %sub3A_814 : vector<16xf32>
      %add3A_816 = arith.addf %add3A_802, %exp3A_815 : vector<16xf32>
      %add3A_817 = arith.addf %add3A_803, %gather3A_813 : vector<16xf32>
      %mul3A_818 = arith.mulf %gather3A_813, %gather3A_812 : vector<16xf32>
      %add3A_819 = arith.addf %add3A_805, %mul3A_818 : vector<16xf32>
      %add3A_820 = arith.constant 37 : i32
      %add3A_821 = vector.broadcast %add3A_820 : i32 to vector<16xi32>
      %add3A_822 = arith.addi %iota3A, %add3A_821 : vector<16xi32>
      %rem3A_823 = arith.constant 51 : i32
      %rem3A_824 = vector.broadcast %rem3A_823 : i32 to vector<16xi32>
      %rem3A_825 = arith.remsi %add3A_822, %rem3A_824 : vector<16xi32>
      %gather3A_826 = tpu.vector_load_idx %arg5[%add3A_17, %rem3A_825] : memref<176x51xf32, #tpu.memory_space<vmem>>[vector<16xi32>, vector<16xi32>], vector<16xf32>,
      %gather3A_827 = tpu.vector_load_idx %arg6[%add3A_17, %rem3A_825] : memref<176x51xf32, #tpu.memory_space<vmem>>[vector<16xi32>, vector<16xi32>], vector<16xf32>,
      %sub3A_828 = arith.subf %gather3A_826, %max3A_421 : vector<16xf32>
      %exp3A_829 = math.exp %sub3A_828 : vector<16xf32>
      %add3A_830 = arith.addf %add3A_816, %exp3A_829 : vector<16xf32>
      %add3A_831 = arith.addf %add3A_817, %gather3A_827 : vector<16xf32>
      %mul3A_832 = arith.mulf %gather3A_827, %gather3A_826 : vector<16xf32>
      %add3A_833 = arith.addf %add3A_819, %mul3A_832 : vector<16xf32>
      %add3A_834 = arith.constant 40 : i32
      %add3A_835 = vector.broadcast %add3A_834 : i32 to vector<16xi32>
      %add3A_836 = arith.addi %iota3A, %add3A_835 : vector<16xi32>
      %rem3A_837 = arith.constant 51 : i32
      %rem3A_838 = vector.broadcast %rem3A_837 : i32 to vector<16xi32>
      %rem3A_839 = arith.remsi %add3A_836, %rem3A_838 : vector<16xi32>
      %gather3A_840 = tpu.vector_load_idx %arg5[%add3A_17, %rem3A_839] : memref<176x51xf32, #tpu.memory_space<vmem>>[vector<16xi32>, vector<16xi32>], vector<16xf32>,
      %gather3A_841 = tpu.vector_load_idx %arg6[%add3A_17, %rem3A_839] : memref<176x51xf32, #tpu.memory_space<vmem>>[vector<16xi32>, vector<16xi32>], vector<16xf32>,
      %sub3A_842 = arith.subf %gather3A_840, %max3A_421 : vector<16xf32>
      %exp3A_843 = math.exp %sub3A_842 : vector<16xf32>
      %add3A_844 = arith.addf %add3A_830, %exp3A_843 : vector<16xf32>
      %add3A_845 = arith.addf %add3A_831, %gather3A_841 : vector<16xf32>
      %mul3A_846 = arith.mulf %gather3A_841, %gather3A_840 : vector<16xf32>
      %add3A_847 = arith.addf %add3A_833, %mul3A_846 : vector<16xf32>
      %add3A_848 = arith.constant 43 : i32
      %add3A_849 = vector.broadcast %add3A_848 : i32 to vector<16xi32>
      %add3A_850 = arith.addi %iota3A, %add3A_849 : vector<16xi32>
      %rem3A_851 = arith.constant 51 : i32
      %rem3A_852 = vector.broadcast %rem3A_851 : i32 to vector<16xi32>
      %rem3A_853 = arith.remsi %add3A_850, %rem3A_852 : vector<16xi32>
      %gather3A_854 = tpu.vector_load_idx %arg5[%add3A_17, %rem3A_853] : memref<176x51xf32, #tpu.memory_space<vmem>>[vector<16xi32>, vector<16xi32>], vector<16xf32>,
      %gather3A_855 = tpu.vector_load_idx %arg6[%add3A_17, %rem3A_853] : memref<176x51xf32, #tpu.memory_space<vmem>>[vector<16xi32>, vector<16xi32>], vector<16xf32>,
      %sub3A_856 = arith.subf %gather3A_854, %max3A_421 : vector<16xf32>
      %exp3A_857 = math.exp %sub3A_856 : vector<16xf32>
      %add3A_858 = arith.addf %add3A_844, %exp3A_857 : vector<16xf32>
      %add3A_859 = arith.addf %add3A_845, %gather3A_855 : vector<16xf32>
      %mul3A_860 = arith.mulf %gather3A_855, %gather3A_854 : vector<16xf32>
      %add3A_861 = arith.addf %add3A_847, %mul3A_860 : vector<16xf32>
      %add3A_862 = arith.constant 46 : i32
      %add3A_863 = vector.broadcast %add3A_862 : i32 to vector<16xi32>
      %add3A_864 = arith.addi %iota3A, %add3A_863 : vector<16xi32>
      %rem3A_865 = arith.constant 51 : i32
      %rem3A_866 = vector.broadcast %rem3A_865 : i32 to vector<16xi32>
      %rem3A_867 = arith.remsi %add3A_864, %rem3A_866 : vector<16xi32>
      %gather3A_868 = tpu.vector_load_idx %arg5[%add3A_17, %rem3A_867] : memref<176x51xf32, #tpu.memory_space<vmem>>[vector<16xi32>, vector<16xi32>], vector<16xf32>,
      %gather3A_869 = tpu.vector_load_idx %arg6[%add3A_17, %rem3A_867] : memref<176x51xf32, #tpu.memory_space<vmem>>[vector<16xi32>, vector<16xi32>], vector<16xf32>,
      %sub3A_870 = arith.subf %gather3A_868, %max3A_421 : vector<16xf32>
      %exp3A_871 = math.exp %sub3A_870 : vector<16xf32>
      %add3A_872 = arith.addf %add3A_858, %exp3A_871 : vector<16xf32>
      %add3A_873 = arith.addf %add3A_859, %gather3A_869 : vector<16xf32>
      %mul3A_874 = arith.mulf %gather3A_869, %gather3A_868 : vector<16xf32>
      %add3A_875 = arith.addf %add3A_861, %mul3A_874 : vector<16xf32>
      %add3A_876 = arith.constant 49 : i32
      %add3A_877 = vector.broadcast %add3A_876 : i32 to vector<16xi32>
      %add3A_878 = arith.addi %iota3A, %add3A_877 : vector<16xi32>
      %rem3A_879 = arith.constant 51 : i32
      %rem3A_880 = vector.broadcast %rem3A_879 : i32 to vector<16xi32>
      %rem3A_881 = arith.remsi %add3A_878, %rem3A_880 : vector<16xi32>
      %gather3A_882 = tpu.vector_load_idx %arg5[%add3A_17, %rem3A_881] : memref<176x51xf32, #tpu.memory_space<vmem>>[vector<16xi32>, vector<16xi32>], vector<16xf32>,
      %gather3A_883 = tpu.vector_load_idx %arg6[%add3A_17, %rem3A_881] : memref<176x51xf32, #tpu.memory_space<vmem>>[vector<16xi32>, vector<16xi32>], vector<16xf32>,
      %sub3A_884 = arith.subf %gather3A_882, %max3A_421 : vector<16xf32>
      %exp3A_885 = math.exp %sub3A_884 : vector<16xf32>
      %add3A_886 = arith.addf %add3A_872, %exp3A_885 : vector<16xf32>
      %add3A_887 = arith.addf %add3A_873, %gather3A_883 : vector<16xf32>
      %mul3A_888 = arith.mulf %gather3A_883, %gather3A_882 : vector<16xf32>
      %add3A_889 = arith.addf %add3A_875, %mul3A_888 : vector<16xf32>
      %add3A_890 = arith.constant 2 : i32
      %add3A_891 = vector.broadcast %add3A_890 : i32 to vector<16xi32>
      %add3A_892 = arith.addi %iota3A, %add3A_891 : vector<16xi32>
      %rem3A_893 = arith.constant 51 : i32
      %rem3A_894 = vector.broadcast %rem3A_893 : i32 to vector<16xi32>
      %rem3A_895 = arith.remsi %add3A_892, %rem3A_894 : vector<16xi32>
      %gather3A_896 = tpu.vector_load_idx %arg5[%add3A_17, %rem3A_895] : memref<176x51xf32, #tpu.memory_space<vmem>>[vector<16xi32>, vector<16xi32>], vector<16xf32>,
      %gather3A_897 = tpu.vector_load_idx %arg6[%add3A_17, %rem3A_895] : memref<176x51xf32, #tpu.memory_space<vmem>>[vector<16xi32>, vector<16xi32>], vector<16xf32>,
      %sub3A_898 = arith.subf %gather3A_896, %max3A_421 : vector<16xf32>
      %exp3A_899 = math.exp %sub3A_898 : vector<16xf32>
      %mul3A_900 = arith.mulf %gather3A_897, %gather3A_896 : vector<16xf32>
      %add3A_901 = arith.constant 5 : i32
      %add3A_902 = vector.broadcast %add3A_901 : i32 to vector<16xi32>
      %add3A_903 = arith.addi %iota3A, %add3A_902 : vector<16xi32>
      %rem3A_904 = arith.constant 51 : i32
      %rem3A_905 = vector.broadcast %rem3A_904 : i32 to vector<16xi32>
      %rem3A_906 = arith.remsi %add3A_903, %rem3A_905 : vector<16xi32>
      %gather3A_907 = tpu.vector_load_idx %arg5[%add3A_17, %rem3A_906] : memref<176x51xf32, #tpu.memory_space<vmem>>[vector<16xi32>, vector<16xi32>], vector<16xf32>,
      %gather3A_908 = tpu.vector_load_idx %arg6[%add3A_17, %rem3A_906] : memref<176x51xf32, #tpu.memory_space<vmem>>[vector<16xi32>, vector<16xi32>], vector<16xf32>,
      %sub3A_909 = arith.subf %gather3A_907, %max3A_421 : vector<16xf32>
      %exp3A_910 = math.exp %sub3A_909 : vector<16xf32>
      %add3A_911 = arith.addf %exp3A_899, %exp3A_910 : vector<16xf32>
      %add3A_912 = arith.addf %gather3A_897, %gather3A_908 : vector<16xf32>
      %mul3A_913 = arith.mulf %gather3A_908, %gather3A_907 : vector<16xf32>
      %add3A_914 = arith.addf %mul3A_900, %mul3A_913 : vector<16xf32>
      %add3A_915 = arith.constant 8 : i32
      %add3A_916 = vector.broadcast %add3A_915 : i32 to vector<16xi32>
      %add3A_917 = arith.addi %iota3A, %add3A_916 : vector<16xi32>
      %rem3A_918 = arith.constant 51 : i32
      %rem3A_919 = vector.broadcast %rem3A_918 : i32 to vector<16xi32>
      %rem3A_920 = arith.remsi %add3A_917, %rem3A_919 : vector<16xi32>
      %gather3A_921 = tpu.vector_load_idx %arg5[%add3A_17, %rem3A_920] : memref<176x51xf32, #tpu.memory_space<vmem>>[vector<16xi32>, vector<16xi32>], vector<16xf32>,
      %gather3A_922 = tpu.vector_load_idx %arg6[%add3A_17, %rem3A_920] : memref<176x51xf32, #tpu.memory_space<vmem>>[vector<16xi32>, vector<16xi32>], vector<16xf32>,
      %sub3A_923 = arith.subf %gather3A_921, %max3A_421 : vector<16xf32>
      %exp3A_924 = math.exp %sub3A_923 : vector<16xf32>
      %add3A_925 = arith.addf %add3A_911, %exp3A_924 : vector<16xf32>
      %add3A_926 = arith.addf %add3A_912, %gather3A_922 : vector<16xf32>
      %mul3A_927 = arith.mulf %gather3A_922, %gather3A_921 : vector<16xf32>
      %add3A_928 = arith.addf %add3A_914, %mul3A_927 : vector<16xf32>
      %add3A_929 = arith.constant 11 : i32
      %add3A_930 = vector.broadcast %add3A_929 : i32 to vector<16xi32>
      %add3A_931 = arith.addi %iota3A, %add3A_930 : vector<16xi32>
      %rem3A_932 = arith.constant 51 : i32
      %rem3A_933 = vector.broadcast %rem3A_932 : i32 to vector<16xi32>
      %rem3A_934 = arith.remsi %add3A_931, %rem3A_933 : vector<16xi32>
      %gather3A_935 = tpu.vector_load_idx %arg5[%add3A_17, %rem3A_934] : memref<176x51xf32, #tpu.memory_space<vmem>>[vector<16xi32>, vector<16xi32>], vector<16xf32>,
      %gather3A_936 = tpu.vector_load_idx %arg6[%add3A_17, %rem3A_934] : memref<176x51xf32, #tpu.memory_space<vmem>>[vector<16xi32>, vector<16xi32>], vector<16xf32>,
      %sub3A_937 = arith.subf %gather3A_935, %max3A_421 : vector<16xf32>
      %exp3A_938 = math.exp %sub3A_937 : vector<16xf32>
      %add3A_939 = arith.addf %add3A_925, %exp3A_938 : vector<16xf32>
      %add3A_940 = arith.addf %add3A_926, %gather3A_936 : vector<16xf32>
      %mul3A_941 = arith.mulf %gather3A_936, %gather3A_935 : vector<16xf32>
      %add3A_942 = arith.addf %add3A_928, %mul3A_941 : vector<16xf32>
      %add3A_943 = arith.constant 14 : i32
      %add3A_944 = vector.broadcast %add3A_943 : i32 to vector<16xi32>
      %add3A_945 = arith.addi %iota3A, %add3A_944 : vector<16xi32>
      %rem3A_946 = arith.constant 51 : i32
      %rem3A_947 = vector.broadcast %rem3A_946 : i32 to vector<16xi32>
      %rem3A_948 = arith.remsi %add3A_945, %rem3A_947 : vector<16xi32>
      %gather3A_949 = tpu.vector_load_idx %arg5[%add3A_17, %rem3A_948] : memref<176x51xf32, #tpu.memory_space<vmem>>[vector<16xi32>, vector<16xi32>], vector<16xf32>,
      %gather3A_950 = tpu.vector_load_idx %arg6[%add3A_17, %rem3A_948] : memref<176x51xf32, #tpu.memory_space<vmem>>[vector<16xi32>, vector<16xi32>], vector<16xf32>,
      %sub3A_951 = arith.subf %gather3A_949, %max3A_421 : vector<16xf32>
      %exp3A_952 = math.exp %sub3A_951 : vector<16xf32>
      %add3A_953 = arith.addf %add3A_939, %exp3A_952 : vector<16xf32>
      %add3A_954 = arith.addf %add3A_940, %gather3A_950 : vector<16xf32>
      %mul3A_955 = arith.mulf %gather3A_950, %gather3A_949 : vector<16xf32>
      %add3A_956 = arith.addf %add3A_942, %mul3A_955 : vector<16xf32>
      %add3A_957 = arith.constant 17 : i32
      %add3A_958 = vector.broadcast %add3A_957 : i32 to vector<16xi32>
      %add3A_959 = arith.addi %iota3A, %add3A_958 : vector<16xi32>
      %rem3A_960 = arith.constant 51 : i32
      %rem3A_961 = vector.broadcast %rem3A_960 : i32 to vector<16xi32>
      %rem3A_962 = arith.remsi %add3A_959, %rem3A_961 : vector<16xi32>
      %gather3A_963 = tpu.vector_load_idx %arg5[%add3A_17, %rem3A_962] : memref<176x51xf32, #tpu.memory_space<vmem>>[vector<16xi32>, vector<16xi32>], vector<16xf32>,
      %gather3A_964 = tpu.vector_load_idx %arg6[%add3A_17, %rem3A_962] : memref<176x51xf32, #tpu.memory_space<vmem>>[vector<16xi32>, vector<16xi32>], vector<16xf32>,
      %sub3A_965 = arith.subf %gather3A_963, %max3A_421 : vector<16xf32>
      %exp3A_966 = math.exp %sub3A_965 : vector<16xf32>
      %add3A_967 = arith.addf %add3A_953, %exp3A_966 : vector<16xf32>
      %add3A_968 = arith.addf %add3A_954, %gather3A_964 : vector<16xf32>
      %mul3A_969 = arith.mulf %gather3A_964, %gather3A_963 : vector<16xf32>
      %add3A_970 = arith.addf %add3A_956, %mul3A_969 : vector<16xf32>
      %add3A_971 = arith.constant 20 : i32
      %add3A_972 = vector.broadcast %add3A_971 : i32 to vector<16xi32>
      %add3A_973 = arith.addi %iota3A, %add3A_972 : vector<16xi32>
      %rem3A_974 = arith.constant 51 : i32
      %rem3A_975 = vector.broadcast %rem3A_974 : i32 to vector<16xi32>
      %rem3A_976 = arith.remsi %add3A_973, %rem3A_975 : vector<16xi32>
      %gather3A_977 = tpu.vector_load_idx %arg5[%add3A_17, %rem3A_976] : memref<176x51xf32, #tpu.memory_space<vmem>>[vector<16xi32>, vector<16xi32>], vector<16xf32>,
      %gather3A_978 = tpu.vector_load_idx %arg6[%add3A_17, %rem3A_976] : memref<176x51xf32, #tpu.memory_space<vmem>>[vector<16xi32>, vector<16xi32>], vector<16xf32>,
      %sub3A_979 = arith.subf %gather3A_977, %max3A_421 : vector<16xf32>
      %exp3A_980 = math.exp %sub3A_979 : vector<16xf32>
      %add3A_981 = arith.addf %add3A_967, %exp3A_980 : vector<16xf32>
      %add3A_982 = arith.addf %add3A_968, %gather3A_978 : vector<16xf32>
      %mul3A_983 = arith.mulf %gather3A_978, %gather3A_977 : vector<16xf32>
      %add3A_984 = arith.addf %add3A_970, %mul3A_983 : vector<16xf32>
      %add3A_985 = arith.constant 23 : i32
      %add3A_986 = vector.broadcast %add3A_985 : i32 to vector<16xi32>
      %add3A_987 = arith.addi %iota3A, %add3A_986 : vector<16xi32>
      %rem3A_988 = arith.constant 51 : i32
      %rem3A_989 = vector.broadcast %rem3A_988 : i32 to vector<16xi32>
      %rem3A_990 = arith.remsi %add3A_987, %rem3A_989 : vector<16xi32>
      %gather3A_991 = tpu.vector_load_idx %arg5[%add3A_17, %rem3A_990] : memref<176x51xf32, #tpu.memory_space<vmem>>[vector<16xi32>, vector<16xi32>], vector<16xf32>,
      %gather3A_992 = tpu.vector_load_idx %arg6[%add3A_17, %rem3A_990] : memref<176x51xf32, #tpu.memory_space<vmem>>[vector<16xi32>, vector<16xi32>], vector<16xf32>,
      %sub3A_993 = arith.subf %gather3A_991, %max3A_421 : vector<16xf32>
      %exp3A_994 = math.exp %sub3A_993 : vector<16xf32>
      %add3A_995 = arith.addf %add3A_981, %exp3A_994 : vector<16xf32>
      %add3A_996 = arith.addf %add3A_982, %gather3A_992 : vector<16xf32>
      %mul3A_997 = arith.mulf %gather3A_992, %gather3A_991 : vector<16xf32>
      %add3A_998 = arith.addf %add3A_984, %mul3A_997 : vector<16xf32>
      %add3A_999 = arith.constant 26 : i32
      %add3A_1000 = vector.broadcast %add3A_999 : i32 to vector<16xi32>
      %add3A_1001 = arith.addi %iota3A, %add3A_1000 : vector<16xi32>
      %rem3A_1002 = arith.constant 51 : i32
      %rem3A_1003 = vector.broadcast %rem3A_1002 : i32 to vector<16xi32>
      %rem3A_1004 = arith.remsi %add3A_1001, %rem3A_1003 : vector<16xi32>
      %gather3A_1005 = tpu.vector_load_idx %arg5[%add3A_17, %rem3A_1004] : memref<176x51xf32, #tpu.memory_space<vmem>>[vector<16xi32>, vector<16xi32>], vector<16xf32>,
      %gather3A_1006 = tpu.vector_load_idx %arg6[%add3A_17, %rem3A_1004] : memref<176x51xf32, #tpu.memory_space<vmem>>[vector<16xi32>, vector<16xi32>], vector<16xf32>,
      %sub3A_1007 = arith.subf %gather3A_1005, %max3A_421 : vector<16xf32>
      %exp3A_1008 = math.exp %sub3A_1007 : vector<16xf32>
      %add3A_1009 = arith.addf %add3A_995, %exp3A_1008 : vector<16xf32>
      %add3A_1010 = arith.addf %add3A_996, %gather3A_1006 : vector<16xf32>
      %mul3A_1011 = arith.mulf %gather3A_1006, %gather3A_1005 : vector<16xf32>
      %add3A_1012 = arith.addf %add3A_998, %mul3A_1011 : vector<16xf32>
      %add3A_1013 = arith.constant 29 : i32
      %add3A_1014 = vector.broadcast %add3A_1013 : i32 to vector<16xi32>
      %add3A_1015 = arith.addi %iota3A, %add3A_1014 : vector<16xi32>
      %rem3A_1016 = arith.constant 51 : i32
      %rem3A_1017 = vector.broadcast %rem3A_1016 : i32 to vector<16xi32>
      %rem3A_1018 = arith.remsi %add3A_1015, %rem3A_1017 : vector<16xi32>
      %gather3A_1019 = tpu.vector_load_idx %arg5[%add3A_17, %rem3A_1018] : memref<176x51xf32, #tpu.memory_space<vmem>>[vector<16xi32>, vector<16xi32>], vector<16xf32>,
      %gather3A_1020 = tpu.vector_load_idx %arg6[%add3A_17, %rem3A_1018] : memref<176x51xf32, #tpu.memory_space<vmem>>[vector<16xi32>, vector<16xi32>], vector<16xf32>,
      %sub3A_1021 = arith.subf %gather3A_1019, %max3A_421 : vector<16xf32>
      %exp3A_1022 = math.exp %sub3A_1021 : vector<16xf32>
      %add3A_1023 = arith.addf %add3A_1009, %exp3A_1022 : vector<16xf32>
      %add3A_1024 = arith.addf %add3A_1010, %gather3A_1020 : vector<16xf32>
      %mul3A_1025 = arith.mulf %gather3A_1020, %gather3A_1019 : vector<16xf32>
      %add3A_1026 = arith.addf %add3A_1012, %mul3A_1025 : vector<16xf32>
      %add3A_1027 = arith.constant 32 : i32
      %add3A_1028 = vector.broadcast %add3A_1027 : i32 to vector<16xi32>
      %add3A_1029 = arith.addi %iota3A, %add3A_1028 : vector<16xi32>
      %rem3A_1030 = arith.constant 51 : i32
      %rem3A_1031 = vector.broadcast %rem3A_1030 : i32 to vector<16xi32>
      %rem3A_1032 = arith.remsi %add3A_1029, %rem3A_1031 : vector<16xi32>
      %gather3A_1033 = tpu.vector_load_idx %arg5[%add3A_17, %rem3A_1032] : memref<176x51xf32, #tpu.memory_space<vmem>>[vector<16xi32>, vector<16xi32>], vector<16xf32>,
      %gather3A_1034 = tpu.vector_load_idx %arg6[%add3A_17, %rem3A_1032] : memref<176x51xf32, #tpu.memory_space<vmem>>[vector<16xi32>, vector<16xi32>], vector<16xf32>,
      %sub3A_1035 = arith.subf %gather3A_1033, %max3A_421 : vector<16xf32>
      %exp3A_1036 = math.exp %sub3A_1035 : vector<16xf32>
      %add3A_1037 = arith.addf %add3A_1023, %exp3A_1036 : vector<16xf32>
      %add3A_1038 = arith.addf %add3A_1024, %gather3A_1034 : vector<16xf32>
      %mul3A_1039 = arith.mulf %gather3A_1034, %gather3A_1033 : vector<16xf32>
      %add3A_1040 = arith.addf %add3A_1026, %mul3A_1039 : vector<16xf32>
      %add3A_1041 = arith.constant 35 : i32
      %add3A_1042 = vector.broadcast %add3A_1041 : i32 to vector<16xi32>
      %add3A_1043 = arith.addi %iota3A, %add3A_1042 : vector<16xi32>
      %rem3A_1044 = arith.constant 51 : i32
      %rem3A_1045 = vector.broadcast %rem3A_1044 : i32 to vector<16xi32>
      %rem3A_1046 = arith.remsi %add3A_1043, %rem3A_1045 : vector<16xi32>
      %gather3A_1047 = tpu.vector_load_idx %arg5[%add3A_17, %rem3A_1046] : memref<176x51xf32, #tpu.memory_space<vmem>>[vector<16xi32>, vector<16xi32>], vector<16xf32>,
      %gather3A_1048 = tpu.vector_load_idx %arg6[%add3A_17, %rem3A_1046] : memref<176x51xf32, #tpu.memory_space<vmem>>[vector<16xi32>, vector<16xi32>], vector<16xf32>,
      %sub3A_1049 = arith.subf %gather3A_1047, %max3A_421 : vector<16xf32>
      %exp3A_1050 = math.exp %sub3A_1049 : vector<16xf32>
      %add3A_1051 = arith.addf %add3A_1037, %exp3A_1050 : vector<16xf32>
      %add3A_1052 = arith.addf %add3A_1038, %gather3A_1048 : vector<16xf32>
      %mul3A_1053 = arith.mulf %gather3A_1048, %gather3A_1047 : vector<16xf32>
      %add3A_1054 = arith.addf %add3A_1040, %mul3A_1053 : vector<16xf32>
      %add3A_1055 = arith.constant 38 : i32
      %add3A_1056 = vector.broadcast %add3A_1055 : i32 to vector<16xi32>
      %add3A_1057 = arith.addi %iota3A, %add3A_1056 : vector<16xi32>
      %rem3A_1058 = arith.constant 51 : i32
      %rem3A_1059 = vector.broadcast %rem3A_1058 : i32 to vector<16xi32>
      %rem3A_1060 = arith.remsi %add3A_1057, %rem3A_1059 : vector<16xi32>
      %gather3A_1061 = tpu.vector_load_idx %arg5[%add3A_17, %rem3A_1060] : memref<176x51xf32, #tpu.memory_space<vmem>>[vector<16xi32>, vector<16xi32>], vector<16xf32>,
      %gather3A_1062 = tpu.vector_load_idx %arg6[%add3A_17, %rem3A_1060] : memref<176x51xf32, #tpu.memory_space<vmem>>[vector<16xi32>, vector<16xi32>], vector<16xf32>,
      %sub3A_1063 = arith.subf %gather3A_1061, %max3A_421 : vector<16xf32>
      %exp3A_1064 = math.exp %sub3A_1063 : vector<16xf32>
      %add3A_1065 = arith.addf %add3A_1051, %exp3A_1064 : vector<16xf32>
      %add3A_1066 = arith.addf %add3A_1052, %gather3A_1062 : vector<16xf32>
      %mul3A_1067 = arith.mulf %gather3A_1062, %gather3A_1061 : vector<16xf32>
      %add3A_1068 = arith.addf %add3A_1054, %mul3A_1067 : vector<16xf32>
      %add3A_1069 = arith.constant 41 : i32
      %add3A_1070 = vector.broadcast %add3A_1069 : i32 to vector<16xi32>
      %add3A_1071 = arith.addi %iota3A, %add3A_1070 : vector<16xi32>
      %rem3A_1072 = arith.constant 51 : i32
      %rem3A_1073 = vector.broadcast %rem3A_1072 : i32 to vector<16xi32>
      %rem3A_1074 = arith.remsi %add3A_1071, %rem3A_1073 : vector<16xi32>
      %gather3A_1075 = tpu.vector_load_idx %arg5[%add3A_17, %rem3A_1074] : memref<176x51xf32, #tpu.memory_space<vmem>>[vector<16xi32>, vector<16xi32>], vector<16xf32>,
      %gather3A_1076 = tpu.vector_load_idx %arg6[%add3A_17, %rem3A_1074] : memref<176x51xf32, #tpu.memory_space<vmem>>[vector<16xi32>, vector<16xi32>], vector<16xf32>,
      %sub3A_1077 = arith.subf %gather3A_1075, %max3A_421 : vector<16xf32>
      %exp3A_1078 = math.exp %sub3A_1077 : vector<16xf32>
      %add3A_1079 = arith.addf %add3A_1065, %exp3A_1078 : vector<16xf32>
      %add3A_1080 = arith.addf %add3A_1066, %gather3A_1076 : vector<16xf32>
      %mul3A_1081 = arith.mulf %gather3A_1076, %gather3A_1075 : vector<16xf32>
      %add3A_1082 = arith.addf %add3A_1068, %mul3A_1081 : vector<16xf32>
      %add3A_1083 = arith.constant 44 : i32
      %add3A_1084 = vector.broadcast %add3A_1083 : i32 to vector<16xi32>
      %add3A_1085 = arith.addi %iota3A, %add3A_1084 : vector<16xi32>
      %rem3A_1086 = arith.constant 51 : i32
      %rem3A_1087 = vector.broadcast %rem3A_1086 : i32 to vector<16xi32>
      %rem3A_1088 = arith.remsi %add3A_1085, %rem3A_1087 : vector<16xi32>
      %gather3A_1089 = tpu.vector_load_idx %arg5[%add3A_17, %rem3A_1088] : memref<176x51xf32, #tpu.memory_space<vmem>>[vector<16xi32>, vector<16xi32>], vector<16xf32>,
      %gather3A_1090 = tpu.vector_load_idx %arg6[%add3A_17, %rem3A_1088] : memref<176x51xf32, #tpu.memory_space<vmem>>[vector<16xi32>, vector<16xi32>], vector<16xf32>,
      %sub3A_1091 = arith.subf %gather3A_1089, %max3A_421 : vector<16xf32>
      %exp3A_1092 = math.exp %sub3A_1091 : vector<16xf32>
      %add3A_1093 = arith.addf %add3A_1079, %exp3A_1092 : vector<16xf32>
      %add3A_1094 = arith.addf %add3A_1080, %gather3A_1090 : vector<16xf32>
      %mul3A_1095 = arith.mulf %gather3A_1090, %gather3A_1089 : vector<16xf32>
      %add3A_1096 = arith.addf %add3A_1082, %mul3A_1095 : vector<16xf32>
      %add3A_1097 = arith.constant 47 : i32
      %add3A_1098 = vector.broadcast %add3A_1097 : i32 to vector<16xi32>
      %add3A_1099 = arith.addi %iota3A, %add3A_1098 : vector<16xi32>
      %rem3A_1100 = arith.constant 51 : i32
      %rem3A_1101 = vector.broadcast %rem3A_1100 : i32 to vector<16xi32>
      %rem3A_1102 = arith.remsi %add3A_1099, %rem3A_1101 : vector<16xi32>
      %gather3A_1103 = tpu.vector_load_idx %arg5[%add3A_17, %rem3A_1102] : memref<176x51xf32, #tpu.memory_space<vmem>>[vector<16xi32>, vector<16xi32>], vector<16xf32>,
      %gather3A_1104 = tpu.vector_load_idx %arg6[%add3A_17, %rem3A_1102] : memref<176x51xf32, #tpu.memory_space<vmem>>[vector<16xi32>, vector<16xi32>], vector<16xf32>,
      %sub3A_1105 = arith.subf %gather3A_1103, %max3A_421 : vector<16xf32>
      %exp3A_1106 = math.exp %sub3A_1105 : vector<16xf32>
      %add3A_1107 = arith.addf %add3A_1093, %exp3A_1106 : vector<16xf32>
      %add3A_1108 = arith.addf %add3A_1094, %gather3A_1104 : vector<16xf32>
      %mul3A_1109 = arith.mulf %gather3A_1104, %gather3A_1103 : vector<16xf32>
      %add3A_1110 = arith.addf %add3A_1096, %mul3A_1109 : vector<16xf32>
      %add3A_1111 = arith.constant 50 : i32
      %add3A_1112 = vector.broadcast %add3A_1111 : i32 to vector<16xi32>
      %add3A_1113 = arith.addi %iota3A, %add3A_1112 : vector<16xi32>
      %rem3A_1114 = arith.constant 51 : i32
      %rem3A_1115 = vector.broadcast %rem3A_1114 : i32 to vector<16xi32>
      %rem3A_1116 = arith.remsi %add3A_1113, %rem3A_1115 : vector<16xi32>
      %gather3A_1117 = tpu.vector_load_idx %arg5[%add3A_17, %rem3A_1116] : memref<176x51xf32, #tpu.memory_space<vmem>>[vector<16xi32>, vector<16xi32>], vector<16xf32>,
      %gather3A_1118 = tpu.vector_load_idx %arg6[%add3A_17, %rem3A_1116] : memref<176x51xf32, #tpu.memory_space<vmem>>[vector<16xi32>, vector<16xi32>], vector<16xf32>,
      %sub3A_1119 = arith.subf %gather3A_1117, %max3A_421 : vector<16xf32>
      %exp3A_1120 = math.exp %sub3A_1119 : vector<16xf32>
      %add3A_1121 = arith.addf %add3A_1107, %exp3A_1120 : vector<16xf32>
      %add3A_1122 = arith.addf %add3A_1108, %gather3A_1118 : vector<16xf32>
      %mul3A_1123 = arith.mulf %gather3A_1118, %gather3A_1117 : vector<16xf32>
      %add3A_1124 = arith.addf %add3A_1110, %mul3A_1123 : vector<16xf32>
      %add3A_1125 = arith.addf %add3A_651, %add3A_886 : vector<16xf32>
      %add3A_1126 = arith.addf %add3A_1125, %add3A_1121 : vector<16xf32>
      %add3A_1127 = arith.addf %add3A_652, %add3A_887 : vector<16xf32>
      %add3A_1128 = arith.addf %add3A_1127, %add3A_1122 : vector<16xf32>
      %add3A_1129 = arith.addf %add3A_654, %add3A_889 : vector<16xf32>
      %add3A_1130 = arith.addf %add3A_1129, %add3A_1124 : vector<16xf32>
      %bitcast3A = vector.bitcast %add3A_1126 : vector<16xf32> to vector<16xi32>
      %shift_right_arithmetic3A = arith.constant 23 : i32
      %shift_right_arithmetic3A_1131 = vector.broadcast %shift_right_arithmetic3A : i32 to vector<16xi32>
      %shift_right_arithmetic3A_1132 = arith.shrsi %bitcast3A, %shift_right_arithmetic3A_1131 : vector<16xi32>
      %sub3A_1133 = arith.constant 127 : i32
      %sub3A_1134 = vector.broadcast %sub3A_1133 : i32 to vector<16xi32>
      %sub3A_1135 = arith.subi %shift_right_arithmetic3A_1132, %sub3A_1134 : vector<16xi32>
      %and3A = arith.constant 8388607 : i32
      %and3A_1136 = vector.broadcast %and3A : i32 to vector<16xi32>
      %and3A_1137 = arith.andi %bitcast3A, %and3A_1136 : vector<16xi32>
      %or3A = arith.constant 1065353216 : i32
      %or3A_1138 = vector.broadcast %or3A : i32 to vector<16xi32>
      %or3A_1139 = arith.ori %and3A_1137, %or3A_1138 : vector<16xi32>
      %bitcast3A_1140 = vector.bitcast %or3A_1139 : vector<16xi32> to vector<16xf32>
      %ge3A = arith.constant 1.41421354 : f32
      %ge3A_1141 = vector.broadcast %ge3A : f32 to vector<16xf32>
      %ge3A_1142 = arith.cmpf oge, %bitcast3A_1140, %ge3A_1141 : vector<16xf32>
      %mul3A_1143 = arith.constant 5.000000e-01 : f32
      %mul3A_1144 = vector.broadcast %mul3A_1143 : f32 to vector<16xf32>
      %mul3A_1145 = arith.mulf %bitcast3A_1140, %mul3A_1144 : vector<16xf32>
      %select_n3A = arith.select %ge3A_1142, %mul3A_1145, %bitcast3A_1140 : vector<16xi1>, vector<16xf32>
      %convert_element_type3A = arith.extui %ge3A_1142 : vector<16xi1> to vector<16xi32>
      %add3A_1146 = arith.addi %sub3A_1135, %convert_element_type3A : vector<16xi32>
      %convert_element_type3A_1147 = arith.sitofp %add3A_1146 : vector<16xi32> to vector<16xf32>
      %sub3A_1148 = arith.constant 1.000000e+00 : f32
      %sub3A_1149 = vector.broadcast %sub3A_1148 : f32 to vector<16xf32>
      %sub3A_1150 = arith.subf %select_n3A, %sub3A_1149 : vector<16xf32>
      %mul3A_1151 = arith.mulf %sub3A_1150, %sub3A_1150 : vector<16xf32>
      %mul3A_1152 = arith.constant 0.0703768358 : f32
      %mul3A_1153 = vector.broadcast %mul3A_1152 : f32 to vector<16xf32>
      %mul3A_1154 = arith.mulf %mul3A_1153, %sub3A_1150 : vector<16xf32>
      %add3A_1155 = arith.constant -0.115146101 : f32
      %add3A_1156 = vector.broadcast %add3A_1155 : f32 to vector<16xf32>
      %add3A_1157 = arith.addf %mul3A_1154, %add3A_1156 : vector<16xf32>
      %mul3A_1158 = arith.mulf %add3A_1157, %sub3A_1150 : vector<16xf32>
      %add3A_1159 = arith.constant 0.116769984 : f32
      %add3A_1160 = vector.broadcast %add3A_1159 : f32 to vector<16xf32>
      %add3A_1161 = arith.addf %mul3A_1158, %add3A_1160 : vector<16xf32>
      %mul3A_1162 = arith.mulf %add3A_1161, %sub3A_1150 : vector<16xf32>
      %add3A_1163 = arith.constant -0.12420141 : f32
      %add3A_1164 = vector.broadcast %add3A_1163 : f32 to vector<16xf32>
      %add3A_1165 = arith.addf %mul3A_1162, %add3A_1164 : vector<16xf32>
      %mul3A_1166 = arith.mulf %add3A_1165, %sub3A_1150 : vector<16xf32>
      %add3A_1167 = arith.constant 0.142493233 : f32
      %add3A_1168 = vector.broadcast %add3A_1167 : f32 to vector<16xf32>
      %add3A_1169 = arith.addf %mul3A_1166, %add3A_1168 : vector<16xf32>
      %mul3A_1170 = arith.mulf %add3A_1169, %sub3A_1150 : vector<16xf32>
      %add3A_1171 = arith.constant -0.166680574 : f32
      %add3A_1172 = vector.broadcast %add3A_1171 : f32 to vector<16xf32>
      %add3A_1173 = arith.addf %mul3A_1170, %add3A_1172 : vector<16xf32>
      %mul3A_1174 = arith.mulf %add3A_1173, %sub3A_1150 : vector<16xf32>
      %add3A_1175 = arith.constant 0.200007141 : f32
      %add3A_1176 = vector.broadcast %add3A_1175 : f32 to vector<16xf32>
      %add3A_1177 = arith.addf %mul3A_1174, %add3A_1176 : vector<16xf32>
      %mul3A_1178 = arith.mulf %add3A_1177, %sub3A_1150 : vector<16xf32>
      %add3A_1179 = arith.constant -0.24999994 : f32
      %add3A_1180 = vector.broadcast %add3A_1179 : f32 to vector<16xf32>
      %add3A_1181 = arith.addf %mul3A_1178, %add3A_1180 : vector<16xf32>
      %mul3A_1182 = arith.mulf %add3A_1181, %sub3A_1150 : vector<16xf32>
      %add3A_1183 = arith.constant 0.333333313 : f32
      %add3A_1184 = vector.broadcast %add3A_1183 : f32 to vector<16xf32>
      %add3A_1185 = arith.addf %mul3A_1182, %add3A_1184 : vector<16xf32>
      %mul3A_1186 = arith.mulf %sub3A_1150, %mul3A_1151 : vector<16xf32>
      %mul3A_1187 = arith.mulf %mul3A_1186, %add3A_1185 : vector<16xf32>
      %mul3A_1188 = arith.constant -2.12194442E-4 : f32
      %mul3A_1189 = vector.broadcast %mul3A_1188 : f32 to vector<16xf32>
      %mul3A_1190 = arith.mulf %convert_element_type3A_1147, %mul3A_1189 : vector<16xf32>
      %add3A_1191 = arith.addf %mul3A_1187, %mul3A_1190 : vector<16xf32>
      %mul3A_1192 = arith.constant 5.000000e-01 : f32
      %mul3A_1193 = vector.broadcast %mul3A_1192 : f32 to vector<16xf32>
      %mul3A_1194 = arith.mulf %mul3A_1193, %mul3A_1151 : vector<16xf32>
      %sub3A_1195 = arith.subf %add3A_1191, %mul3A_1194 : vector<16xf32>
      %add3A_1196 = arith.addf %sub3A_1150, %sub3A_1195 : vector<16xf32>
      %mul3A_1197 = arith.constant 0.693359375 : f32
      %mul3A_1198 = vector.broadcast %mul3A_1197 : f32 to vector<16xf32>
      %mul3A_1199 = arith.mulf %convert_element_type3A_1147, %mul3A_1198 : vector<16xf32>
      %add3A_1200 = arith.addf %add3A_1196, %mul3A_1199 : vector<16xf32>
      %add3A_1201 = arith.addf %add3A_1200, %max3A_421 : vector<16xf32>
      %mul3A_1202 = arith.mulf %add3A_1201, %add3A_1128 : vector<16xf32>
      %sub3A_1203 = arith.subf %mul3A_1202, %add3A_1130 : vector<16xf32>
      %add3A_1204 = arith.addf %scan3A_13, %sub3A_1203 : vector<16xf32>
      scf.yield %add3A_1204 : vector<16xf32>
    }
    %scan3A_10 = arith.constant 11 : i32
    %swap3A = arith.constant 0 : index
    %swap3A_11 = tpu.vector_load %arg7[%swap3A] {strides = array<i32>} : memref<16xf32, #tpu.memory_space<vmem>>, vector<16xf32>,
    tpu.vector_store %arg7[%swap3A], %scan3A_9 {strides = array<i32>} : memref<16xf32, #tpu.memory_space<vmem>>, vector<16xf32>,
    "tpu.region"() ({
      %run_scoped3A = tpu.sem_alloc : memref<!tpu.dma_semaphore, #tpu.memory_space<semaphore_mem>>
      %dma_start3A = arith.constant 0 : i32
      %dma_start3A_12 = tpu.memref_slice %arg4[%add3A, %dma_start3A] : memref<32x16xf32, #tpu.memory_space<hbm>> -> memref<1x16xf32, #tpu.memory_space<hbm>>
      %dma_start3A_13 = tpu.memref_squeeze %dma_start3A_12 : memref<1x16xf32, #tpu.memory_space<hbm>> -> memref<16xf32, #tpu.memory_space<hbm>>
      %dma_start3A_14 = arith.constant 0 : i32
      %dma_start3A_15 = tpu.memref_slice %arg4[%add3A, %dma_start3A_14] : memref<32x16xf32, #tpu.memory_space<hbm>> -> memref<1x16xf32, #tpu.memory_space<hbm>>
      %dma_start3A_16 = tpu.memref_squeeze %dma_start3A_15 : memref<1x16xf32, #tpu.memory_space<hbm>> -> memref<16xf32, #tpu.memory_space<hbm>>
      tpu.enqueue_dma source(%arg7 : memref<16xf32, #tpu.memory_space<vmem>>) target(%dma_start3A_16 : memref<16xf32, #tpu.memory_space<hbm>>) target_semaphore(%run_scoped3A : memref<!tpu.dma_semaphore, #tpu.memory_space<semaphore_mem>>)
      %dma_wait3A = arith.constant 0 : i32
      %dma_wait3A_17 = tpu.memref_slice %arg4[%add3A, %dma_wait3A] : memref<32x16xf32, #tpu.memory_space<hbm>> -> memref<1x16xf32, #tpu.memory_space<hbm>>
      %dma_wait3A_18 = tpu.memref_squeeze %dma_wait3A_17 : memref<1x16xf32, #tpu.memory_space<hbm>> -> memref<16xf32, #tpu.memory_space<hbm>>
      %dma_wait3A_19 = arith.constant 0 : i32
      %dma_wait3A_20 = tpu.memref_slice %arg4[%add3A, %dma_wait3A_19] : memref<32x16xf32, #tpu.memory_space<hbm>> -> memref<1x16xf32, #tpu.memory_space<hbm>>
      %dma_wait3A_21 = tpu.memref_squeeze %dma_wait3A_20 : memref<1x16xf32, #tpu.memory_space<hbm>> -> memref<16xf32, #tpu.memory_space<hbm>>
      tpu.wait_dma2 semaphore(%run_scoped3A : memref<!tpu.dma_semaphore, #tpu.memory_space<semaphore_mem>>) src(%arg7 : memref<16xf32, #tpu.memory_space<vmem>>) dst(%dma_wait3A_21 : memref<16xf32, #tpu.memory_space<hbm>>)
      tpu.yield
    }) : () -> ()
    return
  }
}

module attributes {stable_mosaic.version = 14 : i64} {
  func.func @_tc_block_body(%arg0: i32, %arg1: memref<1792x51xf32, #tpu.memory_space<vmem>>, %arg2: memref<1792x51xf32, #tpu.memory_space<vmem>>, %arg3: memref<1x1xf32, #tpu.memory_space<smem>>) attributes {dimension_semantics = [#tpu.dimension_semantics<arbitrary>], iteration_bounds = array<i64: 6>, scalar_prefetch = 0 : i64, scratch_operands = 0 : i64, tpu.core_type = #tpu.core_type<tc>, window_params = [{transform_indices = @transform_0, window_bounds = array<i64: 1792, 51>}, {transform_indices = @transform_1, window_bounds = array<i64: 1792, 51>}, {transform_indices = @transform_2, window_bounds = array<i64: 1, 1>}]} {
    %eq3A = arith.constant 0 : i32
    %eq3A_0 = arith.cmpi eq, %arg0, %eq3A : i32
    %convert_element_type3A = arith.extui %eq3A_0 : i1 to i32
    %cond3A = arith.constant 0 : i32
    %cond3A_1 = arith.cmpi ne, %convert_element_type3A, %cond3A : i32
    scf.if %cond3A_1 {
      %swap3A_27 = arith.constant 0.000000e+00 : f32
      %swap3A_28 = arith.constant 0 : index
      %swap3A_29 = arith.constant 0 : index
      %swap3A_30 = memref.load %arg3[%swap3A_28, %swap3A_29] : memref<1x1xf32, #tpu.memory_space<smem>>
      memref.store %swap3A_27, %arg3[%swap3A_28, %swap3A_29] : memref<1x1xf32, #tpu.memory_space<smem>>
    } else {
    }
    %get3A = arith.constant 0 : index
    %get3A_2 = arith.constant 0 : index
    %get3A_3 = vector.load %arg1[%get3A, %get3A_2] : memref<1792x51xf32, #tpu.memory_space<vmem>>, vector<1792x51xf32>
    %get3A_4 = arith.constant 0 : index
    %get3A_5 = arith.constant 0 : index
    %get3A_6 = vector.load %arg2[%get3A_4, %get3A_5] : memref<1792x51xf32, #tpu.memory_space<vmem>>, vector<1792x51xf32>
    %reduce_max3A = arith.constant dense<0xFF800000> : vector<1792xf32>
    %reduce_max3A_7 = vector.multi_reduction <maximumf>, %get3A_3, %reduce_max3A [1] : vector<1792x51xf32> to vector<1792xf32>
    %broadcast_in_dim3A = vector.shape_cast %reduce_max3A_7 : vector<1792xf32> to vector<1792x1xf32>
    %sub3A = vector.broadcast %broadcast_in_dim3A : vector<1792x1xf32> to vector<1792x51xf32>
    %sub3A_8 = arith.subf %get3A_3, %sub3A : vector<1792x51xf32>
    %exp3A = math.exp %sub3A_8 : vector<1792x51xf32>
    %reduce_sum3A = arith.constant dense<0.000000e+00> : vector<1792xf32>
    %reduce_sum3A_9 = vector.multi_reduction <add>, %exp3A, %reduce_sum3A [1] : vector<1792x51xf32> to vector<1792xf32>
    %log3A = math.log %reduce_sum3A_9 : vector<1792xf32>
    %add3A = arith.addf %log3A, %reduce_max3A_7 : vector<1792xf32>
    %reduce_sum3A_10 = arith.constant dense<0.000000e+00> : vector<1792xf32>
    %reduce_sum3A_11 = vector.multi_reduction <add>, %get3A_6, %reduce_sum3A_10 [1] : vector<1792x51xf32> to vector<1792xf32>
    %mul3A = arith.mulf %get3A_6, %get3A_3 : vector<1792x51xf32>
    %reduce_sum3A_12 = arith.constant dense<0.000000e+00> : vector<1792xf32>
    %reduce_sum3A_13 = vector.multi_reduction <add>, %mul3A, %reduce_sum3A_12 [1] : vector<1792x51xf32> to vector<1792xf32>
    %get3A_14 = arith.constant 0 : index
    %get3A_15 = arith.constant 0 : index
    %get3A_16 = memref.load %arg3[%get3A_14, %get3A_15] : memref<1x1xf32, #tpu.memory_space<smem>>
    %mul3A_17 = arith.mulf %add3A, %reduce_sum3A_11 : vector<1792xf32>
    %sub3A_18 = arith.subf %mul3A_17, %reduce_sum3A_13 : vector<1792xf32>
    %reduce_sum3A_19 = vector.shape_cast %sub3A_18 : vector<1792xf32> to vector<1x1792xf32>
    %reduce_sum3A_20 = arith.constant dense<0.000000e+00> : vector<1xf32>
    %reduce_sum3A_21 = vector.multi_reduction <add>, %reduce_sum3A_19, %reduce_sum3A_20 [1] : vector<1x1792xf32> to vector<1xf32>
    %reduce_sum3A_22 = vector.shape_cast %reduce_sum3A_21 : vector<1xf32> to vector<1x1xf32>
    %reduce_sum3A_23 = vector.extract %reduce_sum3A_22[0, 0] : f32 from vector<1x1xf32>
    %add3A_24 = arith.addf %get3A_16, %reduce_sum3A_23 : f32
    %swap3A = arith.constant 0 : index
    %swap3A_25 = arith.constant 0 : index
    %swap3A_26 = memref.load %arg3[%swap3A, %swap3A_25] : memref<1x1xf32, #tpu.memory_space<smem>>
    memref.store %add3A_24, %arg3[%swap3A, %swap3A_25] : memref<1x1xf32, #tpu.memory_space<smem>>
    return
  }
  func.func @transform_0(%arg0: i32) -> (i32, i32) {
    %c0_i32 = arith.constant 0 : i32
    %c0_i32_0 = arith.constant 0 : i32
    return %arg0, %c0_i32 : i32, i32
  }
  func.func @transform_1(%arg0: i32) -> (i32, i32) {
    %c0_i32 = arith.constant 0 : i32
    %c0_i32_0 = arith.constant 0 : i32
    return %arg0, %c0_i32 : i32, i32
  }
  func.func @transform_2(%arg0: i32) -> (i32, i32) {
    %c0_i32 = arith.constant 0 : i32
    %c0_i32_0 = arith.constant 0 : i32
    %c0_i32_1 = arith.constant 0 : i32
    return %c0_i32, %c0_i32_0 : i32, i32
  }
}

</mosaic_0001>

<sc_bundles>
// kernel: kernel.4.cloned.1.call-start
scs
__scs_entry_jumppad:
0x0: {  	(pc) =	sbr.rel $0x88, $3  }
0x1: {  	(tag) =	ssettag $0x0;
	lr =	simm.s32 $0x1  }
0x2: {  	[smem:$0x3F9F] =	sst lr;
	_ =	strace $0xD0000000  }
0x3: {  	_ = 	snop  }
0x4: {  	_ = 	snop  }
0x5: {  	_ = 	snop  }
0x6: {  	_ = 	snop  }
0x7: {  	_ = 	snop  }
__scs_overlays_trampoline_lowered:
0x8: {  	[smem:$0x3FAE] =	sst s0  }
0x9: {  	[smem:$0x3FAF] =	sst s1  }
0xa: {  	[smem:$0x3FB0] =	sst s2  }
0xb: {  	[smem:$0x3FB1] =	sst s3  }
0xc: {  	[smem:$0x3FB2] =	sst s4  }
0xd: {  	[smem:$0x3FB3] =	sst s5  }
0xe: {  	[smem:$0x3FB4] =	sst s6  }
0xf: {  	[smem:$0x3FB5] =	sst s7  }
0x10: {  	[smem:$0x3FB6] =	sst s8  }
0x11: {  	[smem:$0x3FB7] =	sst s9;
	s0 =	simm.s32 @!p0 $0x0  }
0x12: {  	s1 =	sld [smem:$0x3F9D];
	s0 =	simm.s32 @p0 $0x1  }
0x13: {  	[smem:$0x3FB8] =	sst s0;
	s0 =	simm.s32 @!p1 $0x0  }
0x14: {  	s2 =	sld [smem:$0x3F9C];
	s0 =	simm.s32 @p1 $0x1  }
0x15: {  	[smem:$0x3FB9] =	sst s0;
	s0 =	simm.s32 @!p2 $0x0  }
0x16: {  	s3 =	sld [smem:$0x3FDB];
	s0 =	simm.s32 @p2 $0x1  }
0x17: {  	s4 =	simm.s32 $0x1BF5;
	[smem:$0x3FBB] =	sst s0  }
0x18: {  	s0 =	sld [smem:$0x3F9E];
	_ =	swait.ge [sflag:s4], $0x0  }
0x19: {  	s7 =	sld [smem:$0x3F9F]  }
0x1a: {  	s8 =	sadd.s32 $0xFFFFE003, lr  }
0x1b: {  	s9 =	sadd.s32 $0xFFFFFEF7, lr;
	s5 =	simm.s32 $0xFFFFFFFF;
	p2 =	slt.u32 s8, $0xFFFFF086  }
0x1c: {  	p1 =	slt.u32 s9, $0xF7A;
	s5 =	simm.s32 @!p2 $0x0  }
0x1d: {  	s5 =	simm.s32 @p1 $0x1;
	p0 =	seq.s32 s7, s2  }
0x1e: {  	s7 =	smul.u32 @!p0 $0xF7A, s2;
	p2 =	seq.s32 @!p0 s5, $0x0  }
0x1f: {  	s9 =	smul.u32 $0xF7A, s1;
	s8 =	simm.s32 @!p0 $0x1BF5;
	p2 =	por !p2, p0  }
0x20: {  	[sflag:s8] =	ssyncset.s32 @!p0 $0xFFFFF086;
	s6 =	sadd.s32 @!p0 s3, s7;
	s7 =	simm.s32 @!p0 $0x108  }
0x21: {  	s3 =	sadd.s32 s3, s9;
	s6 =	sadd.s32 @!p0 $0x88, s6;
	s7 =	simm.s32 @p2 $0x1082  }
0x22: {  	[simem:s7], [sflag:s8] =	dma.local @!p0 [hbm:s6], $0xF7A  }
0x23: {  	s9 =	sor.u32 $0xD0000000, s2;
	s6 =	simm.s32 $0x108;
	_ =	swait.ge @!p0 [sflag:s8], $0x0  }
0x24: {  	s3 =	sadd.s32 $0x88, s3;
	s6 =	simm.s32 @!p1 $0x1082;
	[sflag:s4] =	ssyncset.s32 $0xFFFFF086  }
0x25: {  	[simem:s6], [sflag:s4] =	dma.local [hbm:s3], $0xF7A  }
0x26: {  	[smem:$0x3F9F] =	sst s1;
	(tag) =	ssettag s2;
	_ =	strace s9  }
0x27: {  	s1 =	sld [smem:$0x3FAF]  }
0x28: {  	s2 =	sld [smem:$0x3FB0]  }
0x29: {  	s4 =	sld [smem:$0x3FB2]  }
0x2a: {  	p0 =	seq.s32 s5, $0x0;
	s5 =	sld [smem:$0x3FB3]  }
0x2b: {  	s6 =	sld [smem:$0x3FB4]  }
0x2c: {  	s7 =	sld [smem:$0x3FB5]  }
0x2d: {  	s3 =	simm.s32 $0x108;
	s8 =	sld [smem:$0x3FB6]  }
0x2e: {  	s3 =	simm.s32 @!p0 $0x1082;
	s9 =	sld [smem:$0x3FB7]  }
0x2f: {  	lr =	sadd.s32 s0, s3;
	s0 =	sld [smem:$0x3FAE]  }
0x30: {  	s3 =	sld [smem:$0x3FB1]  }
0x31: {  	[smem:$0x3FBA] =	sst s10  }
0x32: {  	s10 =	sld [smem:$0x3FB8];
	_ =	sdelay $0x3  }
0x33: {  	p0 =	seq.s32 s10, $0x1;
	s10 =	sld [smem:$0x3FBA];
	_ =	sdelay $0x3  }
0x34: {  	[smem:$0x3FBA] =	sst s10  }
0x35: {  	s10 =	sld [smem:$0x3FB9];
	_ =	sdelay $0x3  }
0x36: {  	p1 =	seq.s32 s10, $0x1;
	s10 =	sld [smem:$0x3FBA];
	_ =	sdelay $0x3  }
0x37: {  	[smem:$0x3FBA] =	sst s10  }
0x38: {  	s10 =	sld [smem:$0x3FBB]  }
0x39: {  	_ = 	snop;
	(pc) =	sbr.ind lr, $3  }
0x3a: {  	_ = 	snop  }
0x3b: {  	_ = 	snop  }
0x3c: {  	p2 =	seq.s32 s10, $0x1;
	s10 =	sld [smem:$0x3FBA]  }
0x3d: {  	_ =	shalt  }
0x3e: {  	_ =	shalt  }
0x3f: {  	_ =	shalt  }
0x40: {  	_ =	shalt  }
0x41: {  	_ =	shalt  }
0x42: {  	_ =	shalt  }
0x43: {  	_ =	shalt  }
0x44: {  	_ =	shalt  }
0x45: {  	_ =	shalt  }
0x46: {  	_ =	shalt  }
0x47: {  	_ =	shalt  }
0x48: {  	_ =	shalt  }
0x49: {  	_ =	shalt  }
0x4a: {  	_ =	shalt  }
0x4b: {  	_ =	shalt  }
0x4c: {  	_ =	shalt  }
0x4d: {  	_ =	shalt  }
0x4e: {  	_ =	shalt  }
0x4f: {  	_ =	shalt  }
0x50: {  	_ =	shalt  }
0x51: {  	_ =	shalt  }
0x52: {  	_ =	shalt  }
0x53: {  	_ =	shalt  }
0x54: {  	_ =	shalt  }
0x55: {  	_ =	shalt  }
0x56: {  	_ =	shalt  }
0x57: {  	_ =	shalt  }
0x58: {  	_ =	shalt  }
0x59: {  	_ =	shalt  }
0x5a: {  	_ =	shalt  }
0x5b: {  	_ =	shalt  }
0x5c: {  	_ =	shalt  }
0x5d: {  	_ =	shalt  }
0x5e: {  	_ =	shalt  }
0x5f: {  	_ =	shalt  }
0x60: {  	_ =	shalt  }
0x61: {  	_ =	shalt  }
0x62: {  	_ =	shalt  }
0x63: {  	_ =	shalt  }
0x64: {  	_ =	shalt  }
0x65: {  	_ =	shalt  }
0x66: {  	_ =	shalt  }
0x67: {  	_ =	shalt  }
0x68: {  	_ =	shalt  }
0x69: {  	_ =	shalt  }
0x6a: {  	_ =	shalt  }
0x6b: {  	_ =	shalt  }
0x6c: {  	_ =	shalt  }
0x6d: {  	_ =	shalt  }
0x6e: {  	_ =	shalt  }
0x6f: {  	_ =	shalt  }
0x70: {  	_ =	shalt  }
0x71: {  	_ =	shalt  }
0x72: {  	_ =	shalt  }
0x73: {  	_ =	shalt  }
0x74: {  	_ =	shalt  }
0x75: {  	_ =	shalt  }
0x76: {  	_ =	shalt  }
0x77: {  	_ =	shalt  }
0x78: {  	_ =	shalt  }
0x79: {  	_ =	shalt  }
0x7a: {  	_ =	shalt  }
0x7b: {  	_ =	shalt  }
0x7c: {  	_ =	shalt  }
0x7d: {  	_ =	shalt  }
0x7e: {  	_ =	shalt  }
0x7f: {  	_ =	shalt  }
0x80: {  	_ =	shalt  }
0x81: {  	_ =	shalt  }
0x82: {  	_ =	shalt  }
0x83: {  	_ =	shalt  }
0x84: {  	_ =	shalt  }
0x85: {  	_ =	shalt  }
0x86: {  	_ =	shalt  }
0x87: {  	_ =	shalt  }
.Lfunc_end0:
.L_simem_size_0:
called_computation_lowered:
.L_overlay_start_0:
0x88: {  	s2 =	sld [smem:$0x3FD9]  }
0x89: {  	s3 =	sld [smem:$0x3FFE];
	_ =	sdelay $0x1  }
0x8a: {  	s1 =	srdreg.scid  }
0x8b: {  	s0 =	sand.u32 $0x1, s1  }
0x8c: {  	s16 =	sshll.u32 s0, $0xA;
	s2 =	sadd.s32 s3, s2  }
0x8d: {  	s2 =	sadd.s32 s2, s16  }
0x8e: {  	[smem:$0x3FC6] =	sst s2  }
0x8f: {  	_ = 	snop  }
0x90: {  	(tm) =	ssettm $0x1  }
0x91: {  	s17 =	sld [smem:$0x3FFB];
	_ =	sdelay $0x3  }
0x92: {  	_ =	strace s17  }
0x93: {  	s2 =	sld [smem:$0x3FFC];
	_ =	sdelay $0x3  }
0x94: {  	_ =	strace s2  }
0x95: {  	s2 =	sld [smem:$0x3FFD];
	_ =	sdelay $0x3  }
0x96: {  	_ =	strace s2  }
0x97: {  	_ =	strace $0x8FFFFFFF  }
0x98: {  	s18 =	sld [smem:$0x3FDB];
	_ =	sdelay $0x1  }
0x99: {  	s19 =	simm.s32 $_scs_section_size  }
0x9a: {  	s4 =	simm.s32 $_size__tile_overlayer_lowered;
	s5 =	simm.s32 $_tile_overlayer_lowered  }
0x9b: {  	s22 =	simm.s32 $0x1BFF;
	s21 =	sshll.u32 s5, $0x1;
	s2 =	sadd.s32 s19, s18  }
0x9c: {  	s6 =	simm.s32 $0x0;
	s20 =	sshll.u32 s4, $0x1;
	s4 =	sadd.s32 s21, s2  }
0x9d: {  	[timem:s6], [sflag:s22] =	dma.local [hbm:s4], s20  }
0x9e: {  	_ =	swait.ge [sflag:s22], s20  }
0x9f: {  	s3 =	ssub.s32 $0x0, s20;
	[sflag:s22] =	ssyncset.done $0x0  }
0xa0: {  	[sflag:s22] =	ssyncadd.s32 s3;
	_ =	sdelay $0x1  }
0xa1: {  	s23 =	simm.s32 $0x1B8B  }
0xa2: {  	_ =	swait.ge [sflag:s23], $0x1  }
0xa3: {  	[sflag:s23] =	ssyncset.done $0x0  }
0xa4: {  	s25 =	simm.s32 $0x1B8E;
	s24 =	sld [smem:$0x3FFE];
	[sflag:s23] =	ssyncadd.s32 $0xFFFFFFFF  }
0xa5: {  	s26 =	simm.s32 $execute0_lowered;
	[smem:$0x3FD2] =	sst s25  }
0xa6: {  	s4 =	sshll.u32 s26, $0x1;
	_ =	strace $0x80000046;
	[dreg:$0x1] =	wrdreg $0xFFFFFFFF  }
0xa7: {  	s28 =	simm.s32 $_size_execute0_lowered;
	s2 =	sadd.s32 s2, s4;
	[dreg:$0x0] =	wrdreg $0x0  }
0xa8: {  	s4 =	sshll.u32 s28, $0x1;
	[dreg:$0x2] =	wrdreg s2  }
0xa9: {  	[dreg:$0x3] =	wrdreg s4  }
0xaa: {  	[dreg:$0x4] =	wrdreg $0xC0  }
0xab: {  	_ =	task [dreg:s6], $0x5FFFF  }
0xac: {  	[dreg:$0x1] =	wrdreg $0xFFFFFFFF  }
0xad: {  	[dreg:$0x0] =	wrdreg $0x60  }
0xae: {  	[dreg:$0x2] =	wrdreg s24  }
0xaf: {  	[dreg:$0x3] =	wrdreg $0x9  }
0xb0: {  	_ =	task.clear_ibuf [dreg:s6], $0x4FFFF;
	_ =	strace $0x90000046  }
0xb1: {  	s29 =	simm.s32 $0x9;
	_ =	strace $0x80000048  }
0xb2: {  	_ =	swait.ge [sflag:s29], $0x1  }
0xb3: {  	[sflag:s29] =	ssyncadd.s32 $0xFFFFFFFF  }
0xb4: {  	_ =	strace $0x90000048  }
0xb5: {  	_ =	sfence  }
0xb6: {  	s30 =	sld [smem:$0x0];
	_ =	sdelay $0x2  }
0xb7: {  	s31 =	sshll.u32 s1, $0xD;
	s1 =	sshrl.u32 s1, $0x2  }
0xb8: {  	s3 =	sand.u32 $0x4000, s31;
	s1 =	sadd.s32 s1, s30  }
0xb9: {  	s0 =	sor.u32 s3, s0;
	s1 =	sshll.u32 s1, $0x11  }
0xba: {  	s0 =	sor.u32 s1, s0  }
0xbb: {  	s0 =	sadd.s32 $0x8F2B, s0  }
0xbc: {  	[sflag:s0] =	ssyncadd.remote.s32 $0x1  }
0xbd: {  	_ =	sfence.sel $0xFFFF  }
0xbe: {  	[dreg:$0x0] =	wrdreg $0xFFFFFFFF;
	(pc) =	sbr.abs _section_cstart, $3  }
0xbf: {  	[dreg:$0x1] =	wrdreg $0xFFFFFFFF  }
0xc0: {  	_ =	task.clear_ibuf [dreg:s6], $0x2FFFF;
	_ =	strace $0x9FFFFFFF  }
0xc1: {  	(tm) =	ssettm $0x7FFFFFFF  }
tec
execute0_lowered:
.L_overlay_start_1:
0x0: {  	(tag) =	ssettag $0x1  }
0x1: {  	v32 =	vlaneseq.u32;
	v53 =	vimm.s32 $0x27262524;
	v55 =	vimm.s32 $0x2B2A2928  }
0x2: {  	v2 =	vimm.s32 $0x2F2E2D2C;
	v3 =	vimm.s32 $0x323130;
	vm0 =	vcmask $0x1F10  }
0x3: {  	v58 =	vimm.s32 $0x3020100;
	v5 =	vimm.s32 $0x3231302F;
	v59 =	vimm.s32 $0x2A292827  }
0x4: {  	v60 =	vimm.s32 $0x2E2D2C2B;
	v8 =	vimm.s32 $0x6050403;
	v61 =	vimm.s32 $0x2010032  }
0x5: {  	v10 =	vimm.s32 $0x2D2C2B2A;
	v11 =	vimm.s32 $0x31302F2E;
	v12 =	vimm.s32 $0x98765432  }
0x6: {  	v14 =	vimm.s32 $0x43218765;
	v15 =	vimm.s32 $0x302F2E2D;
	v47 =	vadd.s32 $0x3, v32  }
0x7: {  	v16 =	vimm.s32 $0x1003231;
	vm1 =	vcmask $0x2F10;
	v48 =	vadd.s32 $0x6, v32;
	[tilespmem:$0x1FCC0] =	vst v47  }
0x8: {  	vm2 =	vcmask $0x3F30;
	v37 =	vimm.s32 $0x28272625;
	v49 =	vadd.s32 $0x9, v32;
	[tilespmem:$0x1FCD0] =	vst v48  }
0x9: {  	v38 =	vimm.s32 $0x2C2B2A29;
	v41 =	vimm.s32 $0x76543210;
	v50 =	vadd.s32 $0xC, v32;
	[tilespmem:$0x1FCE0] =	vst v49  }
0xa: {  	v0 =	vmul.u32 $0x80, v32;
	v51 =	vadd.s32 $0xF, v32;
	v52 =	vadd.s32 $0x12, v32;
	[tilespmem:$0x1FCF0] =	vst v50  }
0xb: {  	v1 =	vadd.s32 $0x15, v32;
	v54 =	vadd.s32 $0x18, v32;
	v2 =	vunpack.c.0.s8.s32 v2;
	[tilespmem:$0x1FD00] =	vst v51  }
0xc: {  	v3 =	vunpack.c.0.s8.s32 v3;
	v4 =	vadd.s32 $0x1B, v32;
	v56 =	vadd.s32 $0x1E, v32;
	[tilespmem:$0x1FD10] =	vst v52  }
0xd: {  	v57 =	vadd.s32 $0x21, v32;
	v6 =	vunpack.c.0.s8.s32 v58;
	v5 =	vunpack.c.0.s8.s32 v5;
	[tilespmem:$0x1FD20] =	vst v1  }
0xe: {  	v7 =	vunpack.c.0.s8.s32 v59;
	v9 =	vunpack.c.0.s8.s32 v60;
	v8 =	vunpack.c.0.s8.s32 v8;
	[tilespmem:$0x1FD30] =	vst v54  }
0xf: {  	v10 =	vunpack.c.0.s8.s32 v10;
	v11 =	vunpack.c.0.s8.s32 v11;
	v12 =	vunpack.c.l.s4.s8 v12;
	[tilespmem:$0x1FD40] =	vst v4  }
0x10: {  	v14 =	vunpack.c.l.s4.s8 v14;
	v17 =	vunpack.c.0.s8.s32 v15;
	v34 =	vadd.s32 $0x1, v32;
	[tilespmem:$0x1FD50] =	vst v56  }
0x11: {  	v35 =	vadd.s32 $0x4, v32;
	v1 =	vunpack.c.0.s8.s32 v55;
	[tilespmem:$0x1FCB0] =	vst v0;
	v0 =	vunpack.c.0.s8.s32 v53  }
0x12: {  	[tilespmem:$0x1FD60] =	vst v57;
	v4 =	vsel vm0, v3, v2;
	v6 =	vsel vm0, v6, v5;
	v7 =	vsel vm0, v9, v7  }
0x13: {  	[tilespmem:$0x1FDD0] =	vst v34;
	v12 =	vunpack.c.0.s8.s32 v12;
	v6 =	vcombine.low v7, v6;
	v0 =	vsel vm0, v1, v0  }
0x14: {  	v15 =	vunpack.c.0.s8.s32 v16;
	[tilespmem:$0x1FDE0] =	vst v35;
	v63 =	vunpack.c.0.s8.s32 v14;
	v0 =	vcombine.low v0, v4  }
0x15: {  	v36 =	vadd.s32 $0x7, v32;
	v33 =	vand.u32 $0xF, v12;
	v12 =	vimm.s32 $0xC0B0A09;
	[tilespmem:$0x1FD80] =	vst v6  }
0x16: {  	v6 =	vand.u32 $0xF, v63;
	v12 =	vunpack.c.0.s8.s32 v12;
	[tilespmem:$0x1FD70] =	vst v0;
	v0 =	vunpack.c.0.s8.s32 v61  }
0x17: {  	v42 =	vunpack.c.l.s4.s8 v41;
	[tilespmem:$0x1FDF0] =	vst v36;
	v13 =	vsel vm0, v11, v10;
	v6 =	vsel vm1, v6, v3  }
0x18: {  	[tilespmem:$0x1FDA0] =	vst v17;
	v6 =	vsel vm2, v12, v6;
	v12 =	vunpack.c.0.s8.s32 v38;
	v8 =	vsel vm0, v8, v0  }
0x19: {  	[tilespmem:$0x1FDC0] =	vst v6;
	v6 =	vunpack.c.0.s8.s32 v37;
	v62 =	vcombine.low v13, v8;
	v8 =	vsel vm0, v15, v17  }
0x1a: {  	v1 =	vsel vm0, v2, v1;
	[tilespmem:$0x1FE00] =	vst v12;
	v7 =	vcombine.low v8, v33  }
0x1b: {  	s3 =	rddreg [dreg:$0x0];
	s2 =	simm.s32 $0x0;
	v2 =	vunpack.c.0.s8.s32 v42;
	v6 =	vsel vm0, v12, v6;
	v12 =	vimm.s32 $0xA9876543;
	[tilespmem:$0x1FD90] =	vst v62  }
0x1c: {  	s1 =	srdreg.scid;
	[smem:$0x7FF] =	sst s2;
	v44 =	vsel vm0, v5, v9;
	v40 =	vunpack.c.l.s4.s8 v12;
	v12 =	vadd.s32 $0x2, v32;
	[tilespmem:$0x1FDB0] =	vst v7  }
0x1d: {  	v19 =	vadd.s32 $0x5, v32;
	s4 =	sand.u32 $0x1, s1;
	s1 =	rddreg [dreg:$0x1];
	v9 =	vcombine.low v44, v2;
	_ =	strace $0x80000047;
	[tilespmem:$0x1FE20] =	vst v12  }
0x1e: {  	[tilespmem:$0x1FE40] =	vst v19  }
0x1f: {  	v20 =	vadd.s32 $0x16, v32;
	[tilespmem:$0x1FE50] =	vst v9  }
0x20: {  	v22 =	vadd.s32 $0x1C, v32;
	v25 =	vcombine.low v6, v8;
	[tilespmem:$0x1FE60] =	vst v20  }
0x21: {  	[tilespmem:$0x1FE70] =	vst v22  }
0x22: {  	v21 =	vadd.s32 $0x19, v32;
	[tilespmem:$0x1FE80] =	vst v25  }
0x23: {  	v13 =	vadd.s32 $0xA, v32;
	[tilespmem:$0x1FEC0] =	vst v21  }
0x24: {  	v31 =	vadd.s32 $0x14, v32;
	[tilespmem:$0x1FED0] =	vst v13  }
0x25: {  	v53 =	vadd.s32 $0x17, v32;
	[tilespmem:$0x1FEE0] =	vst v31  }
0x26: {  	v23 =	vadd.s32 $0x1F, v32;
	[tilespmem:$0x1FEF0] =	vst v53  }
0x27: {  	v39 =	vimm.s32 $0x4030201;
	v29 =	vadd.s32 $0xD, v32;
	v24 =	vadd.s32 $0x22, v32;
	[tilespmem:$0x1FF00] =	vst v23  }
0x28: {  	v45 =	vor.u32 $0x10, v32;
	v43 =	vadd.s32 $0x13, v32;
	v17 =	vadd.s32 $0x23, v32;
	[tilespmem:$0x1FF10] =	vst v24  }
0x29: {  	v27 =	vadd.s32 $0x8, v32;
	v28 =	vadd.s32 $0xB, v32;
	v63 =	vadd.s32 $0x1A, v32;
	[tilespmem:$0x1FF40] =	vst v17  }
0x2a: {  	v30 =	vadd.s32 $0x11, v32;
	v51 =	vimm.s32 $0x87654321;
	v35 =	vadd.s32 $0x1D, v32;
	[tilespmem:$0x1FF50] =	vst v63  }
0x2b: {  	v47 =	vimm.s32 $0xD0C0B0A;
	v49 =	vimm.s32 $0x29282726;
	v2 =	vunpack.c.l.s4.s8 v51;
	[tilespmem:$0x1FF70] =	vst v35  }
0x2c: {  	v50 =	vadd.s32 $0xE, v32;
	v52 =	vimm.s32 $0x32107654;
	v55 =	vimm.s32 $0x6543A987;
	[tilespmem:$0x1FF80] =	vst v27  }
0x2d: {  	v58 =	vunpack.c.l.s4.s8 v55;
	v2 =	vunpack.c.0.s8.s32 v2;
	v8 =	vimm.s32 $0x54329876;
	[tilespmem:$0x1FF90] =	vst v28  }
0x2e: {  	v54 =	vimm.s32 $0x5040302;
	v8 =	vunpack.c.l.s4.s8 v8;
	v7 =	vunpack.c.0.s8.s32 v39;
	[tilespmem:$0x1FFA0] =	vst v50  }
0x2f: {  	v60 =	vunpack.c.0.s8.s32 v58;
	v2 =	vand.u32 $0xF, v2;
	v6 =	vunpack.c.0.s8.s32 v40;
	[tilespmem:$0x1FFB0] =	vst v30  }
0x30: {  	v46 =	vunpack.c.0.s8.s32 v8;
	v8 =	vsel vm0, v0, v11;
	[tilespmem:$0x1FFD0] =	vst v45;
	v3 =	vsel vm0, v7, v3  }
0x31: {  	[tilespmem:$0x1FFE0] =	vst v29;
	v6 =	vand.u32 $0xF, v6;
	v7 =	vunpack.c.0.s8.s32 v47;
	v26 =	vcombine.low v1, v3  }
0x32: {  	[tilespmem:$0x1FFF0] =	vst v43;
	v3 =	vand.u32 $0xF, v46;
	v11 =	vcombine.low v8, v6;
	v6 =	vunpack.c.0.s8.s32 v54  }
0x33: {  	s0 =	stileid.u32;
	v62 =	vimm.s32 $0xE0D0C0B;
	v1 =	vunpack.c.0.s8.s32 v49;
	v48 =	vsel vm1, v3, v15;
	[tilespmem:$0x1FE90] =	vst v26  }
0x34: {  	s5 =	sshll.u32 s0, $0x1;
	v3 =	vunpack.c.l.s4.s8 v52;
	v18 =	vsel vm2, v7, v48;
	v6 =	vsel vm0, v6, v15;
	[tilespmem:$0x1FFC0] =	vst v11  }
0x35: {  	s5 =	sor.u32 s4, s5;
	v1 =	vsel vm0, v10, v1;
	v15 =	vcombine.low v4, v2;
	v2 =	vand.u32 $0xF, v60;
	[tilespmem:$0x1FE10] =	vst v6  }
0x36: {  	s6 =	smul.u32 $0x5800, s5;
	v4 =	vunpack.c.0.s8.s32 v62;
	v48 =	vor.u32 $0x20, v32;
	v57 =	vunpack.c.0.s8.s32 v3;
	[tilespmem:$0x1FE30] =	vst v18  }
0x37: {  	s8 =	simm.s32 $0x5800;
	s9 =	simm.s32 $0xB000;
	s10 =	simm.s32 $0x0;
	v61 =	vimm.s32 $0xB0A0908;
	v59 =	vcombine.low v1, v8;
	v0 =	vsel vm1, v2, v0;
	[tilespmem:$0x1FF20] =	vst v48  }
0x38: {  	s4 =	ssub.s32 $0x2, s4;
	s5 =	sshll.u32 s5, $0x4;
	s6 =	sshrl.u32 s6, $0x3;
	v3 =	vunpack.c.0.s8.s32 v61;
	v42 =	vsel vm2, v4, v0;
	[tilespmem:$0x1FEB0] =	vst v15;
	v1 =	vand.u32 $0xF, v57  }
0x39: {  	s7 =	sshrl.u32 s4, $0x1;
	s5 =	sadd.s32 s5, s3;
	s6 =	sadd.s32 s3, s6;
	[tilespmem:$0x1FEA0] =	vst v42;
	v1 =	vsel vm1, v1, v5  }
0x3a: {  	s7 =	ssub.s32 s4, s7;
	s5 =	sadd.s32 $0x80C00, s5;
	s3 =	sadd.s32 $0x2AC00, s6;
	[tilespmem:$0x1FF60] =	vst v59;
	v34 =	vsel vm2, v3, v1  }
0x3b: {  	s4 =	sadd.s32 $0x6AC00, s6;
	s6 =	smax.u32 s7, $0x1;
	s7 =	simm.s32 $0x1;
	[tilespmem:$0x1FF30] =	vst v34  }
.LBB2_1:
0x3c: {  	[tilespmem:s2], [sflag:$0x1] =	stream.linear.gather [hbm4b:s3+s2], $0x5800, $0x38;
	[tilespmem:$0xB080] =	vst v63  }
0x3d: {  	_ =	swait.ge [sflag:s7], $0x5800  }
0x3e: {  	[sflag:s7] =	ssyncset.done $0x0  }
0x3f: {  	[sflag:s7] =	ssyncadd.s32 $0xFFFFA800  }
0x40: {  	[tilespmem:s8], [sflag:$0x1] =	stream.linear.gather [hbm4b:s4+s2], $0x5800, $0x38;
	[tilespmem:$0xB080] =	vst v63  }
0x41: {  	v1 =	vld [tilespmem:$0x1FCB0];
	_ =	swait.ge [sflag:s7], $0x5800  }
0x42: {  	v5 =	vld [tilespmem:$0x1FDD0];
	_ =	sdelay $0x1  }
0x43: {  	v0 =	vmov s2  }
0x44: {  	v0 =	vshll.u32 v0, $0x7  }
0x45: {  	v0 =	vor.u32 v1, v0  }
0x46: {  	v10 =	vld [tilespmem:$0x1FDB0];
	v5 =	vor.u32 v5, v0;
	_ =	sdelay $0x2  }
0x47: {  	[sflag:s7] =	ssyncset.done $0x0  }
0x48: {  	v6 =	vld [tilespmem:$0x1FDE0];
	[sflag:s7] =	ssyncadd.s32 $0xFFFFA800  }
0x49: {  	v16 =	vor.u32 v10, v0;
	v10 =	vld.idx.msk [tilespmem:v5+s8+$0x0], $0xffff;
	_ =	sdelay $0x3  }
0x4a: {  	v8 =	vld [tilespmem:$0x1FDC0]  }
0x4b: {  	v6 =	vor.u32 v6, v0;
	[tilespmem:$0x1FBC0] =	vst v10;
	v10 =	vld [tilespmem:$0x1FD90];
	_ =	sdelay $0x2  }
0x4c: {  	v1 =	vor.u32 v12, v0  }
0x4d: {  	v2 =	vor.u32 v19, v0  }
0x4e: {  	v37 =	vor.u32 v11, v0;
	v14 =	vor.u32 v8, v0;
	v11 =	vor.u32 v10, v0;
	v10 =	vld.idx.msk [tilespmem:v6+s8+$0x0], $0xffff  }
0x4f: {  	v22 =	vor.u32 v22, v0  }
0x50: {  	v4 =	vld [tilespmem:$0x1FCC0]  }
0x51: {  	v3 =	vlaneseq.u32;
	v8 =	vor.u32 v18, v0;
	v7 =	vld.idx.msk [tilespmem:v1+s8+$0x0], $0xffff  }
0x52: {  	v3 =	vor.u32 v3, v0;
	v12 =	vld.idx.msk [tilespmem:v2+s8+$0x0], $0xffff  }
0x53: {  	[tilespmem:$0x1FC80] =	vst v10;
	v10 =	vld.idx.msk [tilespmem:v14+s2+$0x0], $0xffff  }
0x54: {  	v19 =	vor.u32 v17, v0;
	v17 =	vor.u32 v63, v0;
	v47 =	vld.idx.msk [tilespmem:v22+s2+$0x0], $0xffff  }
0x55: {  	[tilespmem:$0x1FA10] =	vst v22;
	v4 =	vor.u32 v4, v0;
	v22 =	vld [tilespmem:$0x1FD00]  }
0x56: {  	[tilespmem:$0x1F930] =	vst v8;
	v8 =	vld.idx.msk [tilespmem:v8+s2+$0x0], $0xffff  }
0x57: {  	v18 =	vld.idx.msk [tilespmem:v3+s8+$0x0], $0xffff  }
0x58: {  	[tilespmem:$0x1FC50] =	vst v10;
	v10 =	vld [tilespmem:$0x1FD80]  }
0x59: {  	[tilespmem:$0x1FBA0] =	vst v17;
	v17 =	vld.idx.msk [tilespmem:v17+s2+$0x0], $0xffff  }
0x5a: {  	v60 =	vld.idx.msk [tilespmem:v4+s8+$0x0], $0xffff;
	v22 =	vor.u32 v22, v0  }
0x5b: {  	[tilespmem:$0x1FC60] =	vst v8;
	v8 =	vld.idx.msk [tilespmem:v16+s2+$0x0], $0xffff  }
0x5c: {  	v9 =	vor.u32 v9, v0;
	[tilespmem:$0x1F940] =	vst v16;
	v16 =	vld.idx.msk [tilespmem:v37+s2+$0x0], $0xffff  }
0x5d: {  	v38 =	vor.u32 v10, v0;
	v10 =	vld [tilespmem:$0x1FD70]  }
0x5e: {  	[tilespmem:$0x1F950] =	vst v37;
	v37 =	vld.idx.msk [tilespmem:v4+s2+$0x0], $0xffff  }
0x5f: {  	v4 =	vor.u32 v13, v0;
	v49 =	vld.idx.msk [tilespmem:v22+s2+$0x0], $0xffff  }
0x60: {  	[tilespmem:$0x1FC40] =	vst v8;
	v8 =	vor.u32 v26, v0;
	v26 =	vld.idx.msk [tilespmem:v11+s2+$0x0], $0xffff  }
0x61: {  	v51 =	vor.u32 v25, v0;
	[tilespmem:$0x1F960] =	vst v11;
	v11 =	vld.idx.msk [tilespmem:v9+s2+$0x0], $0xffff  }
0x62: {  	[tilespmem:$0x1F970] =	vst v9;
	v36 =	vor.u32 v10, v0;
	v10 =	vld [tilespmem:$0x1FD60]  }
0x63: {  	[tilespmem:$0x1F920] =	vst v14;
	v9 =	vor.u32 v24, v0;
	v14 =	vld [tilespmem:$0x1FD40]  }
0x64: {  	v62 =	vor.u32 v15, v0;
	v15 =	vld.idx.msk [tilespmem:v4+s2+$0x0], $0xffff  }
0x65: {  	v55 =	vld.idx.msk [tilespmem:v8+s2+$0x0], $0xffff  }
0x66: {  	[tilespmem:$0x1F990] =	vst v8;
	v8 =	vor.u32 v23, v0;
	v23 =	vld.idx.msk [tilespmem:v51+s2+$0x0], $0xffff  }
0x67: {  	v39 =	vor.u32 v10, v0;
	v10 =	vld [tilespmem:$0x1FD50]  }
0x68: {  	v33 =	vor.u32 v14, v0;
	v40 =	vld.idx.msk [tilespmem:v9+s2+$0x0], $0xffff  }
0x69: {  	[tilespmem:$0x1F9D0] =	vst v9;
	v9 =	vor.u32 v21, v0;
	v25 =	vld.idx.msk [tilespmem:v38+s2+$0x0], $0xffff  }
0x6a: {  	[tilespmem:$0x1F980] =	vst v38;
	v38 =	vld.idx.msk [tilespmem:v1+s2+$0x0], $0xffff  }
0x6b: {  	v1 =	vld [tilespmem:$0x1FCF0]  }
0x6c: {  	v14 =	vld [tilespmem:$0x1FD30];
	v10 =	vor.u32 v10, v0  }
0x6d: {  	[tilespmem:$0x1FA00] =	vst v33;
	v33 =	vld.idx.msk [tilespmem:v33+s2+$0x0], $0xffff  }
0x6e: {  	v61 =	vld.idx.msk [tilespmem:v9+s2+$0x0], $0xffff  }
0x6f: {  	[tilespmem:$0x1FA30] =	vst v9;
	v9 =	vld.idx.msk [tilespmem:v2+s2+$0x0], $0xffff  }
0x70: {  	v2 =	vor.u32 v1, v0;
	v1 =	vld [tilespmem:$0x1FCE0]  }
0x71: {  	v52 =	vor.u32 v14, v0;
	v14 =	vld.idx.msk [tilespmem:v10+s2+$0x0], $0xffff  }
0x72: {  	[tilespmem:$0x1F9E0] =	vst v10;
	v10 =	vld [tilespmem:$0x1FD20]  }
0x73: {  	v41 =	vld.idx.msk [tilespmem:v39+s2+$0x0], $0xffff  }
0x74: {  	[tilespmem:$0x1F9C0] =	vst v39;
	v39 =	vld.idx.msk [tilespmem:v3+s2+$0x0], $0xffff  }
0x75: {  	v3 =	vor.u32 v1, v0;
	v1 =	vld [tilespmem:$0x1FCD0]  }
0x76: {  	v44 =	vld.idx.msk [tilespmem:v52+s2+$0x0], $0xffff  }
0x77: {  	[tilespmem:$0x1F9B0] =	vst v51;
	v21 =	vor.u32 v10, v0;
	v10 =	vld.idx.msk [tilespmem:v8+s2+$0x0], $0xffff  }
0x78: {  	[tilespmem:$0x1F9F0] =	vst v8;
	v8 =	vor.u32 v20, v0;
	v20 =	vld [tilespmem:$0x1FD10]  }
0x79: {  	[tilespmem:$0x1F9A0] =	vst v36;
	v36 =	vld.idx.msk [tilespmem:v36+s2+$0x0], $0xffff  }
0x7a: {  	v50 =	vor.u32 v50, v0;
	[tilespmem:$0x1FA80] =	vst v22;
	v22 =	vor.u32 v1, v0;
	v1 =	vld [tilespmem:$0x1FDF0]  }
0x7b: {  	[tilespmem:$0x1FB30] =	vst v50;
	v57 =	vld.idx.msk [tilespmem:v2+s2+$0x0], $0xffff  }
0x7c: {  	v32 =	vor.u32 v30, v0;
	[tilespmem:$0x1FAA0] =	vst v2;
	v2 =	vld [tilespmem:$0x1FE00]  }
0x7d: {  	[tilespmem:$0x1FB50] =	vst v32;
	v54 =	vor.u32 v20, v0;
	v20 =	vor.u32 v43, v0;
	v43 =	vld.idx.msk [tilespmem:v21+s2+$0x0], $0xffff  }
0x7e: {  	[tilespmem:$0x1FB00] =	vst v4;
	v58 =	vld.idx.msk [tilespmem:v8+s2+$0x0], $0xffff  }
0x7f: {  	[tilespmem:$0x1FA40] =	vst v21;
	v21 =	vor.u32 v29, v0;
	v29 =	vor.u32 v1, v0;
	v1 =	vld [tilespmem:$0x1FDA0]  }
0x80: {  	[tilespmem:$0x1FA50] =	vst v8;
	v8 =	vld.idx.msk [tilespmem:v5+s2+$0x0], $0xffff  }
0x81: {  	[tilespmem:$0x1FA20] =	vst v52;
	v5 =	vld.idx.msk [tilespmem:v3+s2+$0x0], $0xffff  }
0x82: {  	[tilespmem:$0x1FAC0] =	vst v3;
	v51 =	vld.idx.msk [tilespmem:v54+s2+$0x0], $0xffff  }
0x83: {  	[tilespmem:$0x1FA70] =	vst v20;
	v46 =	vld.idx.msk [tilespmem:v20+s2+$0x0], $0xffff;
	v20 =	vor.u32 v45, v0  }
0x84: {  	[tilespmem:$0x1FAD0] =	vst v22;
	v1 =	vsel vm0, v1, v2;
	v2 =	vld [tilespmem:$0x1FE10]  }
0x85: {  	[tilespmem:$0x1FA60] =	vst v54;
	v45 =	vld.idx.msk [tilespmem:v6+s2+$0x0], $0xffff  }
0x86: {  	v52 =	vor.u32 v53, v0;
	v13 =	vmul.f32 v7, v38;
	[tilespmem:$0x1FAB0] =	vst v21;
	v56 =	vld.idx.msk [tilespmem:v21+s2+$0x0], $0xffff  }
0x87: {  	v3 =	vor.u32 v42, v0;
	v42 =	vor.u32 v31, v0;
	[tilespmem:$0x1FAE0] =	vst v29;
	v31 =	vld.idx.msk [tilespmem:v29+s2+$0x0], $0xffff  }
0x88: {  	[tilespmem:$0x1FB70] =	vst v42;
	v54 =	vor.u32 v28, v0;
	v29 =	vor.u32 v59, v0;
	v6 =	vld.idx.msk [tilespmem:v20+s2+$0x0], $0xffff  }
0x89: {  	[tilespmem:$0x1FA90] =	vst v20;
	v1 =	vcombine.low v1, v2;
	v20 =	vor.u32 v27, v0;
	v27 =	vmov v26;
	v26 =	vld.idx.msk [tilespmem:v22+s2+$0x0], $0xffff  }
0x8a: {  	v28 =	vmovc v11;
	v11 =	vor.u32 v35, v0;
	v21 =	vadd.f32 v12, v7;
	v22 =	vor.u32 v34, v0  }
0x8b: {  	v7 =	vld.idx.msk [tilespmem:v50+s2+$0x0], $0xffff;
	v2 =	vor.u32 v48, v0;
	v24 =	vor.u32 v1, v0;
	v0 =	vadd.f32 v60, v18  }
0x8c: {  	v30 =	vmov v25;
	v25 =	vmul.f32 v12, v9;
	v12 =	vld.idx.msk [tilespmem:v32+s2+$0x0], $0xffff;
	[tilespmem:$0x1FBE0] =	vst v11  }
0x8d: {  	v35 =	vmov v23;
	v32 =	vld.idx.msk [tilespmem:v42+s2+$0x0], $0xffff;
	[tilespmem:$0x1FB20] =	vst v0;
	v0 =	vmax.f32 v39, v37  }
0x8e: {  	v48 =	vmul.f32 v18, v39;
	v4 =	vmax.f32 v8, v45;
	v23 =	vld.idx.msk [tilespmem:v20+s2+$0x0], $0xffff;
	v0 =	vmax.f32 v0, v26  }
0x8f: {  	v50 =	vmov v57;
	v4 =	vmax.f32 v4, v31;
	[tilespmem:$0x1FAF0] =	vst v1;
	v1 =	vld.idx.msk [tilespmem:v54+s2+$0x0], $0xffff;
	v0 =	vmax.f32 v0, v5  }
0x90: {  	v53 =	vmovc v31;
	v18 =	vmul.f32 v60, v37;
	v4 =	vmax.f32 v4, v15;
	v0 =	vmax.f32 v0, v57  }
0x91: {  	[tilespmem:$0x1FBD0] =	vst v46;
	v60 =	vmovc v5;
	v4 =	vmax.f32 v4, v56;
	v57 =	vmov v19;
	v0 =	vmax.f32 v0, v49  }
0x92: {  	[tilespmem:$0x1FB90] =	vst v6;
	v4 =	vmax.f32 v4, v6;
	v5 =	vmax.f32 v38, v9;
	v0 =	vmax.f32 v0, v51  }
0x93: {  	v4 =	vmax.f32 v4, v46;
	v19 =	vld.idx.msk [tilespmem:v52+s2+$0x0], $0xffff;
	v5 =	vmax.f32 v5, v23;
	v0 =	vmax.f32 v0, v43  }
0x94: {  	v6 =	vld.idx.msk [tilespmem:v11+s2+$0x0], $0xffff;
	v4 =	vmax.f32 v4, v58;
	v5 =	vmax.f32 v5, v1;
	v0 =	vmax.f32 v0, v44  }
0x95: {  	v11 =	vld.idx.msk [tilespmem:v2+s2+$0x0], $0xffff;
	v4 =	vmax.f32 v4, v61;
	v5 =	vmax.f32 v5, v7;
	v0 =	vmax.f32 v0, v33  }
0x96: {  	v4 =	vmax.f32 v4, v47;
	v31 =	vld.idx.msk [tilespmem:v57+s2+$0x0], $0xffff;
	v5 =	vmax.f32 v5, v12;
	v0 =	vmax.f32 v0, v14  }
0x97: {  	v46 =	vmovc v33;
	v33 =	vmov v47;
	v47 =	vld.idx.msk [tilespmem:v62+s2+$0x0], $0xffff;
	v5 =	vmax.f32 v5, v32;
	v0 =	vmax.f32 v0, v41  }
0x98: {  	[tilespmem:$0x1FBF0] =	vst v12;
	v12 =	vld.idx.msk [tilespmem:v29+s2+$0x0], $0xffff;
	v5 =	vmax.f32 v5, v19;
	v0 =	vmax.f32 v0, v36  }
0x99: {  	v42 =	vmovc v49;
	v49 =	vmov v19;
	v19 =	vmax.f32 v5, v17;
	v5 =	vld.idx.msk [tilespmem:v24+s2+$0x0], $0xffff;
	v0 =	vmax.f32 v0, v30  }
0x9a: {  	[tilespmem:$0x1FB80] =	vst v52;
	v52 =	vmov v24;
	v19 =	vmax.f32 v19, v6;
	v24 =	vmax.f32 v0, v27;
	v0 =	vld [tilespmem:$0x1FC40]  }
0x9b: {  	v4 =	vmax.f32 v4, v10;
	v19 =	vmax.f32 v19, v11  }
0x9c: {  	v4 =	vmax.f32 v4, v40;
	v19 =	vmax.f32 v19, v31  }
0x9d: {  	[tilespmem:$0x1FB40] =	vst v45;
	v45 =	vmov v23;
	v23 =	vmax.f32 v4, v35;
	v4 =	vld.idx.msk [tilespmem:v22+s2+$0x0], $0xffff;
	v19 =	vmax.f32 v19, v12  }
0x9e: {  	v19 =	vmax.f32 v19, v5  }
0x9f: {  	[tilespmem:$0x1FC10] =	vst v29;
	v29 =	vld.idx.msk [tilespmem:v20+s8+$0x0], $0xffff;
	v20 =	vmax.f32 v24, v0;
	v24 =	vmax.f32 v19, v47  }
0xa0: {  	[tilespmem:$0x1FB60] =	vst v15  }
0xa1: {  	[tilespmem:$0x1FB10] =	vst v54;
	v54 =	vmov v56;
	v15 =	vmov v51;
	v56 =	vmov v1;
	v51 =	vld [tilespmem:$0x1FBC0]  }
0xa2: {  	v1 =	vmovc v58;
	v58 =	vmovc v6;
	v6 =	vld.idx.msk [tilespmem:v22+s8+$0x0], $0xffff;
	v22 =	vmax.f32 v24, v4;
	v24 =	vmov v0;
	v0 =	vimm.f32 $0.0e+00  }
0xa3: {  	[tilespmem:$0x1FC70] =	vst v0;
	v0 =	vld [tilespmem:$0x1FC80];
	_ =	sdelay $0x2  }
0xa4: {  	v34 =	vmov v55;
	[tilespmem:$0x1FBB0] =	vst v7;
	v7 =	vmov v10;
	v10 =	vld [tilespmem:$0x1FC60]  }
0xa5: {  	[tilespmem:$0x1FC20] =	vst v17;
	v23 =	vmax.f32 v23, v34;
	v17 =	vld [tilespmem:$0x1FC50]  }
0xa6: {  	v23 =	vmax.f32 v23, v28;
	v0 =	vadd.f32 v0, v51  }
0xa7: {  	[tilespmem:$0x1FC30] =	vst v62;
	v23 =	vmax.f32 v23, v16  }
0xa8: {  	[tilespmem:$0x1FCA0] =	vst v3;
	v3 =	vld.idx.msk [tilespmem:v3+s2+$0x0], $0xffff;
	v55 =	vmov v26  }
0xa9: {  	[tilespmem:$0x1FC00] =	vst v2;
	v26 =	vmovc v43;
	v2 =	vmovc v14;
	v43 =	vmov v44;
	v44 =	vmov v61;
	v14 =	vmov v11  }
0xaa: {  	s11 =	simm.s32 $0x10;
	v19 =	vmax.f32 v20, v17;
	v20 =	vmax.f32 v23, v10;
	v23 =	vmovc v16;
	[tilespmem:$0x1FC90] =	vst v0;
	v0 =	vmov v10  }
.LBB2_2:
0xab: {  	[tilespmem:$0x1F840] =	vst v36  }
0xac: {  	[tilespmem:$0x1F8C0] =	vst v28  }
0xad: {  	[tilespmem:$0x1F900] =	vst v23;
	v19 =	vmax.f32 v19, v20;
	v11 =	vadd.f32 v18, v48;
	v22 =	vmax.f32 v22, v3  }
0xae: {  	[tilespmem:$0x1FC40] =	vst v24;
	v10 =	vadd.f32 v25, v13;
	v25 =	vmax.f32 v19, v22  }
0xaf: {  	[tilespmem:$0x1F760] =	vst v11;
	v11 =	vadd.f32 v29, v21;
	v18 =	vsub.f32 v17, v25  }
0xb0: {  	v13 =	vmov s11;
	[tilespmem:$0x1F910] =	vst v3;
	v3 =	vsub.f32 v3, v25;
	v20 =	vsub.f32 v0, v25  }
0xb1: {  	[tilespmem:$0x1F880] =	vst v27;
	v19 =	vshll.u32 v13, $0x7;
	v13 =	vsub.f32 v4, v25;
	v22 =	vsub.f32 v24, v25  }
0xb2: {  	[tilespmem:$0x1F730] =	vst v10;
	v10 =	vld [tilespmem:$0x1FC30];
	v24 =	vsub.f32 v23, v25;
	v27 =	vsub.f32 v27, v25  }
0xb3: {  	[tilespmem:$0x1F720] =	vst v29;
	v29 =	vsub.f32 v28, v25;
	v28 =	vsub.f32 v5, v25  }
0xb4: {  	[tilespmem:$0x1F870] =	vst v30;
	v30 =	vsub.f32 v30, v25;
	v48 =	vsub.f32 v34, v25  }
0xb5: {  	[tilespmem:$0x1FC60] =	vst v0;
	v4 =	vmul.f32 v6, v4;
	v36 =	vsub.f32 v36, v25;
	v23 =	vsub.f32 v12, v25  }
0xb6: {  	v0 =	vld [tilespmem:$0x1FCB0];
	v61 =	vsub.f32 v41, v25;
	[tilespmem:$0x1F6F0] =	vst v3;
	v3 =	vmul.f32 v51, v8;
	v18 =	vmul.f32 $1.442695020e+00, v18  }
0xb7: {  	[tilespmem:$0x1F8B0] =	vst v34;
	v62 =	vsub.f32 v40, v25;
	v22 =	vmul.f32 $1.442695020e+00, v22;
	v34 =	vmul.f32 $1.442695020e+00, v27  }
0xb8: {  	[tilespmem:$0x1F7A0] =	vst v46;
	v46 =	vsub.f32 v46, v25;
	v36 =	vmul.f32 $1.442695020e+00, v36;
	v61 =	vmul.f32 $1.442695020e+00, v61  }
0xb9: {  	v16 =	vld.idx.msk [tilespmem:v57+s8+$0x0], $0xffff;
	v59 =	vsub.f32 v1, v25;
	v57 =	vmul.f32 $1.442695020e+00, v62;
	[tilespmem:$0x1F710] =	vst v3;
	v3 =	vmul.f32 $1.442695020e+00, v20  }
0xba: {  	v10 =	vld.idx.msk [tilespmem:v10+s8+$0x0], $0xffff;
	v20 =	vmul.f32 $1.442695020e+00, v29;
	(erf) = vpow2.f32 v18;
	v18 =	vsub.f32 v33, v25  }
0xbb: {  	v29 =	vsub.f32 v2, v25;
	v21 =	vor.u32 v0, v19;
	(erf) = vpow2.f32 v22  }
0xbc: {  	[tilespmem:$0x1F740] =	vst v11;
	v11 =	vld.idx.msk [tilespmem:v52+s8+$0x0], $0xffff;
	v22 =	vsub.f32 v43, v25;
	v62 =	vmul.f32 $1.442695020e+00, v18;
	v18 =	vsub.f32 v26, v25  }
0xbd: {  	[tilespmem:$0x1F800] =	vst v41;
	(erf) = vpow2.f32 v34;
	v34 =	vmul.f32 $1.442695020e+00, v59;
	v59 =	vsub.f32 v38, v25  }
0xbe: {  	[tilespmem:$0x1F850] =	vst v35;
	v0 =	vsub.f32 v47, v25;
	v22 =	vmul.f32 $1.442695020e+00, v22;
	v18 =	vmul.f32 $1.442695020e+00, v18  }
0xbf: {  	[tilespmem:$0x1F8F0] =	vst v4;
	v41 =	vmul.f32 $1.442695020e+00, v59;
	v4 =	vmul.f32 v10, v47;
	v47 =	vsub.f32 v35, v25  }
0xc0: {  	[tilespmem:$0x1F790] =	vst v58;
	v35 =	vmul.f32 $1.442695020e+00, v30;
	v30 =	vsub.f32 v58, v25;
	v58 =	vmul.f32 $1.442695020e+00, v46  }
0xc1: {  	v46 =	vsub.f32 v60, v25;
	[tilespmem:$0x1F8D0] =	vst v4;
	v4 =	vmul.f32 v11, v5;
	v52 =	vmul.f32 $1.442695020e+00, v47  }
0xc2: {  	v63 =	vsub.f32 v42, v25;
	v47 =	vmul.f32 $1.442695020e+00, v29;
	(erf) = vpow2.f32 v35  }
0xc3: {  	[tilespmem:$0x1F830] =	vst v12;
	v12 =	vsub.f32 v31, v25;
	v51 =	vmul.f32 $1.442695020e+00, v46;
	(erf) = vpow2.f32 v36  }
0xc4: {  	[tilespmem:$0x1F7B0] =	vst v33;
	v27 =	vsub.f32 v14, v25;
	v36 =	vmul.f32 $1.442695020e+00, v63;
	(erf) = vpow2.f32 v61  }
0xc5: {  	[tilespmem:$0x1F890] =	vst v4;
	v4 =	vmul.f32 v16, v31;
	v61 =	vsub.f32 v15, v25;
	(erf) = vpow2.f32 v47  }
0xc6: {  	[tilespmem:$0x1F8E0] =	vst v6;
	v6 =	vmovc v45;
	v59 =	vld [tilespmem:$0x1FB40];
	v29 =	vsub.f32 v44, v25;
	v31 =	vmul.f32 $1.442695020e+00, v24;
	(erf) = vpow2.f32 v58  }
0xc7: {  	[tilespmem:$0x1F780] =	vst v44;
	v33 =	vmovc v26;
	v26 =	vmovc v15;
	v44 =	vsub.f32 v50, v25;
	v35 =	vmul.f32 $1.442695020e+00, v61;
	(erf) = vpow2.f32 v22  }
0xc8: {  	[tilespmem:$0x1F770] =	vst v1;
	v63 =	vsub.f32 v39, v25;
	v24 =	vmul.f32 $1.442695020e+00, v48;
	v1 =	vpop (erf);
	(erf) = vpow2.f32 v18  }
0xc9: {  	[tilespmem:$0x1F810] =	vst v40;
	v40 =	vmul.f32 $1.442695020e+00, v44;
	v47 =	vsub.f32 v55, v25;
	v58 =	vpop (erf);
	(erf) = vpow2.f32 v35  }
0xca: {  	[tilespmem:$0x1F8A0] =	vst v10;
	v48 =	vsub.f32 v7, v25;
	v44 =	vsub.f32 v37, v25;
	v22 =	vpop (erf);
	(erf) = vpow2.f32 v36  }
0xcb: {  	v10 =	vsub.f32 v59, v25;
	[tilespmem:$0x1F750] =	vst v1;
	v1 =	vmul.f32 $1.442695020e+00, v47;
	(erf) = vpow2.f32 v40;
	v18 =	vpop (erf)  }
0xcc: {  	[tilespmem:$0x1F7E0] =	vst v7;
	v39 =	vld [tilespmem:$0x1FB60];
	v37 =	vmov v53;
	v46 =	vmul.f32 $1.442695020e+00, v63;
	(erf) = vpow2.f32 v51;
	v7 =	vpop (erf)  }
0xcd: {  	v10 =	vmul.f32 $1.442695020e+00, v10;
	v47 =	vsub.f32 v8, v25;
	(erf) = vpow2.f32 v1;
	v8 =	vpop (erf)  }
0xce: {  	[tilespmem:$0x1F7C0] =	vst v14;
	v53 =	vsub.f32 v53, v25;
	v1 =	vmul.f32 $1.442695020e+00, v44;
	v61 =	vpop (erf);
	(erf) = vpow2.f32 v41  }
0xcf: {  	[tilespmem:$0x1F7D0] =	vst v2;
	v2 =	vld [tilespmem:$0x1FBB0];
	v36 =	vmul.f32 $1.442695020e+00, v47;
	v51 =	vsub.f32 v9, v25;
	(erf) = vpow2.f32 v46;
	v9 =	vpop (erf)  }
0xd0: {  	[tilespmem:$0x1F860] =	vst v11;
	v11 =	vsub.f32 v45, v25;
	v15 =	vld [tilespmem:$0x1FB90];
	v35 =	vmul.f32 $1.442695020e+00, v53;
	(erf) = vpow2.f32 v1;
	v40 =	vpop (erf)  }
0xd1: {  	[tilespmem:$0x1F700] =	vst v3;
	v3 =	vld [tilespmem:$0x1FBF0];
	v63 =	vsub.f32 v39, v25;
	v41 =	vmul.f32 $1.442695020e+00, v51;
	v14 =	vpop (erf);
	(erf) = vpow2.f32 v36  }
0xd2: {  	v5 =	vpop (erf);
	(erf) = vpow2.f32 v10;
	v10 =	vmul.f32 $1.442695020e+00, v11;
	v11 =	vsub.f32 v56, v25  }
0xd3: {  	v38 =	vsub.f32 v54, v25;
	[tilespmem:$0x1F820] =	vst v4;
	v36 =	vmul.f32 $1.442695020e+00, v63;
	v4 =	vpop (erf);
	(erf) = vpow2.f32 v41  }
0xd4: {  	v51 =	vsub.f32 v2, v25;
	v45 =	vpop (erf);
	(erf) = vpow2.f32 v35;
	v11 =	vmul.f32 $1.442695020e+00, v11  }
0xd5: {  	[tilespmem:$0x1F7F0] =	vst v16;
	v53 =	vsub.f32 v15, v25;
	v16 =	vpop (erf);
	(erf) = vpow2.f32 v10;
	v10 =	vmul.f32 $1.442695020e+00, v38;
	v38 =	vld [tilespmem:$0x1FBD0]  }
0xd6: {  	v35 =	vmul.f32 $1.442695020e+00, v51;
	v51 =	vsub.f32 v3, v25;
	v63 =	vpop (erf);
	(erf) = vpow2.f32 v36  }
0xd7: {  	v44 =	vpop (erf);
	(erf) = vpow2.f32 v11  }
0xd8: {  	v11 =	vmul.f32 $1.442695020e+00, v53;
	v46 =	vpop (erf);
	(erf) = vpow2.f32 v10  }
0xd9: {  	[tilespmem:$0x1FC50] =	vst v17;
	v17 =	vld [tilespmem:$0x1FC20];
	v10 =	vmul.f32 $1.442695020e+00, v51;
	v47 =	vpop (erf);
	(erf) = vpow2.f32 v35  }
0xda: {  	v53 =	vsub.f32 v38, v25;
	v51 =	vpop (erf);
	(erf) = vpow2.f32 v11  }
0xdb: {  	v36 =	vsub.f32 v32, v25;
	v35 =	vpop (erf);
	(erf) = vpow2.f32 v10  }
0xdc: {  	v10 =	vadd.f32 v47, v46;
	v1 =	vmul.f32 $1.442695020e+00, v53;
	v46 =	vadd.f32 v35, v51  }
0xdd: {  	v29 =	vmul.f32 $1.442695020e+00, v29;
	v11 =	vmul.f32 $1.442695020e+00, v36;
	v36 =	vsub.f32 v49, v25  }
0xde: {  	v48 =	vmul.f32 $1.442695020e+00, v48;
	v41 =	vsub.f32 v17, v25;
	v47 =	vpop (erf);
	(erf) = vpow2.f32 v1  }
0xdf: {  	v36 =	vmul.f32 $1.442695020e+00, v36;
	v35 =	vadd.f32 v47, v44;
	v51 =	vpop (erf);
	(erf) = vpow2.f32 v11  }
0xe0: {  	v10 =	vadd.f32 v10, v63;
	v11 =	vadd.f32 v46, v51;
	(erf) = vpow2.f32 v34;
	v46 =	vpop (erf)  }
0xe1: {  	v47 =	vmul.f32 $1.442695020e+00, v41;
	v34 =	vadd.f32 v35, v46;
	v51 =	vpop (erf);
	(erf) = vpow2.f32 v36  }
0xe2: {  	v10 =	vadd.f32 v10, v16;
	v11 =	vadd.f32 v11, v51;
	(erf) = vpow2.f32 v29;
	v16 =	vpop (erf)  }
0xe3: {  	v1 =	vmul.f32 $1.442695020e+00, v30;
	v16 =	vadd.f32 v34, v16;
	v30 =	vpop (erf);
	(erf) = vpow2.f32 v47  }
0xe4: {  	v10 =	vadd.f32 v10, v45;
	v11 =	vadd.f32 v11, v30;
	(erf) = vpow2.f32 v62;
	v30 =	vpop (erf)  }
0xe5: {  	v19 =	vmul.f32 $1.442695020e+00, v27;
	v16 =	vadd.f32 v16, v30;
	v30 =	vpop (erf);
	(erf) = vpow2.f32 v1  }
0xe6: {  	v10 =	vadd.f32 v10, v4;
	(erf) = vpow2.f32 v48;
	v29 =	vpop (erf)  }
0xe7: {  	v11 =	vadd.f32 v11, v30;
	v30 =	vpop (erf);
	(erf) = vpow2.f32 v19;
	v19 =	vmul.f32 $1.442695020e+00, v0;
	v0 =	vld [tilespmem:$0x1FBA0];
	_ =	sdelay $0x1  }
0xe8: {  	v10 =	vadd.f32 v10, v5;
	_ =	sdelay $0x1  }
0xe9: {  	v10 =	vadd.f32 v10, v14;
	_ =	sdelay $0x1  }
0xea: {  	v10 =	vadd.f32 v10, v40;
	_ =	sdelay $0x1  }
0xeb: {  	v10 =	vadd.f32 v10, v9;
	v9 =	vld.idx.msk [tilespmem:v0+s8+$0x0], $0xffff  }
0xec: {  	v16 =	vadd.f32 v16, v29;
	v29 =	vmul.f32 $1.442695020e+00, v12;
	v0 =	vld [tilespmem:$0x1FB70]  }
0xed: {  	v11 =	vadd.f32 v11, v30;
	(erf) = vpow2.f32 v57;
	v27 =	vpop (erf)  }
0xee: {  	v1 =	vmul.f32 $1.442695020e+00, v23;
	v16 =	vadd.f32 v16, v27;
	v27 =	vpop (erf);
	(erf) = vpow2.f32 v29  }
0xef: {  	v11 =	vadd.f32 v11, v27;
	(erf) = vpow2.f32 v52;
	v27 =	vpop (erf)  }
0xf0: {  	v16 =	vadd.f32 v16, v27;
	v27 =	vmul.f32 $1.442695020e+00, v28;
	v28 =	vpop (erf);
	(erf) = vpow2.f32 v1  }
0xf1: {  	v11 =	vadd.f32 v11, v28;
	(erf) = vpow2.f32 v24;
	v23 =	vpop (erf)  }
0xf2: {  	v16 =	vadd.f32 v16, v23;
	v23 =	vpop (erf);
	(erf) = vpow2.f32 v27  }
0xf3: {  	v11 =	vadd.f32 v11, v23;
	(erf) = vpow2.f32 v20;
	v23 =	vpop (erf)  }
0xf4: {  	v16 =	vadd.f32 v16, v23;
	v23 =	vpop (erf);
	(erf) = vpow2.f32 v19;
	v19 =	vld.idx.msk [tilespmem:v0+s8+$0x0], $0xffff  }
0xf5: {  	v0 =	vld [tilespmem:$0x1FAE0];
	_ =	sdelay $0x4  }
0xf6: {  	v1 =	vld [tilespmem:$0x1FAD0];
	_ =	sdelay $0x2  }
0xf7: {  	v11 =	vadd.f32 v11, v23;
	v23 =	vld.idx.msk [tilespmem:v0+s8+$0x0], $0xffff  }
0xf8: {  	v0 =	vld [tilespmem:$0x1F6F0];
	_ =	sdelay $0x3  }
0xf9: {  	v24 =	vld.idx.msk [tilespmem:v1+s8+$0x0], $0xffff  }
0xfa: {  	v1 =	vmul.f32 $1.442695020e+00, v0;
	v0 =	vld [tilespmem:$0x1FB50];
	_ =	sdelay $0x5  }
0xfb: {  	v10 =	vadd.f32 v10, v61;
	v20 =	vpop (erf)  }
0xfc: {  	v5 =	vadd.f32 v16, v20;
	v20 =	vpop (erf)  }
0xfd: {  	v8 =	vadd.f32 v10, v8;
	v10 =	vadd.f32 v11, v20;
	v11 =	vld.idx.msk [tilespmem:v0+s8+$0x0], $0xffff  }
0xfe: {  	v0 =	vld [tilespmem:$0x1F700];
	_ =	sdelay $0x1  }
0xff: {  	v4 =	vmul.f32 $1.442695020e+00, v13  }
0x100: {  	(erf) = vpow2.f32 v31  }
0x101: {  	(erf) = vpow2.f32 v4  }
0x102: {  	(erf) = vpow2.f32 v0;
	v0 =	vld [tilespmem:$0x1FB20];
	_ =	sdelay $0x4  }
0x103: {  	v20 =	vadd.f32 v24, v0;
	v0 =	vld [tilespmem:$0x1FA80];
	_ =	sdelay $0x7  }
0x104: {  	v27 =	vld.idx.msk [tilespmem:v0+s8+$0x0], $0xffff  }
0x105: {  	v0 =	vld [tilespmem:$0x1FC80];
	_ =	sdelay $0x4  }
0x106: {  	v14 =	vmul.f32 v0, v59;
	v0 =	vld [tilespmem:$0x1FB30];
	_ =	sdelay $0x5  }
0x107: {  	v13 =	vpop (erf)  }
0x108: {  	v16 =	vpop (erf)  }
0x109: {  	v10 =	vadd.f32 v10, v16;
	v16 =	vld.idx.msk [tilespmem:v0+s8+$0x0], $0xffff  }
0x10a: {  	v0 =	vld [tilespmem:$0x1F710];
	_ =	sdelay $0x4  }
0x10b: {  	v29 =	vpop (erf);
	(erf) = vpow2.f32 v1;
	v1 =	vadd.f32 v14, v0;
	v0 =	vld [tilespmem:$0x1FB10];
	_ =	sdelay $0x7  }
0x10c: {  	v14 =	vld.idx.msk [tilespmem:v0+s8+$0x0], $0xffff  }
0x10d: {  	v0 =	vld [tilespmem:$0x1FAA0];
	_ =	sdelay $0x7  }
0x10e: {  	v30 =	vld.idx.msk [tilespmem:v0+s8+$0x0], $0xffff  }
0x10f: {  	v0 =	vld [tilespmem:$0x1FAC0];
	_ =	sdelay $0x7  }
0x110: {  	v31 =	vld.idx.msk [tilespmem:v0+s8+$0x0], $0xffff  }
0x111: {  	v0 =	vld [tilespmem:$0x1FC90];
	_ =	sdelay $0x3  }
0x112: {  	v28 =	vadd.f32 v8, v7;
	v7 =	vmul.f32 v11, v3;
	v3 =	vld [tilespmem:$0x1FB00]  }
0x113: {  	v59 =	vadd.f32 v23, v0;
	v0 =	vld [tilespmem:$0x1F720];
	_ =	sdelay $0x4  }
0x114: {  	v0 =	vmul.f32 v0, v6;
	v6 =	vmul.f32 v16, v2;
	v2 =	vld [tilespmem:$0x1FAB0];
	_ =	sdelay $0x1  }
0x115: {  	v61 =	vld.idx.msk [tilespmem:v3+s8+$0x0], $0xffff  }
0x116: {  	v3 =	vld [tilespmem:$0x1F730]  }
0x117: {  	v28 =	vadd.f32 v28, v18;
	_ =	sdelay $0x1  }
0x118: {  	v28 =	vadd.f32 v28, v22;
	_ =	sdelay $0x1  }
0x119: {  	v0 =	vadd.f32 v0, v3;
	v3 =	vadd.f32 v28, v58;
	v28 =	vld.idx.msk [tilespmem:v2+s8+$0x0], $0xffff  }
0x11a: {  	v2 =	vld [tilespmem:$0x1F740]  }
0x11b: {  	v13 =	vadd.f32 v5, v13;
	_ =	sdelay $0x1  }
0x11c: {  	v13 =	vadd.f32 v13, v29;
	v29 =	vpop (erf)  }
0x11d: {  	v10 =	vadd.f32 v10, v29;
	v29 =	vpop (erf)  }
0x11e: {  	v13 =	vadd.f32 v13, v29;
	v29 =	vmul.f32 v27, v42;
	v42 =	vadd.f32 v14, v2;
	v2 =	vld [tilespmem:$0x1F750];
	_ =	sdelay $0x4  }
0x11f: {  	v8 =	vmul.f32 v9, v17;
	v17 =	vpop (erf);
	v18 =	vadd.f32 v3, v2;
	v2 =	vld [tilespmem:$0x1F760]  }
0x120: {  	v10 =	vadd.f32 v10, v17;
	v17 =	vpop (erf)  }
0x121: {  	v13 =	vadd.f32 v13, v17;
	v17 =	vpop (erf)  }
0x122: {  	v10 =	vadd.f32 v10, v17;
	v17 =	vpop (erf);
	v24 =	vmul.f32 v24, v55  }
0x123: {  	v13 =	vadd.f32 v13, v17;
	v17 =	vpop (erf)  }
0x124: {  	v10 =	vadd.f32 v10, v17;
	v17 =	vadd.f32 v24, v2;
	v2 =	vmul.f32 v23, v37;
	_ =	sdelay $0x1  }
0x125: {  	v1 =	vadd.f32 v2, v1;
	v2 =	vld [tilespmem:$0x1FA90]  }
0x126: {  	v4 =	vld [tilespmem:$0x1FA60];
	_ =	sdelay $0x4  }
0x127: {  	v22 =	vpop (erf)  }
0x128: {  	v13 =	vadd.f32 v13, v22;
	v10 =	vadd.f32 v10, v18  }
0x129: {  	v23 =	vld.idx.msk [tilespmem:v2+s8+$0x0], $0xffff  }
0x12a: {  	v2 =	vadd.f32 v10, v13;
	v13 =	vadd.f32 v16, v42;
	v16 =	vld.idx.msk [tilespmem:v4+s8+$0x0], $0xffff  }
0x12b: {  	v4 =	vld [tilespmem:$0x1FA70];
	_ =	sdelay $0x4  }
0x12c: {  	v3 =	vmul.f32 v14, v56  }
0x12d: {  	v20 =	vadd.f32 v31, v20;
	v14 =	vmul.f32 v31, v60  }
0x12e: {  	v0 =	vadd.f32 v3, v0  }
0x12f: {  	v3 =	vadd.f32 v14, v17;
	v14 =	vadd.f32 v30, v20;
	v20 =	vld.idx.msk [tilespmem:v4+s8+$0x0], $0xffff  }
0x130: {  	v4 =	vld [tilespmem:$0x1FB80];
	_ =	sdelay $0x7  }
0x131: {  	v11 =	vadd.f32 v11, v13;
	v13 =	vld.idx.msk [tilespmem:v4+s8+$0x0], $0xffff  }
0x132: {  	v4 =	vld [tilespmem:$0x1FA40];
	_ =	sdelay $0x3  }
0x133: {  	v22 =	vmul.f32 v61, v39;
	_ =	sdelay $0x1  }
0x134: {  	v1 =	vadd.f32 v22, v1;
	v10 =	vmul.f32 v28, v54;
	_ =	sdelay $0x1  }
0x135: {  	v1 =	vadd.f32 v10, v1;
	v10 =	vld.idx.msk [tilespmem:v4+s8+$0x0], $0xffff  }
0x136: {  	v4 =	vld [tilespmem:$0x1FA50];
	_ =	sdelay $0x3  }
0x137: {  	v17 =	vand.u32 $0x7FFFFF, v2  }
0x138: {  	v0 =	vadd.f32 v6, v0;
	v6 =	vor.u32 $0x3F800000, v17  }
0x139: {  	v17 =	vmul.f32 $5.000000000e-01, v6  }
0x13a: {  	vm1 =	vge.f32 v6, $1.414213540e+00  }
0x13b: {  	v7 =	vadd.f32 v7, v0;
	v0 =	vsel vm1, v17, v6;
	v17 =	vld.idx.msk [tilespmem:v4+s8+$0x0], $0xffff  }
0x13c: {  	v4 =	vld [tilespmem:$0x1FA20];
	_ =	sdelay $0x7  }
0x13d: {  	v12 =	vmul.f32 v19, v32;
	v11 =	vadd.f32 v19, v11;
	v19 =	vld.idx.msk [tilespmem:v4+s8+$0x0], $0xffff  }
0x13e: {  	v4 =	vld [tilespmem:$0x1FA30];
	_ =	sdelay $0x7  }
0x13f: {  	v22 =	vld.idx.msk [tilespmem:v4+s8+$0x0], $0xffff  }
0x140: {  	v4 =	vld [tilespmem:$0x1FBE0];
	_ =	sdelay $0x7  }
0x141: {  	v7 =	vadd.f32 v12, v7;
	v11 =	vadd.f32 v13, v11;
	v12 =	vmul.f32 v13, v49;
	v13 =	vld.idx.msk [tilespmem:v4+s8+$0x0], $0xffff  }
0x142: {  	v18 =	vadd.f32 v61, v59;
	v4 =	vld [tilespmem:$0x1FA00]  }
0x143: {  	v55 =	vmul.f32 v30, v50  }
0x144: {  	v18 =	vadd.f32 v28, v18  }
0x145: {  	v3 =	vadd.f32 v55, v3;
	v14 =	vadd.f32 v27, v14  }
0x146: {  	v18 =	vadd.f32 v23, v18;
	v6 =	vmul.f32 v23, v15;
	v0 =	vadd.f32 $-1.000000000e+00, v0  }
0x147: {  	v3 =	vadd.f32 v29, v3;
	v14 =	vadd.f32 v16, v14;
	v16 =	vmul.f32 v16, v26  }
0x148: {  	v1 =	vadd.f32 v6, v1;
	v6 =	vadd.f32 v20, v18;
	v18 =	vmul.f32 $7.037683580e-02, v0;
	_ =	sdelay $0x1  }
0x149: {  	v3 =	vadd.f32 v16, v3;
	v16 =	vadd.f32 $-1.151461010e-01, v18;
	v18 =	vld.idx.msk [tilespmem:v4+s8+$0x0], $0xffff  }
0x14a: {  	v4 =	vld [tilespmem:$0x1F770];
	_ =	sdelay $0x2  }
0x14b: {  	v14 =	vadd.f32 v10, v14;
	v10 =	vmul.f32 v10, v33;
	_ =	sdelay $0x1  }
0x14c: {  	v3 =	vadd.f32 v10, v3;
	v10 =	vmul.f32 v17, v4;
	v4 =	vld [tilespmem:$0x1FA10];
	_ =	sdelay $0x7  }
0x14d: {  	v7 =	vadd.f32 v12, v7;
	v12 =	vmul.f32 v16, v0;
	v16 =	vld.idx.msk [tilespmem:v4+s8+$0x0], $0xffff  }
0x14e: {  	v4 =	vld [tilespmem:$0x1FC00];
	_ =	sdelay $0x7  }
0x14f: {  	v6 =	vadd.f32 v17, v6;
	v17 =	vld.idx.msk [tilespmem:v4+s8+$0x0], $0xffff  }
0x150: {  	v4 =	vld [tilespmem:$0x1F9E0];
	_ =	sdelay $0x7  }
0x151: {  	v9 =	vadd.f32 v9, v11;
	v11 =	vadd.f32 v19, v14;
	v14 =	vmul.f32 v19, v43;
	v19 =	vld.idx.msk [tilespmem:v4+s8+$0x0], $0xffff  }
0x152: {  	v4 =	vld [tilespmem:$0x1F780]  }
0x153: {  	v20 =	vmul.f32 v20, v38;
	_ =	sdelay $0x1  }
0x154: {  	v1 =	vadd.f32 v20, v1;
	_ =	sdelay $0x1  }
0x155: {  	v1 =	vadd.f32 v10, v1;
	v10 =	vmul.f32 v22, v4;
	v4 =	vld [tilespmem:$0x1F9F0];
	_ =	sdelay $0x7  }
0x156: {  	v20 =	vld.idx.msk [tilespmem:v4+s8+$0x0], $0xffff  }
0x157: {  	v4 =	vld [tilespmem:$0x1F790];
	_ =	sdelay $0x2  }
0x158: {  	v12 =	vadd.f32 $1.167699840e-01, v12  }
0x159: {  	v7 =	vadd.f32 v8, v7  }
0x15a: {  	v8 =	vadd.f32 v13, v9;
	v9 =	vmul.f32 v12, v0;
	v12 =	vmul.f32 v13, v4;
	v4 =	vld [tilespmem:$0x1F7A0];
	_ =	sdelay $0x4  }
0x15b: {  	v13 =	vmul.f32 v18, v4;
	v4 =	vld [tilespmem:$0x1F9C0];
	_ =	sdelay $0x7  }
0x15c: {  	v3 =	vadd.f32 v14, v3;
	v14 =	vld.idx.msk [tilespmem:v4+s8+$0x0], $0xffff  }
0x15d: {  	v4 =	vld [tilespmem:$0x1F7B0];
	_ =	sdelay $0x4  }
0x15e: {  	v1 =	vadd.f32 v10, v1;
	v10 =	vmul.f32 v16, v4;
	v4 =	vld [tilespmem:$0x1F9D0];
	_ =	sdelay $0x5  }
0x15f: {  	v6 =	vadd.f32 v22, v6;
	_ =	sdelay $0x1  }
0x160: {  	v6 =	vadd.f32 v16, v6;
	v16 =	vld.idx.msk [tilespmem:v4+s8+$0x0], $0xffff  }
0x161: {  	v4 =	vld [tilespmem:$0x1F7C0];
	_ =	sdelay $0x4  }
0x162: {  	v1 =	vadd.f32 v10, v1;
	v10 =	vmul.f32 v17, v4;
	v4 =	vld [tilespmem:$0x1FC10];
	_ =	sdelay $0x7  }
0x163: {  	v7 =	vadd.f32 v12, v7;
	v12 =	vld.idx.msk [tilespmem:v4+s8+$0x0], $0xffff  }
0x164: {  	v4 =	vld [tilespmem:$0x1F7D0];
	_ =	sdelay $0x4  }
0x165: {  	v3 =	vadd.f32 v13, v3;
	v13 =	vmul.f32 v19, v4;
	v4 =	vld [tilespmem:$0x1F9A0];
	_ =	sdelay $0x7  }
0x166: {  	v8 =	vadd.f32 v17, v8;
	v17 =	vld.idx.msk [tilespmem:v4+s8+$0x0], $0xffff  }
0x167: {  	v4 =	vld [tilespmem:$0x1F7E0];
	_ =	sdelay $0x4  }
0x168: {  	v11 =	vadd.f32 v18, v11;
	v18 =	vmul.f32 v20, v4;
	v4 =	vld [tilespmem:$0x1F9B0];
	_ =	sdelay $0x7  }
0x169: {  	v11 =	vadd.f32 v19, v11;
	v19 =	vld.idx.msk [tilespmem:v4+s8+$0x0], $0xffff  }
0x16a: {  	v4 =	vld [tilespmem:$0x1F7F0];
	_ =	sdelay $0x4  }
0x16b: {  	v8 =	vadd.f32 v4, v8;
	v4 =	vld [tilespmem:$0x1F800];
	_ =	sdelay $0x4  }
0x16c: {  	v7 =	vadd.f32 v10, v7;
	v10 =	vadd.f32 v14, v11;
	v11 =	vmul.f32 v14, v4;
	v4 =	vld [tilespmem:$0x1F980];
	_ =	sdelay $0x7  }
0x16d: {  	v3 =	vadd.f32 v13, v3;
	v13 =	vld.idx.msk [tilespmem:v4+s8+$0x0], $0xffff  }
0x16e: {  	v4 =	vld [tilespmem:$0x1F810];
	_ =	sdelay $0x4  }
0x16f: {  	v14 =	vmul.f32 v16, v4;
	v4 =	vld [tilespmem:$0x1F990];
	_ =	sdelay $0x5  }
0x170: {  	v5 =	vld [tilespmem:$0x1F960];
	v9 =	vadd.f32 $-1.242014100e-01, v9;
	v6 =	vadd.f32 v20, v6;
	_ =	sdelay $0x1  }
0x171: {  	v9 =	vmul.f32 v9, v0;
	v6 =	vadd.f32 v16, v6;
	v16 =	vld.idx.msk [tilespmem:v4+s8+$0x0], $0xffff  }
0x172: {  	v4 =	vld [tilespmem:$0x1F820]  }
0x173: {  	v9 =	vadd.f32 $1.424932330e-01, v9;
	_ =	sdelay $0x1  }
0x174: {  	v9 =	vmul.f32 v9, v0;
	_ =	sdelay $0x1  }
0x175: {  	v4 =	vadd.f32 v4, v7;
	v7 =	vadd.f32 $-1.666805740e-01, v9;
	v9 =	vld.idx.msk [tilespmem:v5+s8+$0x0], $0xffff  }
0x176: {  	v5 =	vld [tilespmem:$0x1F830];
	_ =	sdelay $0x4  }
0x177: {  	v3 =	vadd.f32 v11, v3;
	v11 =	vmul.f32 v12, v5;
	v5 =	vld [tilespmem:$0x1F840];
	_ =	sdelay $0x4  }
0x178: {  	v8 =	vadd.f32 v12, v8;
	v12 =	vmul.f32 v17, v5;
	v5 =	vld [tilespmem:$0x1F850];
	_ =	sdelay $0x4  }
0x179: {  	v4 =	vadd.f32 v11, v4;
	v11 =	vmul.f32 v19, v5;
	v5 =	vld [tilespmem:$0x1F860];
	_ =	sdelay $0x4  }
0x17a: {  	v8 =	vadd.f32 v5, v8;
	v5 =	vld [tilespmem:$0x1F870];
	_ =	sdelay $0x4  }
0x17b: {  	v3 =	vadd.f32 v12, v3;
	v12 =	vmul.f32 v13, v5;
	v5 =	vld [tilespmem:$0x1F970];
	_ =	sdelay $0x5  }
0x17c: {  	v10 =	vadd.f32 v17, v10;
	_ =	sdelay $0x1  }
0x17d: {  	v10 =	vadd.f32 v13, v10;
	v13 =	vld.idx.msk [tilespmem:v5+s8+$0x0], $0xffff  }
0x17e: {  	v5 =	vld [tilespmem:$0x1F880]  }
0x17f: {  	v1 =	vadd.f32 v18, v1;
	_ =	sdelay $0x1  }
0x180: {  	v1 =	vadd.f32 v14, v1;
	_ =	sdelay $0x1  }
0x181: {  	v1 =	vadd.f32 v11, v1;
	v11 =	vmul.f32 v9, v5;
	v5 =	vld [tilespmem:$0x1F890];
	_ =	sdelay $0x4  }
0x182: {  	v4 =	vadd.f32 v5, v4;
	v5 =	vld [tilespmem:$0x1F8A0];
	_ =	sdelay $0x3  }
0x183: {  	v17 =	vld [tilespmem:$0x1F8C0]  }
0x184: {  	v5 =	vadd.f32 v5, v8;
	v8 =	vld [tilespmem:$0x1F8B0]  }
0x185: {  	v7 =	vmul.f32 v7, v0;
	v9 =	vadd.f32 v9, v10;
	v10 =	vld [tilespmem:$0x1F940]  }
0x186: {  	v15 =	vld [tilespmem:$0x1F950];
	v6 =	vadd.f32 v19, v6  }
0x187: {  	v7 =	vadd.f32 $2.000071410e-01, v7;
	v3 =	vadd.f32 v12, v3;
	v12 =	vld [tilespmem:$0x1FCA0]  }
0x188: {  	v6 =	vadd.f32 v16, v6  }
0x189: {  	v7 =	vmul.f32 v7, v0;
	v8 =	vmul.f32 v16, v8;
	v16 =	vld [tilespmem:$0x1F920]  }
0x18a: {  	v14 =	vimm.s32 $0x0;
	v6 =	vadd.f32 v13, v6;
	v13 =	vmul.f32 v13, v17;
	v17 =	vld [tilespmem:$0x1F930]  }
0x18b: {  	v2 =	vshra.s32 v2, $0x17;
	v18 =	vld [tilespmem:$0x1F8D0];
	v14 =	vsel vm1, $0x1, v14;
	v7 =	vadd.f32 $-2.499999400e-01, v7  }
0x18c: {  	v2 =	vadd.s32 v14, v2;
	v3 =	vadd.f32 v11, v3;
	v11 =	vld [tilespmem:$0x1FC40]  }
0x18d: {  	v14 =	vmul.f32 v0, v0;
	v2 =	vadd.s32 $0xFFFFFF81, v2;
	v7 =	vmul.f32 v7, v0;
	v10 =	vld.idx.msk [tilespmem:v10+s8+$0x0], $0xffff  }
0x18e: {  	v15 =	vld.idx.msk [tilespmem:v15+s8+$0x0], $0xffff;
	v2 =	vcvt.s32.f32 v2  }
0x18f: {  	v7 =	vadd.f32 $3.333333130e-01, v7;
	v12 =	vld.idx.msk [tilespmem:v12+s8+$0x0], $0xffff;
	v1 =	vadd.f32 v8, v1;
	v8 =	vmul.f32 v14, v0  }
0x190: {  	v4 =	vadd.f32 v18, v4;
	v18 =	vld [tilespmem:$0x1F8E0]  }
0x191: {  	v7 =	vmul.f32 v7, v8;
	v8 =	vmul.f32 $-2.121944420e-04, v2;
	v16 =	vld.idx.msk [tilespmem:v16+s8+$0x0], $0xffff  }
0x192: {  	v17 =	vld.idx.msk [tilespmem:v17+s8+$0x0], $0xffff;
	v9 =	vadd.f32 v10, v9;
	v10 =	vmul.f32 v10, v11  }
0x193: {  	v11 =	vld [tilespmem:$0x1FC50];
	v7 =	vadd.f32 v8, v7;
	v8 =	vmul.f32 $5.000000000e-01, v14  }
0x194: {  	v3 =	vadd.f32 v10, v3;
	v10 =	vld [tilespmem:$0x1F900]  }
0x195: {  	v1 =	vadd.f32 v13, v1;
	v13 =	vld [tilespmem:$0x1F8F0];
	v7 =	vsub.f32 v7, v8  }
0x196: {  	v8 =	vadd.f32 v16, v9;
	v9 =	vld [tilespmem:$0x1FC60]  }
0x197: {  	v6 =	vadd.f32 v15, v6;
	v0 =	vadd.f32 v7, v0;
	v7 =	vld [tilespmem:$0x1F910]  }
0x198: {  	v5 =	vadd.f32 v18, v5  }
0x199: {  	v6 =	vadd.f32 v17, v6;
	v10 =	vmul.f32 v15, v10  }
0x19a: {  	v5 =	vadd.f32 v12, v5;
	v2 =	vmul.f32 $6.933593750e-01, v2;
	v11 =	vmul.f32 v16, v11  }
0x19b: {  	v1 =	vadd.f32 v10, v1;
	v4 =	vadd.f32 v13, v4;
	v9 =	vmul.f32 v17, v9  }
0x19c: {  	v0 =	vadd.f32 v0, v2;
	v3 =	vadd.f32 v11, v3;
	v7 =	vmul.f32 v12, v7  }
0x19d: {  	v6 =	vadd.f32 v6, v8;
	v1 =	vadd.f32 v9, v1  }
0x19e: {  	v0 =	vadd.f32 v0, v25;
	v4 =	vadd.f32 v7, v4  }
0x19f: {  	v5 =	vadd.f32 v5, v6;
	v1 =	vadd.f32 v1, v3  }
0x1a0: {  	v13 =	vld [tilespmem:$0x1FC70]  }
0x1a1: {  	v1 =	vadd.f32 v4, v1;
	v4 =	vmul.f32 v5, v0;
	_ =	sdelay $0x1  }
0x1a2: {  	v1 =	vsub.f32 v4, v1  }
0x1a3: {  	v62 =	vld [tilespmem:$0x1FDC0]  }
0x1a4: {  	v13 =	vadd.f32 v1, v13;
	v1 =	vld [tilespmem:$0x1FFC0];
	_ =	sdelay $0x3  }
0x1a5: {  	v11 =	vor.u32 v62, v21;
	v4 =	vld [tilespmem:$0x1FE30]  }
0x1a6: {  	[tilespmem:$0x1FC70] =	vst v13;
	v13 =	vor.u32 v1, v21;
	v1 =	vld [tilespmem:$0x1FE50];
	_ =	sdelay $0x3  }
0x1a7: {  	v61 =	vld.idx.msk [tilespmem:v11+s2+$0x0], $0xffff;
	v9 =	vor.u32 v4, v21  }
0x1a8: {  	[tilespmem:$0x1F920] =	vst v11;
	v11 =	vor.u32 v1, v21;
	v1 =	vld [tilespmem:$0x1FE90];
	_ =	sdelay $0x3  }
0x1a9: {  	v62 =	vld.idx.msk [tilespmem:v9+s2+$0x0], $0xffff  }
0x1aa: {  	[tilespmem:$0x1F930] =	vst v9;
	v9 =	vor.u32 v1, v21;
	v1 =	vld [tilespmem:$0x1FE80];
	_ =	sdelay $0x2  }
0x1ab: {  	v47 =	vld [tilespmem:$0x1FDB0]  }
0x1ac: {  	v23 =	vld.idx.msk [tilespmem:v13+s2+$0x0], $0xffff  }
0x1ad: {  	[tilespmem:$0x1F950] =	vst v13;
	v13 =	vor.u32 v1, v21;
	v1 =	vld [tilespmem:$0x1FF10];
	_ =	sdelay $0x2  }
0x1ae: {  	v53 =	vld [tilespmem:$0x1FD70];
	v15 =	vor.u32 v47, v21  }
0x1af: {  	v28 =	vld.idx.msk [tilespmem:v11+s2+$0x0], $0xffff  }
0x1b0: {  	[tilespmem:$0x1F970] =	vst v11;
	v11 =	vor.u32 v1, v21;
	v1 =	vld [tilespmem:$0x1FF00];
	_ =	sdelay $0x2  }
0x1b1: {  	v24 =	vld.idx.msk [tilespmem:v15+s2+$0x0], $0xffff  }
0x1b2: {  	[tilespmem:$0x1F940] =	vst v15;
	v15 =	vor.u32 v53, v21;
	v34 =	vld.idx.msk [tilespmem:v9+s2+$0x0], $0xffff  }
0x1b3: {  	[tilespmem:$0x1F990] =	vst v9;
	v9 =	vor.u32 v1, v21;
	v1 =	vld [tilespmem:$0x1FD40];
	_ =	sdelay $0x2  }
0x1b4: {  	v48 =	vld [tilespmem:$0x1FD80]  }
0x1b5: {  	v36 =	vld.idx.msk [tilespmem:v15+s2+$0x0], $0xffff  }
0x1b6: {  	[tilespmem:$0x1F9A0] =	vst v15;
	v15 =	vor.u32 v1, v21;
	v1 =	vld [tilespmem:$0x1FE70];
	_ =	sdelay $0x1  }
0x1b7: {  	v63 =	vld [tilespmem:$0x1FD50]  }
0x1b8: {  	v40 =	vld [tilespmem:$0x1FDD0];
	v18 =	vor.u32 v48, v21  }
0x1b9: {  	v35 =	vld.idx.msk [tilespmem:v13+s2+$0x0], $0xffff  }
0x1ba: {  	[tilespmem:$0x1F9B0] =	vst v13;
	v13 =	vor.u32 v1, v21;
	v1 =	vld [tilespmem:$0x1FEC0];
	_ =	sdelay $0x1  }
0x1bb: {  	v44 =	vld [tilespmem:$0x1FD90]  }
0x1bc: {  	v30 =	vld.idx.msk [tilespmem:v18+s2+$0x0], $0xffff  }
0x1bd: {  	[tilespmem:$0x1F980] =	vst v18;
	v18 =	vor.u32 v63, v21;
	v7 =	vor.u32 v40, v21;
	v40 =	vld.idx.msk [tilespmem:v11+s2+$0x0], $0xffff  }
0x1be: {  	[tilespmem:$0x1F9D0] =	vst v11;
	v11 =	vor.u32 v1, v21;
	v1 =	vld [tilespmem:$0x1FD20];
	_ =	sdelay $0x2  }
0x1bf: {  	v46 =	vld [tilespmem:$0x1FD60];
	v16 =	vor.u32 v44, v21  }
0x1c0: {  	v20 =	vld.idx.msk [tilespmem:v18+s2+$0x0], $0xffff  }
0x1c1: {  	[tilespmem:$0x1F9E0] =	vst v18;
	v18 =	vor.u32 v1, v21;
	v1 =	vld [tilespmem:$0x1FE60]  }
0x1c2: {  	v41 =	vld [tilespmem:$0x1FCC0]  }
0x1c3: {  	v57 =	vld [tilespmem:$0x1FD30]  }
0x1c4: {  	[tilespmem:$0x1F960] =	vst v16;
	v27 =	vld.idx.msk [tilespmem:v16+s2+$0x0], $0xffff;
	v16 =	vor.u32 v46, v21  }
0x1c5: {  	v19 =	vld.idx.msk [tilespmem:v9+s2+$0x0], $0xffff  }
0x1c6: {  	[tilespmem:$0x1F9F0] =	vst v9;
	v9 =	vor.u32 v1, v21;
	v1 =	vld [tilespmem:$0x1FFF0];
	_ =	sdelay $0x2  }
0x1c7: {  	[tilespmem:$0x1F9C0] =	vst v16;
	v3 =	vor.u32 v41, v21;
	v41 =	vld.idx.msk [tilespmem:v16+s2+$0x0], $0xffff;
	v16 =	vor.u32 v57, v21  }
0x1c8: {  	v22 =	vld.idx.msk [tilespmem:v13+s2+$0x0], $0xffff  }
0x1c9: {  	[tilespmem:$0x1FA10] =	vst v13;
	v13 =	vor.u32 v1, v21;
	v1 =	vld [tilespmem:$0x1FFD0];
	_ =	sdelay $0x2  }
0x1ca: {  	v33 =	vld.idx.msk [tilespmem:v16+s2+$0x0], $0xffff  }
0x1cb: {  	[tilespmem:$0x1FA20] =	vst v16;
	v16 =	vld.idx.msk [tilespmem:v11+s2+$0x0], $0xffff  }
0x1cc: {  	[tilespmem:$0x1FA30] =	vst v11;
	v11 =	vor.u32 v1, v21;
	v1 =	vld [tilespmem:$0x1FCF0];
	_ =	sdelay $0x3  }
0x1cd: {  	v43 =	vld.idx.msk [tilespmem:v18+s2+$0x0], $0xffff  }
0x1ce: {  	[tilespmem:$0x1FA40] =	vst v18;
	v18 =	vor.u32 v1, v21;
	v1 =	vld [tilespmem:$0x1FFE0];
	_ =	sdelay $0x4  }
0x1cf: {  	v17 =	vor.u32 v1, v21;
	v1 =	vld [tilespmem:$0x1FCE0];
	_ =	sdelay $0x4  }
0x1d0: {  	v57 =	vor.u32 v1, v21;
	v1 =	vld [tilespmem:$0x1FED0];
	_ =	sdelay $0x3  }
0x1d1: {  	v2 =	vld [tilespmem:$0x1FE40]  }
0x1d2: {  	v1 =	vor.u32 v1, v21;
	_ =	sdelay $0x1  }
0x1d3: {  	v51 =	vld [tilespmem:$0x1FD10];
	v6 =	vlaneseq.u32  }
0x1d4: {  	v45 =	vld [tilespmem:$0x1FDE0];
	v6 =	vor.u32 v6, v21  }
0x1d5: {  	v52 =	vld [tilespmem:$0x1FD00];
	v2 =	vor.u32 v2, v21  }
0x1d6: {  	v47 =	vld.idx.msk [tilespmem:v1+s2+$0x0], $0xffff  }
0x1d7: {  	[tilespmem:$0x1FB00] =	vst v1;
	v1 =	vld [tilespmem:$0x1FDF0]  }
0x1d8: {  	[tilespmem:$0x1FA00] =	vst v15;
	v29 =	vld.idx.msk [tilespmem:v15+s2+$0x0], $0xffff;
	v15 =	vor.u32 v51, v21  }
0x1d9: {  	v39 =	vld.idx.msk [tilespmem:v6+s2+$0x0], $0xffff  }
0x1da: {  	v5 =	vld.idx.msk [tilespmem:v2+s8+$0x0], $0xffff  }
0x1db: {  	v42 =	vld.idx.msk [tilespmem:v17+s2+$0x0], $0xffff  }
0x1dc: {  	[tilespmem:$0x1FAB0] =	vst v17;
	v17 =	vor.u32 v1, v21;
	v1 =	vld [tilespmem:$0x1FF80]  }
0x1dd: {  	v31 =	vld.idx.msk [tilespmem:v15+s2+$0x0], $0xffff  }
0x1de: {  	v26 =	vld.idx.msk [tilespmem:v13+s2+$0x0], $0xffff  }
0x1df: {  	[tilespmem:$0x1FA70] =	vst v13;
	v13 =	vld [tilespmem:$0x1FCD0]  }
0x1e0: {  	[tilespmem:$0x1FA60] =	vst v15;
	v15 =	vld.idx.msk [tilespmem:v11+s2+$0x0], $0xffff  }
0x1e1: {  	[tilespmem:$0x1FA90] =	vst v11;
	v11 =	vor.u32 v1, v21;
	v1 =	vld [tilespmem:$0x1FF90]  }
0x1e2: {  	v58 =	vld.idx.msk [tilespmem:v9+s2+$0x0], $0xffff  }
0x1e3: {  	v10 =	vor.u32 v45, v21;
	[tilespmem:$0x1FA50] =	vst v9;
	v9 =	vld.idx.msk [tilespmem:v2+s2+$0x0], $0xffff  }
0x1e4: {  	v2 =	vld [tilespmem:$0x1FEB0]  }
0x1e5: {  	v4 =	vld.idx.msk [tilespmem:v6+s8+$0x0], $0xffff;
	v13 =	vor.u32 v13, v21  }
0x1e6: {  	v6 =	vor.u32 v1, v21;
	v1 =	vld [tilespmem:$0x1FFA0]  }
0x1e7: {  	v8 =	vld [tilespmem:$0x1FE20]  }
0x1e8: {  	v45 =	vld.idx.msk [tilespmem:v10+s8+$0x0], $0xffff  }
0x1e9: {  	v25 =	vor.u32 v52, v21;
	v52 =	vor.u32 v2, v21;
	v2 =	vld [tilespmem:$0x1FEF0]  }
0x1ea: {  	v50 =	vld.idx.msk [tilespmem:v13+s2+$0x0], $0xffff  }
0x1eb: {  	[tilespmem:$0x1FAD0] =	vst v13;
	v13 =	vor.u32 v1, v21;
	v1 =	vld [tilespmem:$0x1FFB0]  }
0x1ec: {  	v55 =	vld.idx.msk [tilespmem:v10+s2+$0x0], $0xffff;
	v8 =	vor.u32 v8, v21  }
0x1ed: {  	v59 =	vld.idx.msk [tilespmem:v7+s8+$0x0], $0xffff  }
0x1ee: {  	v60 =	vor.u32 v2, v21;
	v2 =	vld [tilespmem:$0x1FF40]  }
0x1ef: {  	v44 =	vld.idx.msk [tilespmem:v18+s2+$0x0], $0xffff  }
0x1f0: {  	[tilespmem:$0x1FAA0] =	vst v18;
	v18 =	vor.u32 v1, v21;
	v1 =	vld [tilespmem:$0x1FF30]  }
0x1f1: {  	v0 =	vld.idx.msk [tilespmem:v8+s8+$0x0], $0xffff  }
0x1f2: {  	v38 =	vld.idx.msk [tilespmem:v8+s2+$0x0], $0xffff  }
0x1f3: {  	v46 =	vld.idx.msk [tilespmem:v57+s2+$0x0], $0xffff  }
0x1f4: {  	[tilespmem:$0x1FAC0] =	vst v57;
	v57 =	vor.u32 v2, v21;
	v2 =	vld [tilespmem:$0x1FF60]  }
0x1f5: {  	v10 =	vor.u32 v1, v21;
	v1 =	vld [tilespmem:$0x1FEA0]  }
0x1f6: {  	v8 =	vld.idx.msk [tilespmem:v7+s2+$0x0], $0xffff  }
0x1f7: {  	v12 =	vld.idx.msk [tilespmem:v3+s8+$0x0], $0xffff  }
0x1f8: {  	[tilespmem:$0x1FA80] =	vst v25;
	v37 =	vld.idx.msk [tilespmem:v3+s2+$0x0], $0xffff  }
0x1f9: {  	[tilespmem:$0x1FB40] =	vst v55;
	v7 =	vor.u32 v2, v21;
	v2 =	vld [tilespmem:$0x1FF50]  }
0x1fa: {  	[tilespmem:$0x1FC80] =	vst v45;
	v3 =	vor.u32 v1, v21;
	v1 =	vld [tilespmem:$0x1FEE0]  }
0x1fb: {  	[tilespmem:$0x1FC30] =	vst v52  }
0x1fc: {  	[tilespmem:$0x1FBD0] =	vst v26  }
0x1fd: {  	[tilespmem:$0x1FB80] =	vst v60  }
0x1fe: {  	[tilespmem:$0x1FB90] =	vst v15;
	v54 =	vor.u32 v2, v21;
	v2 =	vld [tilespmem:$0x1FF70]  }
0x1ff: {  	[tilespmem:$0x1FC10] =	vst v7;
	v53 =	vor.u32 v1, v21;
	v1 =	vld [tilespmem:$0x1FAF0]  }
0x200: {  	[tilespmem:$0x1FB60] =	vst v47;
	v51 =	vld.idx.msk [tilespmem:v17+s2+$0x0], $0xffff  }
0x201: {  	[tilespmem:$0x1FAE0] =	vst v17;
	v17 =	vld.idx.msk [tilespmem:v13+s2+$0x0], $0xffff  }
0x202: {  	[tilespmem:$0x1FBA0] =	vst v54;
	v32 =	vld.idx.msk [tilespmem:v18+s2+$0x0], $0xffff  }
0x203: {  	[tilespmem:$0x1FB10] =	vst v6  }
0x204: {  	[tilespmem:$0x1FB30] =	vst v13;
	v63 =	vor.u32 v1, v21;
	v1 =	vld.idx.msk [tilespmem:v6+s2+$0x0], $0xffff  }
0x205: {  	[tilespmem:$0x1FB50] =	vst v18;
	v6 =	vor.u32 v2, v21;
	v2 =	vld [tilespmem:$0x1FF20]  }
0x206: {  	[tilespmem:$0x1FBB0] =	vst v17  }
0x207: {  	v14 =	vld.idx.msk [tilespmem:v11+s2+$0x0], $0xffff;
	[tilespmem:$0x1FBF0] =	vst v32  }
0x208: {  	v49 =	vld.idx.msk [tilespmem:v25+s2+$0x0], $0xffff;
	v48 =	vmul.f32 v4, v39;
	v25 =	vmul.f32 v5, v9;
	[tilespmem:$0x1FCA0] =	vst v3  }
0x209: {  	v13 =	vmul.f32 v0, v38;
	v18 =	vmul.f32 v12, v37;
	[tilespmem:$0x1FB70] =	vst v53  }
0x20a: {  	v3 =	vld.idx.msk [tilespmem:v3+s2+$0x0], $0xffff;
	[tilespmem:$0x1FBE0] =	vst v6;
	v2 =	vor.u32 v2, v21;
	v21 =	vadd.f32 v5, v0  }
0x20b: {  	v0 =	vadd.f32 v12, v4;
	v4 =	vmax.f32 v8, v55;
	v12 =	vld.idx.msk [tilespmem:v53+s2+$0x0], $0xffff;
	v5 =	vadd.f32 v45, v59  }
0x20c: {  	v55 =	vmovc v50;
	v53 =	vmov v51;
	v45 =	vmov v14;
	v56 =	vmov v1;
	v6 =	vld.idx.msk [tilespmem:v6+s2+$0x0], $0xffff;
	[tilespmem:$0x1FC00] =	vst v2  }
0x20d: {  	v4 =	vmax.f32 v4, v51;
	v51 =	vld.idx.msk [tilespmem:v60+s2+$0x0], $0xffff;
	v60 =	vmov v46;
	[tilespmem:$0x1FB20] =	vst v0;
	v0 =	vmax.f32 v39, v37  }
0x20e: {  	[tilespmem:$0x1FC90] =	vst v5;
	v5 =	vmax.f32 v38, v9;
	v4 =	vmax.f32 v4, v47;
	v47 =	vld.idx.msk [tilespmem:v54+s2+$0x0], $0xffff;
	v54 =	vmov v42  }
0x20f: {  	v0 =	vmax.f32 v0, v50;
	v5 =	vmax.f32 v5, v14;
	v50 =	vmovc v44;
	v4 =	vmax.f32 v4, v42  }
0x210: {  	v42 =	vmovc v49;
	v0 =	vmax.f32 v0, v46;
	v5 =	vmax.f32 v5, v1;
	v4 =	vmax.f32 v4, v15  }
0x211: {  	v15 =	vmovc v31;
	v1 =	vmovc v58;
	v46 =	vmov v29;
	v0 =	vmax.f32 v0, v44;
	v5 =	vmax.f32 v5, v17  }
0x212: {  	v17 =	vld.idx.msk [tilespmem:v2+s2+$0x0], $0xffff;
	v4 =	vmax.f32 v4, v26;
	v26 =	vmovc v43;
	v44 =	vmov v16;
	v0 =	vmax.f32 v0, v49  }
0x213: {  	v2 =	vmovc v20;
	v5 =	vmax.f32 v5, v32;
	v32 =	vmov v12;
	v0 =	vmax.f32 v0, v31;
	v31 =	vld.idx.msk [tilespmem:v57+s2+$0x0], $0xffff  }
0x214: {  	v4 =	vmax.f32 v4, v58;
	v49 =	vmovc v51;
	v58 =	vmov v6;
	v5 =	vmax.f32 v5, v12;
	v12 =	vld.idx.msk [tilespmem:v7+s2+$0x0], $0xffff  }
0x215: {  	v4 =	vmax.f32 v4, v16;
	[tilespmem:$0x1FC20] =	vst v47;
	v7 =	vmovc v19;
	v0 =	vmax.f32 v0, v43;
	v43 =	vmov v33  }
0x216: {  	v16 =	vmax.f32 v5, v51;
	v5 =	vld.idx.msk [tilespmem:v63+s2+$0x0], $0xffff;
	v4 =	vmax.f32 v4, v22;
	v0 =	vmax.f32 v0, v33  }
0x217: {  	v51 =	vmovc v59;
	v33 =	vmov v22;
	v16 =	vmax.f32 v16, v47;
	v47 =	vld.idx.msk [tilespmem:v52+s2+$0x0], $0xffff;
	v0 =	vmax.f32 v0, v29  }
0x218: {  	v52 =	vmovc v63;
	v19 =	vmax.f32 v4, v19;
	v16 =	vmax.f32 v16, v6;
	v0 =	vmax.f32 v0, v20  }
0x219: {  	p0 =	sne.s32 s11, $0xA0;
	v4 =	vld.idx.msk [tilespmem:v10+s2+$0x0], $0xffff;
	v19 =	vmax.f32 v19, v40;
	v16 =	vmax.f32 v16, v17;
	v0 =	vmax.f32 v0, v41  }
.Ltmp0:
0x21a: {  	v14 =	vmovc v17;
	v19 =	vmax.f32 v19, v35;
	v16 =	vmax.f32 v16, v31;
	v20 =	vmax.f32 v0, v36;
	(pc) =	sbr.rel @p0 .LBB2_2-.Ltmp0, $4  }
0x21b: {  	v29 =	vld.idx.msk [tilespmem:v11+s8+$0x0], $0xffff;
	v19 =	vmax.f32 v19, v34;
	v16 =	vmax.f32 v16, v12;
	v11 =	vmax.f32 v20, v30  }
0x21c: {  	v6 =	vld.idx.msk [tilespmem:v10+s8+$0x0], $0xffff;
	v19 =	vmax.f32 v19, v28;
	v16 =	vmax.f32 v16, v5;
	v11 =	vmax.f32 v11, v27  }
0x21d: {  	v17 =	vmovc v61;
	v20 =	vmax.f32 v19, v23;
	v16 =	vmax.f32 v16, v47;
	v11 =	vmax.f32 v11, v24  }
0x21e: {  	s11 =	sadd.s32 $0x10, s11;
	v0 =	vmovc v62;
	v20 =	vmax.f32 v20, v62;
	v22 =	vmax.f32 v16, v4;
	v19 =	vmax.f32 v11, v61  }
0x21f: {  	v10 =	vmax.f32 v19, v20;
	v11 =	vmax.f32 v22, v3  }
0x220: {  	v19 =	vmax.f32 v10, v11  }
0x221: {  	v10 =	vsub.f32 v17, v19  }
0x222: {  	v11 =	vsub.f32 v24, v19  }
0x223: {  	v16 =	vsub.f32 v27, v19;
	v10 =	vmul.f32 $1.442695020e+00, v10  }
0x224: {  	v20 =	vsub.f32 v30, v19;
	v11 =	vmul.f32 $1.442695020e+00, v11  }
0x225: {  	(erf) = vpow2.f32 v10;
	v10 =	vmul.f32 $1.442695020e+00, v16;
	v16 =	vsub.f32 v36, v19  }
0x226: {  	(erf) = vpow2.f32 v11;
	v11 =	vmul.f32 $1.442695020e+00, v20;
	v20 =	vsub.f32 v41, v19  }
0x227: {  	(erf) = vpow2.f32 v10;
	v10 =	vmul.f32 $1.442695020e+00, v16  }
0x228: {  	v16 =	vsub.f32 v2, v19;
	(erf) = vpow2.f32 v11;
	v11 =	vmul.f32 $1.442695020e+00, v20  }
0x229: {  	[tilespmem:$0x1FC40] =	vst v24;
	v24 =	vsub.f32 v38, v19;
	v20 =	vsub.f32 v46, v19;
	(erf) = vpow2.f32 v10  }
0x22a: {  	v10 =	vmul.f32 $1.442695020e+00, v16;
	v16 =	vsub.f32 v43, v19;
	(erf) = vpow2.f32 v11  }
0x22b: {  	[tilespmem:$0x1F6D0] =	vst v26;
	v11 =	vmul.f32 $1.442695020e+00, v20;
	v20 =	vsub.f32 v26, v19;
	v26 =	vmovc v23;
	v23 =	vmovc v28;
	v28 =	vmul.f32 $1.442695020e+00, v24  }
0x22c: {  	(erf) = vpow2.f32 v10;
	v10 =	vmul.f32 $1.442695020e+00, v16;
	v16 =	vsub.f32 v15, v19  }
0x22d: {  	(erf) = vpow2.f32 v11;
	v11 =	vmul.f32 $1.442695020e+00, v20;
	v20 =	vsub.f32 v42, v19  }
0x22e: {  	(erf) = vpow2.f32 v10;
	v10 =	vmul.f32 $1.442695020e+00, v16;
	v16 =	vsub.f32 v50, v19  }
0x22f: {  	v22 =	vsub.f32 v60, v19;
	(erf) = vpow2.f32 v11;
	v11 =	vmul.f32 $1.442695020e+00, v20;
	v62 =	vpop (erf)  }
0x230: {  	(erf) = vpow2.f32 v10;
	v10 =	vmul.f32 $1.442695020e+00, v16;
	[tilespmem:$0x1F6C0] =	vst v62;
	v16 =	vsub.f32 v55, v19;
	v62 =	vld [tilespmem:$0x1FB40]  }
0x231: {  	v9 =	vsub.f32 v9, v19;
	(erf) = vpow2.f32 v11;
	v11 =	vmul.f32 $1.442695020e+00, v22  }
0x232: {  	v63 =	vpop (erf);
	(erf) = vpow2.f32 v10;
	v10 =	vsub.f32 v39, v19;
	v16 =	vmul.f32 $1.442695020e+00, v16  }
0x233: {  	[tilespmem:$0x1F6B0] =	vst v63;
	v38 =	vpop (erf);
	v20 =	vmov v29;
	v63 =	vmov v53;
	(erf) = vpow2.f32 v11  }
0x234: {  	v39 =	vpop (erf);
	(erf) = vpow2.f32 v16;
	v10 =	vmul.f32 $1.442695020e+00, v10;
	v16 =	vsub.f32 v8, v19  }
0x235: {  	[tilespmem:$0x1F880] =	vst v27;
	v11 =	vsub.f32 v37, v19;
	v27 =	vpop (erf);
	(erf) = vpow2.f32 v28;
	v29 =	vsub.f32 v62, v19  }
0x236: {  	v28 =	vpop (erf);
	(erf) = vpow2.f32 v10;
	v10 =	vmul.f32 $1.442695020e+00, v16;
	v16 =	vsub.f32 v53, v19;
	v53 =	vld [tilespmem:$0x1FB60]  }
0x237: {  	v11 =	vmul.f32 $1.442695020e+00, v11  }
0x238: {  	[tilespmem:$0x1FC50] =	vst v17;
	v17 =	vmov v34;
	v9 =	vmul.f32 $1.442695020e+00, v9  }
0x239: {  	[tilespmem:$0x1F870] =	vst v30;
	v61 =	vsub.f32 v56, v19;
	v24 =	vld [tilespmem:$0x1FBB0];
	v30 =	vpop (erf);
	(erf) = vpow2.f32 v11;
	v11 =	vmul.f32 $1.442695020e+00, v29  }
0x23a: {  	[tilespmem:$0x1F6E0] =	vst v43;
	v43 =	vmov v42;
	v42 =	vsub.f32 v45, v19;
	v29 =	vpop (erf);
	(erf) = vpow2.f32 v10  }
0x23b: {  	v22 =	vpop (erf);
	(erf) = vpow2.f32 v11;
	v11 =	vmul.f32 $1.442695020e+00, v16;
	v59 =	vsub.f32 v53, v19  }
0x23c: {  	[tilespmem:$0x1F7D0] =	vst v2;
	v2 =	vsub.f32 v54, v19;
	v16 =	vpop (erf);
	(erf) = vpow2.f32 v9;
	v9 =	vmul.f32 $1.442695020e+00, v42  }
0x23d: {  	v10 =	vmov v35;
	v34 =	vpop (erf);
	(erf) = vpow2.f32 v11;
	v11 =	vmul.f32 $1.442695020e+00, v59;
	v59 =	vld [tilespmem:$0x1FB90]  }
0x23e: {  	v42 =	vsub.f32 v24, v19;
	v35 =	vpop (erf);
	(erf) = vpow2.f32 v9;
	v9 =	vmul.f32 $1.442695020e+00, v61  }
0x23f: {  	[tilespmem:$0x1F840] =	vst v36;
	v36 =	vpop (erf);
	(erf) = vpow2.f32 v11;
	v11 =	vmul.f32 $1.442695020e+00, v2  }
0x240: {  	v37 =	vpop (erf);
	(erf) = vpow2.f32 v9;
	v9 =	vmul.f32 $1.442695020e+00, v42  }
0x241: {  	[tilespmem:$0x1F6A0] =	vst v38;
	v61 =	vld [tilespmem:$0x1FBF0];
	(erf) = vpow2.f32 v11  }
0x242: {  	[tilespmem:$0x1F690] =	vst v39;
	v38 =	vpop (erf);
	v39 =	vsub.f32 v59, v19;
	(erf) = vpow2.f32 v9;
	v9 =	vadd.f32 v18, v48;
	v48 =	vld [tilespmem:$0x1FBD0];
	_ =	sdelay $0x2  }
0x243: {  	v11 =	vmul.f32 $1.442695020e+00, v39  }
0x244: {  	v13 =	vadd.f32 v25, v13;
	v2 =	vmov v40;
	v40 =	vsub.f32 v61, v19;
	v39 =	vpop (erf)  }
0x245: {  	[tilespmem:$0x1F800] =	vst v41;
	v18 =	vsub.f32 v32, v19;
	(erf) = vpow2.f32 v11;
	v41 =	vpop (erf);
	v11 =	vsub.f32 v48, v19  }
0x246: {  	[tilespmem:$0x1F7A0] =	vst v46;
	v46 =	vmov v15;
	v8 =	vmul.f32 v51, v8;
	v40 =	vmul.f32 $1.442695020e+00, v40;
	v15 =	vpop (erf)  }
0x247: {  	v25 =	vmov v32;
	v18 =	vmul.f32 $1.442695020e+00, v18;
	v32 =	vpop (erf);
	v11 =	vmul.f32 $1.442695020e+00, v11  }
0x248: {  	(erf) = vpow2.f32 v40;
	v15 =	vadd.f32 v15, v41;
	v41 =	vsub.f32 v49, v19;
	v51 =	vpop (erf)  }
0x249: {  	v40 =	vsub.f32 v1, v19;
	v32 =	vadd.f32 v51, v32;
	v51 =	vpop (erf);
	(erf) = vpow2.f32 v11  }
0x24a: {  	(erf) = vpow2.f32 v18;
	v18 =	vmul.f32 $1.442695020e+00, v41;
	v41 =	vld [tilespmem:$0x1FC20]  }
0x24b: {  	v11 =	vadd.f32 v51, v39;
	v51 =	vmul.f32 $1.442695020e+00, v40  }
0x24c: {  	v15 =	vadd.f32 v15, v38;
	v38 =	vsub.f32 v44, v19;
	v42 =	vpop (erf)  }
0x24d: {  	v32 =	vadd.f32 v32, v42  }
0x24e: {  	v15 =	vadd.f32 v15, v37;
	v37 =	vmul.f32 $1.442695020e+00, v38;
	(erf) = vpow2.f32 v51  }
0x24f: {  	v38 =	vsub.f32 v33, v19;
	(erf) = vpow2.f32 v18;
	v51 =	vpop (erf);
	v18 =	vsub.f32 v41, v19  }
0x250: {  	v39 =	vsub.f32 v58, v19;
	v11 =	vadd.f32 v11, v51;
	v42 =	vpop (erf)  }
0x251: {  	v32 =	vadd.f32 v32, v42;
	v42 =	vmul.f32 $1.442695020e+00, v38;
	v18 =	vmul.f32 $1.442695020e+00, v18  }
0x252: {  	v15 =	vadd.f32 v15, v36;
	v36 =	vsub.f32 v2, v19;
	(erf) = vpow2.f32 v37;
	v51 =	vpop (erf)  }
0x253: {  	v11 =	vadd.f32 v11, v51;
	(erf) = vpow2.f32 v18;
	v18 =	vmul.f32 $1.442695020e+00, v39  }
0x254: {  	v51 =	vpop (erf);
	v39 =	vmov v7;
	v7 =	vsub.f32 v7, v19;
	(erf) = vpow2.f32 v42  }
0x255: {  	v15 =	vadd.f32 v15, v35;
	v42 =	vpop (erf);
	(erf) = vpow2.f32 v18;
	v18 =	vsub.f32 v14, v19  }
0x256: {  	v32 =	vadd.f32 v32, v51;
	v11 =	vadd.f32 v11, v42;
	v35 =	vmul.f32 $1.442695020e+00, v7  }
0x257: {  	v42 =	vmov v2;
	v51 =	vpop (erf);
	v2 =	vsub.f32 v31, v19;
	v18 =	vmul.f32 $1.442695020e+00, v18  }
0x258: {  	v36 =	vmul.f32 $1.442695020e+00, v36;
	v7 =	vpop (erf);
	(erf) = vpow2.f32 v35  }
0x259: {  	v15 =	vadd.f32 v15, v34;
	(erf) = vpow2.f32 v18;
	v18 =	vmul.f32 $1.442695020e+00, v2  }
0x25a: {  	v32 =	vadd.f32 v32, v51;
	v51 =	vsub.f32 v10, v19;
	v38 =	vpop (erf);
	(erf) = vpow2.f32 v36  }
0x25b: {  	v15 =	vadd.f32 v15, v16;
	v2 =	vpop (erf);
	(erf) = vpow2.f32 v18;
	v18 =	vsub.f32 v12, v19  }
0x25c: {  	v11 =	vadd.f32 v11, v7;
	v16 =	vmul.f32 $1.442695020e+00, v51;
	v7 =	vsub.f32 v17, v19  }
0x25d: {  	v18 =	vmul.f32 $1.442695020e+00, v18  }
0x25e: {  	v51 =	vsub.f32 v5, v19;
	v36 =	vpop (erf);
	(erf) = vpow2.f32 v16;
	v16 =	vmul.f32 $1.442695020e+00, v7  }
0x25f: {  	v32 =	vadd.f32 v32, v38;
	v11 =	vadd.f32 v11, v2;
	v2 =	vpop (erf);
	(erf) = vpow2.f32 v18  }
0x260: {  	v38 =	vmovc v10;
	v10 =	vadd.f32 v15, v22;
	(erf) = vpow2.f32 v16;
	v16 =	vsub.f32 v23, v19  }
0x261: {  	v35 =	vld [tilespmem:$0x1FC80];
	v15 =	vmul.f32 $1.442695020e+00, v51;
	v32 =	vadd.f32 v32, v36  }
0x262: {  	v10 =	vadd.f32 v10, v29;
	v29 =	vsub.f32 v26, v19;
	v18 =	vpop (erf);
	v16 =	vmul.f32 $1.442695020e+00, v16  }
0x263: {  	v11 =	vadd.f32 v11, v2;
	v7 =	vpop (erf);
	(erf) = vpow2.f32 v15;
	v15 =	vsub.f32 v47, v19  }
0x264: {  	v51 =	vpop (erf);
	(erf) = vpow2.f32 v16;
	v16 =	vmul.f32 $1.442695020e+00, v29;
	v29 =	vsub.f32 v0, v19  }
0x265: {  	v2 =	vsub.f32 v4, v19;
	v18 =	vadd.f32 v32, v18;
	v15 =	vmul.f32 $1.442695020e+00, v15  }
0x266: {  	v40 =	vmov v14;
	v14 =	vmul.f32 v35, v62;
	v11 =	vadd.f32 v11, v7  }
0x267: {  	v18 =	vadd.f32 v18, v51;
	v7 =	vpop (erf);
	(erf) = vpow2.f32 v15;
	v15 =	vmul.f32 $1.442695020e+00, v2  }
0x268: {  	v62 =	vld [tilespmem:$0x1FAD0];
	(erf) = vpow2.f32 v16;
	v16 =	vmul.f32 $1.442695020e+00, v29;
	v29 =	vpop (erf)  }
0x269: {  	v10 =	vadd.f32 v10, v30;
	v18 =	vadd.f32 v18, v29  }
0x26a: {  	v51 =	vld [tilespmem:$0x1F690];
	v11 =	vadd.f32 v11, v7;
	(erf) = vpow2.f32 v15;
	v15 =	vsub.f32 v3, v19  }
0x26b: {  	v10 =	vadd.f32 v10, v28;
	v29 =	vpop (erf)  }
0x26c: {  	(erf) = vpow2.f32 v16;
	v11 =	vadd.f32 v11, v29;
	v15 =	vmul.f32 $1.442695020e+00, v15;
	v16 =	vpop (erf)  }
0x26d: {  	v10 =	vadd.f32 v10, v27;
	v16 =	vadd.f32 v18, v16;
	v18 =	vpop (erf)  }
0x26e: {  	v8 =	vadd.f32 v14, v8;
	v11 =	vadd.f32 v11, v18;
	v18 =	vpop (erf)  }
0x26f: {  	v10 =	vadd.f32 v10, v51;
	v51 =	vld [tilespmem:$0x1FB20];
	v16 =	vadd.f32 v16, v18;
	v14 =	vpop (erf)  }
0x270: {  	(erf) = vpow2.f32 v15;
	v11 =	vadd.f32 v11, v14;
	v14 =	vld.idx.msk [tilespmem:v62+s8+$0x0], $0xffff;
	v15 =	vpop (erf)  }
0x271: {  	v37 =	vmov v17;
	v15 =	vadd.f32 v16, v15;
	v17 =	vpop (erf)  }
0x272: {  	v11 =	vadd.f32 v11, v17;
	v18 =	vpop (erf)  }
0x273: {  	v15 =	vadd.f32 v15, v18;
	v18 =	vpop (erf)  }
0x274: {  	v32 =	vld [tilespmem:$0x1F6A0];
	v11 =	vadd.f32 v11, v18;
	v18 =	vpop (erf)  }
0x275: {  	v15 =	vadd.f32 v15, v18;
	v18 =	vadd.f32 v14, v51;
	v14 =	vmul.f32 v14, v55;
	v55 =	vld [tilespmem:$0x1FAC0]  }
0x276: {  	v34 =	vld [tilespmem:$0x1FAE0]  }
0x277: {  	v7 =	vmul.f32 v20, v45;
	v45 =	vld [tilespmem:$0x1F6B0];
	_ =	sdelay $0x1  }
0x278: {  	v35 =	vld [tilespmem:$0x1FB10]  }
0x279: {  	v10 =	vadd.f32 v10, v32;
	v32 =	vld [tilespmem:$0x1FB30]  }
0x27a: {  	v62 =	vld [tilespmem:$0x1F6C0]  }
0x27b: {  	v10 =	vadd.f32 v10, v45;
	v45 =	vld [tilespmem:$0x1FAA0]  }
0x27c: {  	v16 =	vadd.f32 v20, v21;
	v21 =	vld.idx.msk [tilespmem:v55+s8+$0x0], $0xffff  }
0x27d: {  	v28 =	vmov v0;
	v0 =	vadd.f32 v7, v13;
	v7 =	vld [tilespmem:$0x1FB00];
	v22 =	vpop (erf)  }
0x27e: {  	v17 =	vld.idx.msk [tilespmem:v34+s8+$0x0], $0xffff;
	v11 =	vadd.f32 v11, v22;
	v22 =	vpop (erf)  }
0x27f: {  	v34 =	vld [tilespmem:$0x1FC90];
	v10 =	vadd.f32 v10, v62;
	v15 =	vadd.f32 v15, v22  }
0x280: {  	v13 =	vld.idx.msk [tilespmem:v35+s8+$0x0], $0xffff  }
0x281: {  	v10 =	vadd.f32 v15, v10;
	v15 =	vadd.f32 v21, v18;
	v18 =	vmul.f32 v21, v60;
	v60 =	vld [tilespmem:$0x1FA80];
	_ =	sdelay $0x1  }
0x282: {  	v9 =	vadd.f32 v14, v9;
	v14 =	vld.idx.msk [tilespmem:v32+s8+$0x0], $0xffff  }
0x283: {  	v22 =	vadd.f32 v17, v34;
	v35 =	vmul.f32 v17, v63;
	v17 =	vld.idx.msk [tilespmem:v45+s8+$0x0], $0xffff  }
0x284: {  	v36 =	vmov v23;
	v20 =	vld.idx.msk [tilespmem:v7+s8+$0x0], $0xffff;
	v23 =	vpop (erf)  }
0x285: {  	v51 =	vmul.f32 v13, v56;
	v11 =	vadd.f32 v11, v23  }
0x286: {  	v16 =	vadd.f32 v13, v16;
	v55 =	vld [tilespmem:$0x1FAB0]  }
0x287: {  	v27 =	vmovc v3;
	v3 =	vadd.f32 v51, v0;
	v0 =	vadd.f32 v10, v11;
	v62 =	vmul.f32 v14, v24  }
0x288: {  	v11 =	vadd.f32 v14, v16;
	v14 =	vmul.f32 v17, v50;
	v9 =	vadd.f32 v18, v9;
	v10 =	vld.idx.msk [tilespmem:v60+s8+$0x0], $0xffff  }
0x289: {  	v56 =	vld [tilespmem:$0x1FB50];
	v2 =	vadd.f32 v35, v8;
	v8 =	vadd.f32 v20, v22  }
0x28a: {  	v34 =	vld [tilespmem:$0x1FB70];
	v20 =	vmul.f32 v20, v53;
	v32 =	vadd.f32 v14, v9;
	v14 =	vand.u32 $0x7FFFFF, v0  }
0x28b: {  	v63 =	vld [tilespmem:$0x1FA90];
	v15 =	vadd.f32 v17, v15;
	v14 =	vor.u32 $0x3F800000, v14  }
0x28c: {  	v2 =	vadd.f32 v20, v2;
	v17 =	vld [tilespmem:$0x1FA60];
	v20 =	vmul.f32 $5.000000000e-01, v14  }
0x28d: {  	v18 =	vmul.f32 v10, v43;
	v10 =	vadd.f32 v10, v15;
	v15 =	vld [tilespmem:$0x1FA70]  }
0x28e: {  	v13 =	vld.idx.msk [tilespmem:v55+s8+$0x0], $0xffff  }
0x28f: {  	vm1 =	vge.f32 v14, $1.414213540e+00  }
0x290: {  	v14 =	vsel vm1, v20, v14;
	v20 =	vmov v12;
	v12 =	vld [tilespmem:$0x1FA40]  }
0x291: {  	v21 =	vld.idx.msk [tilespmem:v56+s8+$0x0], $0xffff  }
0x292: {  	v9 =	vld.idx.msk [tilespmem:v34+s8+$0x0], $0xffff  }
0x293: {  	v16 =	vmul.f32 v13, v54;
	v8 =	vadd.f32 v13, v8;
	v13 =	vld.idx.msk [tilespmem:v63+s8+$0x0], $0xffff  }
0x294: {  	v17 =	vld.idx.msk [tilespmem:v17+s8+$0x0], $0xffff  }
0x295: {  	v15 =	vld.idx.msk [tilespmem:v15+s8+$0x0], $0xffff  }
0x296: {  	v45 =	vld [tilespmem:$0x1FA50]  }
0x297: {  	v11 =	vadd.f32 v21, v11;
	v43 =	vld [tilespmem:$0x1FB80]  }
0x298: {  	v2 =	vadd.f32 v16, v2;
	v8 =	vadd.f32 v13, v8;
	v16 =	vld.idx.msk [tilespmem:v12+s8+$0x0], $0xffff  }
0x299: {  	v12 =	vmul.f32 v9, v25;
	v9 =	vadd.f32 v9, v11;
	v11 =	vmul.f32 v17, v46;
	v46 =	vld [tilespmem:$0x1FBA0]  }
0x29a: {  	v8 =	vadd.f32 v15, v8;
	v15 =	vmul.f32 v15, v48;
	v48 =	vadd.f32 $-1.000000000e+00, v14;
	v14 =	vld [tilespmem:$0x1FA20];
	_ =	sdelay $0x1  }
0x29b: {  	v22 =	vmov v6;
	v50 =	vld [tilespmem:$0x1F6E0];
	v6 =	vadd.f32 v18, v32  }
0x29c: {  	v3 =	vadd.f32 v62, v3;
	v35 =	vmul.f32 v21, v61;
	v18 =	vld [tilespmem:$0x1FA00]  }
0x29d: {  	v6 =	vadd.f32 v11, v6;
	v11 =	vld [tilespmem:$0x1F6D0]  }
0x29e: {  	v3 =	vadd.f32 v35, v3;
	v10 =	vadd.f32 v17, v10;
	v17 =	vld.idx.msk [tilespmem:v45+s8+$0x0], $0xffff  }
0x29f: {  	v7 =	vld.idx.msk [tilespmem:v43+s8+$0x0], $0xffff  }
0x2a0: {  	v3 =	vadd.f32 v12, v3;
	v12 =	vld.idx.msk [tilespmem:v46+s8+$0x0], $0xffff  }
0x2a1: {  	v14 =	vld.idx.msk [tilespmem:v14+s8+$0x0], $0xffff  }
0x2a2: {  	v11 =	vmul.f32 v16, v11;
	_ =	sdelay $0x1  }
0x2a3: {  	v13 =	vmul.f32 v13, v59;
	v9 =	vadd.f32 v7, v9;
	v6 =	vadd.f32 v11, v6;
	v11 =	vld [tilespmem:$0x1FBE0]  }
0x2a4: {  	v51 =	vld [tilespmem:$0x1F7A0];
	v10 =	vadd.f32 v16, v10;
	v16 =	vmul.f32 v17, v1;
	v8 =	vadd.f32 v17, v8  }
0x2a5: {  	v18 =	vld.idx.msk [tilespmem:v18+s8+$0x0], $0xffff;
	v17 =	vmul.f32 v12, v41;
	v9 =	vadd.f32 v12, v9;
	v12 =	vmul.f32 v14, v50  }
0x2a6: {  	v13 =	vadd.f32 v13, v2;
	v7 =	vmul.f32 v7, v49;
	v49 =	vld [tilespmem:$0x1FA30]  }
0x2a7: {  	v6 =	vadd.f32 v12, v6;
	v12 =	vld [tilespmem:$0x1FC00]  }
0x2a8: {  	v13 =	vadd.f32 v15, v13;
	v10 =	vadd.f32 v14, v10;
	v14 =	vld [tilespmem:$0x1FA10]  }
0x2a9: {  	v15 =	vmul.f32 $7.037683580e-02, v48  }
0x2aa: {  	v3 =	vadd.f32 v7, v3;
	v13 =	vadd.f32 v16, v13;
	v16 =	vld [tilespmem:$0x1F9E0]  }
0x2ab: {  	v15 =	vadd.f32 $-1.151461010e-01, v15;
	v11 =	vld.idx.msk [tilespmem:v11+s8+$0x0], $0xffff  }
0x2ac: {  	v3 =	vadd.f32 v17, v3;
	v17 =	vmul.f32 v18, v51;
	v10 =	vadd.f32 v18, v10;
	v18 =	vld [tilespmem:$0x1F9F0];
	_ =	sdelay $0x1  }
0x2ad: {  	v15 =	vmul.f32 v15, v48;
	v7 =	vld.idx.msk [tilespmem:v49+s8+$0x0], $0xffff  }
0x2ae: {  	v12 =	vld.idx.msk [tilespmem:v12+s8+$0x0], $0xffff  }
0x2af: {  	v15 =	vadd.f32 $1.167699840e-01, v15;
	v14 =	vld.idx.msk [tilespmem:v14+s8+$0x0], $0xffff  }
0x2b0: {  	v53 =	vld [tilespmem:$0x1F7D0];
	v9 =	vadd.f32 v11, v9;
	v11 =	vmul.f32 v11, v58  }
0x2b1: {  	v15 =	vmul.f32 v15, v48;
	v16 =	vld.idx.msk [tilespmem:v16+s8+$0x0], $0xffff  }
0x2b2: {  	v8 =	vadd.f32 v7, v8;
	v7 =	vmul.f32 v7, v44;
	v3 =	vadd.f32 v11, v3;
	v11 =	vld [tilespmem:$0x1F9C0]  }
0x2b3: {  	v15 =	vadd.f32 $-1.242014100e-01, v15;
	v18 =	vld.idx.msk [tilespmem:v18+s8+$0x0], $0xffff;
	v9 =	vadd.f32 v12, v9;
	v12 =	vmul.f32 v12, v40  }
0x2b4: {  	v7 =	vadd.f32 v7, v13;
	v8 =	vadd.f32 v14, v8  }
0x2b5: {  	v14 =	vmul.f32 v14, v33;
	v3 =	vadd.f32 v12, v3;
	v12 =	vmul.f32 v15, v48;
	v15 =	vld [tilespmem:$0x1FC10]  }
0x2b6: {  	v54 =	vld [tilespmem:$0x1F800]  }
0x2b7: {  	v6 =	vadd.f32 v17, v6;
	v17 =	vld [tilespmem:$0x1F9D0];
	v7 =	vadd.f32 v14, v7;
	v14 =	vmul.f32 v16, v53  }
0x2b8: {  	v13 =	vld.idx.msk [tilespmem:v57+s8+$0x0], $0xffff;
	v10 =	vadd.f32 v16, v10;
	v16 =	vmul.f32 v18, v39  }
0x2b9: {  	v6 =	vadd.f32 v14, v6;
	v14 =	vld [tilespmem:$0x1F9A0]  }
0x2ba: {  	v7 =	vadd.f32 v16, v7;
	v16 =	vld [tilespmem:$0x1F9B0]  }
0x2bb: {  	v11 =	vld.idx.msk [tilespmem:v11+s8+$0x0], $0xffff;
	_ =	sdelay $0x1  }
0x2bc: {  	v15 =	vld.idx.msk [tilespmem:v15+s8+$0x0], $0xffff  }
0x2bd: {  	v55 =	vld.idx.msk [tilespmem:v52+s8+$0x0], $0xffff;
	v9 =	vadd.f32 v13, v9;
	v13 =	vmul.f32 v13, v31  }
0x2be: {  	v17 =	vld.idx.msk [tilespmem:v17+s8+$0x0], $0xffff  }
0x2bf: {  	v10 =	vadd.f32 v11, v10;
	v11 =	vmul.f32 v11, v54;
	v3 =	vadd.f32 v13, v3;
	v13 =	vld [tilespmem:$0x1F980]  }
0x2c0: {  	v14 =	vld.idx.msk [tilespmem:v14+s8+$0x0], $0xffff  }
0x2c1: {  	v6 =	vadd.f32 v11, v6;
	v16 =	vld.idx.msk [tilespmem:v16+s8+$0x0], $0xffff;
	v11 =	vmul.f32 v15, v20  }
0x2c2: {  	v9 =	vadd.f32 v15, v9;
	v15 =	vld [tilespmem:$0x1F840]  }
0x2c3: {  	v8 =	vadd.f32 v18, v8;
	v3 =	vadd.f32 v11, v3;
	v11 =	vld [tilespmem:$0x1FC30];
	_ =	sdelay $0x1  }
0x2c4: {  	v8 =	vadd.f32 v17, v8  }
0x2c5: {  	v10 =	vadd.f32 v14, v10;
	v1 =	vadd.f32 v55, v9;
	v9 =	vld [tilespmem:$0x1F960]  }
0x2c6: {  	v8 =	vadd.f32 v16, v8;
	v14 =	vmul.f32 v14, v15;
	v15 =	vmul.f32 v16, v38;
	v16 =	vld [tilespmem:$0x1F990];
	_ =	sdelay $0x1  }
0x2c7: {  	v17 =	vmul.f32 v17, v42;
	v12 =	vadd.f32 $1.424932330e-01, v12  }
0x2c8: {  	v13 =	vld.idx.msk [tilespmem:v13+s8+$0x0], $0xffff  }
0x2c9: {  	v7 =	vadd.f32 v17, v7;
	v12 =	vmul.f32 v12, v48;
	v11 =	vld.idx.msk [tilespmem:v11+s8+$0x0], $0xffff  }
0x2ca: {  	v6 =	vadd.f32 v14, v6;
	v14 =	vld [tilespmem:$0x1F870]  }
0x2cb: {  	v12 =	vadd.f32 $-1.666805740e-01, v12;
	v7 =	vadd.f32 v15, v7;
	v15 =	vld [tilespmem:$0x1F880]  }
0x2cc: {  	v9 =	vld.idx.msk [tilespmem:v9+s8+$0x0], $0xffff  }
0x2cd: {  	v12 =	vmul.f32 v12, v48;
	v16 =	vld.idx.msk [tilespmem:v16+s8+$0x0], $0xffff  }
0x2ce: {  	v57 =	vmul.f32 v11, v47;
	v1 =	vadd.f32 v11, v1;
	v11 =	vld [tilespmem:$0x1F970]  }
0x2cf: {  	v12 =	vadd.f32 $2.000071410e-01, v12  }
0x2d0: {  	v10 =	vadd.f32 v13, v10;
	v13 =	vmul.f32 v13, v14  }
0x2d1: {  	v59 =	vld [tilespmem:$0x1F920];
	v12 =	vmul.f32 v12, v48  }
0x2d2: {  	v60 =	vld [tilespmem:$0x1FCA0];
	v6 =	vadd.f32 v13, v6;
	v15 =	vmul.f32 v9, v15  }
0x2d3: {  	v12 =	vadd.f32 $-2.499999400e-01, v12;
	v9 =	vadd.f32 v9, v10;
	v10 =	vld [tilespmem:$0x1F940];
	v13 =	vmul.f32 v16, v37  }
0x2d4: {  	v0 =	vshra.s32 v0, $0x17;
	v14 =	vimm.s32 $0x0;
	v6 =	vadd.f32 v15, v6;
	v15 =	vld [tilespmem:$0x1F930]  }
0x2d5: {  	v12 =	vmul.f32 v12, v48;
	v14 =	vsel vm1, $0x1, v14;
	v7 =	vadd.f32 v13, v7;
	v13 =	vld [tilespmem:$0x1F950]  }
0x2d6: {  	v0 =	vadd.s32 v14, v0;
	v14 =	vmul.f32 v48, v48;
	v11 =	vld.idx.msk [tilespmem:v11+s8+$0x0], $0xffff  }
0x2d7: {  	v12 =	vadd.f32 $3.333333130e-01, v12  }
0x2d8: {  	v0 =	vadd.s32 $0xFFFFFF81, v0;
	v8 =	vadd.f32 v16, v8;
	v16 =	vmul.f32 v14, v48  }
0x2d9: {  	v56 =	vmul.f32 v55, v5;
	v5 =	vld.idx.msk [tilespmem:v59+s8+$0x0], $0xffff;
	v0 =	vcvt.s32.f32 v0  }
0x2da: {  	v58 =	vmul.f32 v22, v4;
	v4 =	vld.idx.msk [tilespmem:v60+s8+$0x0], $0xffff;
	v12 =	vmul.f32 v12, v16  }
0x2db: {  	v17 =	vld [tilespmem:$0x1FC40];
	v16 =	vmul.f32 $-2.121944420e-04, v0;
	v8 =	vadd.f32 v11, v8;
	v11 =	vmul.f32 v11, v36  }
0x2dc: {  	v3 =	vadd.f32 v56, v3;
	v10 =	vld.idx.msk [tilespmem:v10+s8+$0x0], $0xffff  }
0x2dd: {  	v13 =	vld.idx.msk [tilespmem:v13+s8+$0x0], $0xffff;
	v7 =	vadd.f32 v11, v7;
	v11 =	vadd.f32 v16, v12;
	v12 =	vmul.f32 $5.000000000e-01, v14  }
0x2de: {  	v15 =	vld.idx.msk [tilespmem:v15+s8+$0x0], $0xffff  }
0x2df: {  	v3 =	vadd.f32 v57, v3;
	v11 =	vsub.f32 v11, v12;
	v12 =	vld [tilespmem:$0x1FC50]  }
0x2e0: {  	v1 =	vadd.f32 v22, v1  }
0x2e1: {  	v3 =	vadd.f32 v58, v3;
	v9 =	vadd.f32 v10, v9;
	v10 =	vmul.f32 v10, v17  }
0x2e2: {  	v1 =	vadd.f32 v4, v1;
	v8 =	vadd.f32 v13, v8  }
0x2e3: {  	v0 =	vmul.f32 $6.933593750e-01, v0;
	v6 =	vadd.f32 v10, v6;
	v10 =	vmul.f32 v13, v26  }
0x2e4: {  	v2 =	vadd.f32 v11, v48;
	v8 =	vadd.f32 v15, v8;
	v12 =	vmul.f32 v5, v12  }
0x2e5: {  	v7 =	vadd.f32 v10, v7;
	v5 =	vadd.f32 v5, v9;
	v9 =	vmul.f32 v15, v28  }
0x2e6: {  	v4 =	vmul.f32 v4, v27;
	v0 =	vadd.f32 v2, v0;
	v6 =	vadd.f32 v12, v6  }
0x2e7: {  	v5 =	vadd.f32 v8, v5;
	v7 =	vadd.f32 v9, v7  }
0x2e8: {  	v61 =	vadd.f32 v4, v3;
	v0 =	vadd.f32 v0, v19  }
0x2e9: {  	v1 =	vadd.f32 v1, v5;
	v62 =	vadd.f32 v7, v6  }
0x2ea: {  	v63 =	vld [tilespmem:$0x1FC70]  }
0x2eb: {  	v2 =	vadd.f32 v61, v62;
	v0 =	vmul.f32 v1, v0;
	_ =	sdelay $0x1  }
0x2ec: {  	v0 =	vsub.f32 v0, v2;
	_ =	sdelay $0x1  }
0x2ed: {  	v0 =	vadd.f32 v0, v63;
	_ =	sdelay $0x1  }
0x2ee: {  	[tilespmem:$0xB000] =	vst v0  }
0x2ef: {  	[hbm4b:s5+s2] =	stream.linear.scatter [tilespmem:s9], [sflag:$0x1], $0x80, $0x38;
	[tilespmem:$0xB080] =	vst v63  }
0x2f0: {  	_ =	swait.ge [sflag:s7], $0x80  }
0x2f1: {  	v13 =	vld [tilespmem:$0x1FED0]  }
0x2f2: {  	v29 =	vld [tilespmem:$0x1FFE0]  }
0x2f3: {  	v45 =	vld [tilespmem:$0x1FFD0]  }
0x2f4: {  	v43 =	vld [tilespmem:$0x1FFF0]  }
0x2f5: {  	v20 =	vld [tilespmem:$0x1FE60]  }
0x2f6: {  	v21 =	vld [tilespmem:$0x1FEC0]  }
0x2f7: {  	v22 =	vld [tilespmem:$0x1FE70]  }
0x2f8: {  	v23 =	vld [tilespmem:$0x1FF00]  }
0x2f9: {  	v24 =	vld [tilespmem:$0x1FF10]  }
0x2fa: {  	v25 =	vld [tilespmem:$0x1FE80]  }
0x2fb: {  	v26 =	vld [tilespmem:$0x1FE90]  }
0x2fc: {  	v9 =	vld [tilespmem:$0x1FE50]  }
0x2fd: {  	v11 =	vld [tilespmem:$0x1FFC0]  }
0x2fe: {  	v18 =	vld [tilespmem:$0x1FE30]  }
0x2ff: {  	v12 =	vld [tilespmem:$0x1FE20]  }
0x300: {  	v19 =	vld [tilespmem:$0x1FE40]  }
0x301: {  	v27 =	vld [tilespmem:$0x1FF80]  }
0x302: {  	v28 =	vld [tilespmem:$0x1FF90]  }
0x303: {  	v50 =	vld [tilespmem:$0x1FFA0]  }
0x304: {  	v30 =	vld [tilespmem:$0x1FFB0]  }
0x305: {  	v31 =	vld [tilespmem:$0x1FEE0]  }
0x306: {  	v53 =	vld [tilespmem:$0x1FEF0]  }
0x307: {  	v63 =	vld [tilespmem:$0x1FF50]  }
0x308: {  	s10 =	sadd.s32 $0x1, s10;
	v59 =	vld [tilespmem:$0x1FF60]  }
0x309: {  	p0 =	sne.s32 s10, s6;
	v35 =	vld [tilespmem:$0x1FF70]  }
.Ltmp1:
0x30a: {  	v15 =	vld [tilespmem:$0x1FEB0];
	(pc) =	sbr.rel @p0 .LBB2_1-.Ltmp1, $4  }
0x30b: {  	v48 =	vld [tilespmem:$0x1FF20]  }
0x30c: {  	v17 =	vld [tilespmem:$0x1FF40]  }
0x30d: {  	[sflag:s7] =	ssyncset.done $0x0;
	v34 =	vld [tilespmem:$0x1FF30]  }
0x30e: {  	v42 =	vld [tilespmem:$0x1FEA0];
	[sflag:s7] =	ssyncadd.s32 $0xFFFFFF80  }
0x30f: {  	_ =	sfence.sel $0x180000  }
0x310: {  	[bflag:$0x0] =	sbarrier.arrive $0xFFFF  }
0x311: {  	p0 =	sne.s32 s0, $0x0;
	_ =	strace $0x90000047  }
0x312: {  	s0 =	sadd.s32 @!p0 $0x100000, s1;
	[bflag:$0x2] =	sbarrier.arrive $0xFFFF  }
0x313: {  	[sflag:s0] =	ssyncadd.tile.s32 @!p0 $0x1;
	_ =	shalt  }
.Lfunc_end2:
_tile_overlayer_lowered:
.L_overlay_start_2:
0x314: {  	(tag) =	ssettag $0x2  }
0x315: {  	s0 =	rddreg [dreg:$0x0];
	s2 =	stileid.u32  }
0x316: {  	s1 =	rddreg [dreg:$0x1];
	p0 =	sne.s32 s2, $0x0  }
0x317: {  	s3 =	rddreg [dreg:$0x2];
	[bflag:$0x3] =	sbarrier.arrive $0xFFFF;
	s2 =	simm.s32 @!p0 $0x1C01  }
0x318: {  	[timem:s3], [sflag:s2] =	dma.local @!p0 [hbm:s0], s1  }
0x319: {  	s0 =	simm.s32 @!p0 $0x1  }
0x31a: {  	_ =	swait.ge @!p0 [sflag:s0], s1  }
0x31b: {  	s1 =	ssub.s32 @!p0 $0x0, s1;
	[sflag:s0] =	ssyncset.done @!p0 $0x0  }
0x31c: {  	[sflag:s0] =	ssyncadd.s32 @!p0 s1  }
0x31d: {  	[bflag:$0x3] =	sbarrier.arrive $0xFFFF  }
0x31e: {  	_ =	shalt  }

</sc_bundles>
